<compile_context>
chip_gen: v7x
topology: tpu7x:2x2x1
jax: 0.10.2.dev20260603
libtpu: 0.0.44.dev20260713+nightly
codegen_flags: <defaults>
</compile_context>

<pallas_src>
import functools

import jax
import jax.numpy as jnp
from jax import lax
from jax.experimental import pallas as pl
from jax.experimental.pallas import tpu as pltpu, tpu_sc as plsc

K = 26
VOCAB = 100000
D = 32
B = 16384

NC = 2
NS = 16
L = 16
NW = NC * NS
ROWS_PER_W = B // NW
BB = 64
NBLK = ROWS_PER_W // BB
IDX_PER_BLK = BB * K
MCH = IDX_PER_BLK // 128


def _emb_kernel(x_hbm, offs_hbm, table_hbm, out_hbm,
                xblk_v, offs_v, idx_v, rows_v, acc_v, sem):
    wid = lax.axis_index("s") * NC + lax.axis_index("c")
    base = wid * ROWS_PER_W

    pltpu.sync_copy(offs_hbm, offs_v)

    def block_body(blk, carry):
        row0 = base + blk * BB

        pltpu.sync_copy(x_hbm.at[pl.ds(row0 * K, IDX_PER_BLK)], xblk_v)

        for m in range(MCH):
            for j in range(128 // L):
                sl = pl.ds(j * L, L)
                idx_v[m, sl] = xblk_v[pl.ds((m * 8 + j) * L, L)] + offs_v[m, sl]

        copies = []
        for m in range(MCH):
            copies.append(
                pltpu.async_copy(
                    table_hbm.at[idx_v.at[m]],
                    rows_v.at[pl.ds(m * 128, 128)],
                    sem,
                )
            )
        for c in copies:
            c.wait()

        def reduce_body(b, carry2):
            p0 = b * K
            acc0 = rows_v[p0, pl.ds(0, L)]
            acc1 = rows_v[p0, pl.ds(L, L)]
            for k in range(1, K):
                acc0 = acc0 + rows_v[p0 + k, pl.ds(0, L)]
                acc1 = acc1 + rows_v[p0 + k, pl.ds(L, L)]
            acc_v[b, pl.ds(0, L)] = acc0
            acc_v[b, pl.ds(L, L)] = acc1
            return carry2

        lax.fori_loop(0, BB, reduce_body, 0)

        pltpu.sync_copy(acc_v, out_hbm.at[pl.ds(row0, BB)])
        return carry

    lax.fori_loop(0, NBLK, block_body, 0)


def kernel(x, tables):
    x_flat = x.reshape(B * K)
    table_flat = tables.reshape(K * VOCAB, D)
    offs = jnp.tile(jnp.arange(K, dtype=jnp.int32) * VOCAB, BB).reshape(MCH, 128)

    mesh = plsc.VectorSubcoreMesh(core_axis_name="c", subcore_axis_name="s")
    f = functools.partial(
        pl.kernel,
        mesh=mesh,
        out_type=jax.ShapeDtypeStruct((B, D), jnp.float32),
        scratch_types=[
            pltpu.VMEM((IDX_PER_BLK,), jnp.int32),
            pltpu.VMEM((MCH, 128), jnp.int32),
            pltpu.VMEM((MCH, 128), jnp.int32),
            pltpu.VMEM((IDX_PER_BLK, D), jnp.float32),
            pltpu.VMEM((BB, D), jnp.float32),
            pltpu.SemaphoreType.DMA,
        ],
        compiler_params=pltpu.CompilerParams(use_tc_tiling_on_sc=False),
    )(_emb_kernel)
    return f(x_flat, offs, table_flat)

# --- scband reference (transcript-rebuilt; emitter-appended) ---
"""Pipeline reference for scband-multi-embedding-75634374082609 (READ-ONLY COPY).

The authoritative reference and input builder live on the scoring server;
editing this copy changes nothing except your own understanding.
"""

import jax, jax.numpy as jnp
import numpy as np

K = 26
VOCAB = 100000
D = 32
B = 16384


def setup_inputs(seed: int = 0) -> dict:
    key = jax.random.key(seed)
    kx, kt = jax.random.split(key)
    x = jax.random.randint(kx, (B, K), 0, VOCAB, dtype=jnp.int32)
    # K separate embedding tables, all of the same vocab size, stacked.
    tables = jax.random.normal(kt, (K, VOCAB, D), dtype=jnp.float32)
    return {"x": x, "tables": tables}


def reference(x, tables):
    # Equivalent to: sum_k embeddings[k](x[:, k])
    # Gather each column's indices from its own table, then sum over columns.
    k_idx = jnp.arange(tables.shape[0])[None, :]  # [1, K]
    emb = tables[k_idx, x]  # [B, K, D]
    return jnp.sum(emb, axis=1)  # [B, D]

if __name__ == "__main__":
    import jax
    _d = setup_inputs()
    print(jax.jit(kernel)(*tuple(_d.values())))

</pallas_src>

<mosaic_0001>
#map = affine_map<(d0, d1) -> (0)>
#map1 = affine_map<(d0, d1) -> (0, 0)>
module attributes {stable_mosaic.version = 14 : i64} {
  func.func @_emb_kernel(%arg0: i32, %arg1: i32, %arg2: memref<425984xi32, #tpu.memory_space<hbm>>, %arg3: memref<13x128xi32, #tpu.memory_space<hbm>>, %arg4: memref<2600000x32xf32, #tpu.memory_space<hbm>>, %arg5: memref<16384x32xf32, #tpu.memory_space<hbm>>, %arg6: memref<1664xi32, #tpu.memory_space<vmem>>, %arg7: memref<13x128xi32, #tpu.memory_space<vmem>>, %arg8: memref<13x128xi32, #tpu.memory_space<vmem>>, %arg9: memref<1664x32xf32, #tpu.memory_space<vmem>>, %arg10: memref<64x32xf32, #tpu.memory_space<vmem>>, %arg11: memref<!tpu.dma_semaphore, #tpu.memory_space<semaphore_mem>>) attributes {dimension_semantics = [#tpu.dimension_semantics<core_parallel>, #tpu.dimension_semantics<subcore_parallel>], iteration_bounds = array<i64: 2, 16>, scalar_prefetch = 0 : i64, scratch_operands = 6 : i64, tpu.core_type = #tpu.core_type<sc_vector_subcore>, window_params = [{transform_indices = #map}, {transform_indices = #map1}, {transform_indices = #map1}, {transform_indices = #map1}]} {
    %mul3A = arith.constant 2 : i32
    %mul3A_0 = arith.muli %arg1, %mul3A : i32
    %add3A = arith.addi %mul3A_0, %arg0 : i32
    %mul3A_1 = arith.constant 512 : i32
    %mul3A_2 = arith.muli %add3A, %mul3A_1 : i32
    "tpu.region"() ({
      %run_scoped3A = tpu.sem_alloc : memref<!tpu.dma_semaphore, #tpu.memory_space<semaphore_mem>>
      tpu.enqueue_dma source(%arg3 : memref<13x128xi32, #tpu.memory_space<hbm>>) target(%arg7 : memref<13x128xi32, #tpu.memory_space<vmem>>) target_semaphore(%run_scoped3A : memref<!tpu.dma_semaphore, #tpu.memory_space<semaphore_mem>>)
      tpu.wait_dma2 semaphore(%run_scoped3A : memref<!tpu.dma_semaphore, #tpu.memory_space<semaphore_mem>>) src(%arg3 : memref<13x128xi32, #tpu.memory_space<hbm>>) dst(%arg7 : memref<13x128xi32, #tpu.memory_space<vmem>>)
      tpu.yield
    }) : () -> ()
    %scan3A = arith.constant 0 : i32
    %scan3A_3 = arith.constant 0 : i32
    %scan3A_4 = arith.constant 8 : i32
    %scan3A_5 = arith.addi %scan3A_3, %scan3A_4 : i32
    %scan3A_6 = arith.constant 1 : i32
    scf.for %scan3A_8 = %scan3A_3 to %scan3A_5 step %scan3A_6  : i32 {
      %mul3A_9 = arith.constant 64 : i32
      %mul3A_10 = arith.muli %scan3A_8, %mul3A_9 : i32
      %add3A_11 = arith.addi %mul3A_2, %mul3A_10 : i32
      %mul3A_12 = arith.constant 26 : i32
      %mul3A_13 = arith.muli %add3A_11, %mul3A_12 : i32
      "tpu.region"() ({
        %run_scoped3A = tpu.sem_alloc : memref<!tpu.dma_semaphore, #tpu.memory_space<semaphore_mem>>
        %dma_start3A_1836 = tpu.memref_slice %arg2[%mul3A_13] : memref<425984xi32, #tpu.memory_space<hbm>> -> memref<1664xi32, #tpu.memory_space<hbm>>
        %dma_start3A_1837 = tpu.memref_slice %arg2[%mul3A_13] : memref<425984xi32, #tpu.memory_space<hbm>> -> memref<1664xi32, #tpu.memory_space<hbm>>
        tpu.enqueue_dma source(%dma_start3A_1837 : memref<1664xi32, #tpu.memory_space<hbm>>) target(%arg6 : memref<1664xi32, #tpu.memory_space<vmem>>) target_semaphore(%run_scoped3A : memref<!tpu.dma_semaphore, #tpu.memory_space<semaphore_mem>>)
        %dma_wait3A_1838 = tpu.memref_slice %arg2[%mul3A_13] : memref<425984xi32, #tpu.memory_space<hbm>> -> memref<1664xi32, #tpu.memory_space<hbm>>
        %dma_wait3A_1839 = tpu.memref_slice %arg2[%mul3A_13] : memref<425984xi32, #tpu.memory_space<hbm>> -> memref<1664xi32, #tpu.memory_space<hbm>>
        tpu.wait_dma2 semaphore(%run_scoped3A : memref<!tpu.dma_semaphore, #tpu.memory_space<semaphore_mem>>) src(%dma_wait3A_1839 : memref<1664xi32, #tpu.memory_space<hbm>>) dst(%arg6 : memref<1664xi32, #tpu.memory_space<vmem>>)
        tpu.yield
      }) : () -> ()
      %get3A = arith.constant 0 : index
      %get3A_14 = tpu.vector_load %arg6[%get3A] {strides = array<i32>} : memref<1664xi32, #tpu.memory_space<vmem>>, vector<16xi32>,
      %get3A_15 = vector.shape_cast %get3A_14 : vector<16xi32> to vector<16xi32>
      %get3A_16 = arith.constant 0 : i32
      %get3A_17 = arith.index_cast %get3A_16 : i32 to index
      %get3A_18 = arith.constant 0 : index
      %get3A_19 = tpu.vector_load %arg7[%get3A_17, %get3A_18] {strides = array<i32>} : memref<13x128xi32, #tpu.memory_space<vmem>>, vector<1x16xi32>,
      %get3A_20 = vector.shape_cast %get3A_19 : vector<1x16xi32> to vector<16xi32>
      %add3A_21 = arith.addi %get3A_15, %get3A_20 : vector<16xi32>
      %swap3A = arith.constant 0 : i32
      %swap3A_22 = arith.index_cast %swap3A : i32 to index
      %swap3A_23 = arith.constant 0 : index
      %swap3A_24 = tpu.vector_load %arg8[%swap3A_22, %swap3A_23] {strides = array<i32>} : memref<13x128xi32, #tpu.memory_space<vmem>>, vector<1x16xi32>,
      %swap3A_25 = vector.shape_cast %swap3A_24 : vector<1x16xi32> to vector<16xi32>
      %swap3A_26 = vector.shape_cast %add3A_21 : vector<16xi32> to vector<1x16xi32>
      tpu.vector_store %arg8[%swap3A_22, %swap3A_23], %swap3A_26 {strides = array<i32>} : memref<13x128xi32, #tpu.memory_space<vmem>>, vector<1x16xi32>,
      %get3A_27 = arith.constant 16 : index
      %get3A_28 = tpu.vector_load %arg6[%get3A_27] {strides = array<i32>} : memref<1664xi32, #tpu.memory_space<vmem>>, vector<16xi32>,
      %get3A_29 = vector.shape_cast %get3A_28 : vector<16xi32> to vector<16xi32>
      %get3A_30 = arith.constant 0 : i32
      %get3A_31 = arith.index_cast %get3A_30 : i32 to index
      %get3A_32 = arith.constant 16 : index
      %get3A_33 = tpu.vector_load %arg7[%get3A_31, %get3A_32] {strides = array<i32>} : memref<13x128xi32, #tpu.memory_space<vmem>>, vector<1x16xi32>,
      %get3A_34 = vector.shape_cast %get3A_33 : vector<1x16xi32> to vector<16xi32>
      %add3A_35 = arith.addi %get3A_29, %get3A_34 : vector<16xi32>
      %swap3A_36 = arith.constant 0 : i32
      %swap3A_37 = arith.index_cast %swap3A_36 : i32 to index
      %swap3A_38 = arith.constant 16 : index
      %swap3A_39 = tpu.vector_load %arg8[%swap3A_37, %swap3A_38] {strides = array<i32>} : memref<13x128xi32, #tpu.memory_space<vmem>>, vector<1x16xi32>,
      %swap3A_40 = vector.shape_cast %swap3A_39 : vector<1x16xi32> to vector<16xi32>
      %swap3A_41 = vector.shape_cast %add3A_35 : vector<16xi32> to vector<1x16xi32>
      tpu.vector_store %arg8[%swap3A_37, %swap3A_38], %swap3A_41 {strides = array<i32>} : memref<13x128xi32, #tpu.memory_space<vmem>>, vector<1x16xi32>,
      %get3A_42 = arith.constant 32 : index
      %get3A_43 = tpu.vector_load %arg6[%get3A_42] {strides = array<i32>} : memref<1664xi32, #tpu.memory_space<vmem>>, vector<16xi32>,
      %get3A_44 = vector.shape_cast %get3A_43 : vector<16xi32> to vector<16xi32>
      %get3A_45 = arith.constant 0 : i32
      %get3A_46 = arith.index_cast %get3A_45 : i32 to index
      %get3A_47 = arith.constant 32 : index
      %get3A_48 = tpu.vector_load %arg7[%get3A_46, %get3A_47] {strides = array<i32>} : memref<13x128xi32, #tpu.memory_space<vmem>>, vector<1x16xi32>,
      %get3A_49 = vector.shape_cast %get3A_48 : vector<1x16xi32> to vector<16xi32>
      %add3A_50 = arith.addi %get3A_44, %get3A_49 : vector<16xi32>
      %swap3A_51 = arith.constant 0 : i32
      %swap3A_52 = arith.index_cast %swap3A_51 : i32 to index
      %swap3A_53 = arith.constant 32 : index
      %swap3A_54 = tpu.vector_load %arg8[%swap3A_52, %swap3A_53] {strides = array<i32>} : memref<13x128xi32, #tpu.memory_space<vmem>>, vector<1x16xi32>,
      %swap3A_55 = vector.shape_cast %swap3A_54 : vector<1x16xi32> to vector<16xi32>
      %swap3A_56 = vector.shape_cast %add3A_50 : vector<16xi32> to vector<1x16xi32>
      tpu.vector_store %arg8[%swap3A_52, %swap3A_53], %swap3A_56 {strides = array<i32>} : memref<13x128xi32, #tpu.memory_space<vmem>>, vector<1x16xi32>,
      %get3A_57 = arith.constant 48 : index
      %get3A_58 = tpu.vector_load %arg6[%get3A_57] {strides = array<i32>} : memref<1664xi32, #tpu.memory_space<vmem>>, vector<16xi32>,
      %get3A_59 = vector.shape_cast %get3A_58 : vector<16xi32> to vector<16xi32>
      %get3A_60 = arith.constant 0 : i32
      %get3A_61 = arith.index_cast %get3A_60 : i32 to index
      %get3A_62 = arith.constant 48 : index
      %get3A_63 = tpu.vector_load %arg7[%get3A_61, %get3A_62] {strides = array<i32>} : memref<13x128xi32, #tpu.memory_space<vmem>>, vector<1x16xi32>,
      %get3A_64 = vector.shape_cast %get3A_63 : vector<1x16xi32> to vector<16xi32>
      %add3A_65 = arith.addi %get3A_59, %get3A_64 : vector<16xi32>
      %swap3A_66 = arith.constant 0 : i32
      %swap3A_67 = arith.index_cast %swap3A_66 : i32 to index
      %swap3A_68 = arith.constant 48 : index
      %swap3A_69 = tpu.vector_load %arg8[%swap3A_67, %swap3A_68] {strides = array<i32>} : memref<13x128xi32, #tpu.memory_space<vmem>>, vector<1x16xi32>,
      %swap3A_70 = vector.shape_cast %swap3A_69 : vector<1x16xi32> to vector<16xi32>
      %swap3A_71 = vector.shape_cast %add3A_65 : vector<16xi32> to vector<1x16xi32>
      tpu.vector_store %arg8[%swap3A_67, %swap3A_68], %swap3A_71 {strides = array<i32>} : memref<13x128xi32, #tpu.memory_space<vmem>>, vector<1x16xi32>,
      %get3A_72 = arith.constant 64 : index
      %get3A_73 = tpu.vector_load %arg6[%get3A_72] {strides = array<i32>} : memref<1664xi32, #tpu.memory_space<vmem>>, vector<16xi32>,
      %get3A_74 = vector.shape_cast %get3A_73 : vector<16xi32> to vector<16xi32>
      %get3A_75 = arith.constant 0 : i32
      %get3A_76 = arith.index_cast %get3A_75 : i32 to index
      %get3A_77 = arith.constant 64 : index
      %get3A_78 = tpu.vector_load %arg7[%get3A_76, %get3A_77] {strides = array<i32>} : memref<13x128xi32, #tpu.memory_space<vmem>>, vector<1x16xi32>,
      %get3A_79 = vector.shape_cast %get3A_78 : vector<1x16xi32> to vector<16xi32>
      %add3A_80 = arith.addi %get3A_74, %get3A_79 : vector<16xi32>
      %swap3A_81 = arith.constant 0 : i32
      %swap3A_82 = arith.index_cast %swap3A_81 : i32 to index
      %swap3A_83 = arith.constant 64 : index
      %swap3A_84 = tpu.vector_load %arg8[%swap3A_82, %swap3A_83] {strides = array<i32>} : memref<13x128xi32, #tpu.memory_space<vmem>>, vector<1x16xi32>,
      %swap3A_85 = vector.shape_cast %swap3A_84 : vector<1x16xi32> to vector<16xi32>
      %swap3A_86 = vector.shape_cast %add3A_80 : vector<16xi32> to vector<1x16xi32>
      tpu.vector_store %arg8[%swap3A_82, %swap3A_83], %swap3A_86 {strides = array<i32>} : memref<13x128xi32, #tpu.memory_space<vmem>>, vector<1x16xi32>,
      %get3A_87 = arith.constant 80 : index
      %get3A_88 = tpu.vector_load %arg6[%get3A_87] {strides = array<i32>} : memref<1664xi32, #tpu.memory_space<vmem>>, vector<16xi32>,
      %get3A_89 = vector.shape_cast %get3A_88 : vector<16xi32> to vector<16xi32>
      %get3A_90 = arith.constant 0 : i32
      %get3A_91 = arith.index_cast %get3A_90 : i32 to index
      %get3A_92 = arith.constant 80 : index
      %get3A_93 = tpu.vector_load %arg7[%get3A_91, %get3A_92] {strides = array<i32>} : memref<13x128xi32, #tpu.memory_space<vmem>>, vector<1x16xi32>,
      %get3A_94 = vector.shape_cast %get3A_93 : vector<1x16xi32> to vector<16xi32>
      %add3A_95 = arith.addi %get3A_89, %get3A_94 : vector<16xi32>
      %swap3A_96 = arith.constant 0 : i32
      %swap3A_97 = arith.index_cast %swap3A_96 : i32 to index
      %swap3A_98 = arith.constant 80 : index
      %swap3A_99 = tpu.vector_load %arg8[%swap3A_97, %swap3A_98] {strides = array<i32>} : memref<13x128xi32, #tpu.memory_space<vmem>>, vector<1x16xi32>,
      %swap3A_100 = vector.shape_cast %swap3A_99 : vector<1x16xi32> to vector<16xi32>
      %swap3A_101 = vector.shape_cast %add3A_95 : vector<16xi32> to vector<1x16xi32>
      tpu.vector_store %arg8[%swap3A_97, %swap3A_98], %swap3A_101 {strides = array<i32>} : memref<13x128xi32, #tpu.memory_space<vmem>>, vector<1x16xi32>,
      %get3A_102 = arith.constant 96 : index
      %get3A_103 = tpu.vector_load %arg6[%get3A_102] {strides = array<i32>} : memref<1664xi32, #tpu.memory_space<vmem>>, vector<16xi32>,
      %get3A_104 = vector.shape_cast %get3A_103 : vector<16xi32> to vector<16xi32>
      %get3A_105 = arith.constant 0 : i32
      %get3A_106 = arith.index_cast %get3A_105 : i32 to index
      %get3A_107 = arith.constant 96 : index
      %get3A_108 = tpu.vector_load %arg7[%get3A_106, %get3A_107] {strides = array<i32>} : memref<13x128xi32, #tpu.memory_space<vmem>>, vector<1x16xi32>,
      %get3A_109 = vector.shape_cast %get3A_108 : vector<1x16xi32> to vector<16xi32>
      %add3A_110 = arith.addi %get3A_104, %get3A_109 : vector<16xi32>
      %swap3A_111 = arith.constant 0 : i32
      %swap3A_112 = arith.index_cast %swap3A_111 : i32 to index
      %swap3A_113 = arith.constant 96 : index
      %swap3A_114 = tpu.vector_load %arg8[%swap3A_112, %swap3A_113] {strides = array<i32>} : memref<13x128xi32, #tpu.memory_space<vmem>>, vector<1x16xi32>,
      %swap3A_115 = vector.shape_cast %swap3A_114 : vector<1x16xi32> to vector<16xi32>
      %swap3A_116 = vector.shape_cast %add3A_110 : vector<16xi32> to vector<1x16xi32>
      tpu.vector_store %arg8[%swap3A_112, %swap3A_113], %swap3A_116 {strides = array<i32>} : memref<13x128xi32, #tpu.memory_space<vmem>>, vector<1x16xi32>,
      %get3A_117 = arith.constant 112 : index
      %get3A_118 = tpu.vector_load %arg6[%get3A_117] {strides = array<i32>} : memref<1664xi32, #tpu.memory_space<vmem>>, vector<16xi32>,
      %get3A_119 = vector.shape_cast %get3A_118 : vector<16xi32> to vector<16xi32>
      %get3A_120 = arith.constant 0 : i32
      %get3A_121 = arith.index_cast %get3A_120 : i32 to index
      %get3A_122 = arith.constant 112 : index
      %get3A_123 = tpu.vector_load %arg7[%get3A_121, %get3A_122] {strides = array<i32>} : memref<13x128xi32, #tpu.memory_space<vmem>>, vector<1x16xi32>,
      %get3A_124 = vector.shape_cast %get3A_123 : vector<1x16xi32> to vector<16xi32>
      %add3A_125 = arith.addi %get3A_119, %get3A_124 : vector<16xi32>
      %swap3A_126 = arith.constant 0 : i32
      %swap3A_127 = arith.index_cast %swap3A_126 : i32 to index
      %swap3A_128 = arith.constant 112 : index
      %swap3A_129 = tpu.vector_load %arg8[%swap3A_127, %swap3A_128] {strides = array<i32>} : memref<13x128xi32, #tpu.memory_space<vmem>>, vector<1x16xi32>,
      %swap3A_130 = vector.shape_cast %swap3A_129 : vector<1x16xi32> to vector<16xi32>
      %swap3A_131 = vector.shape_cast %add3A_125 : vector<16xi32> to vector<1x16xi32>
      tpu.vector_store %arg8[%swap3A_127, %swap3A_128], %swap3A_131 {strides = array<i32>} : memref<13x128xi32, #tpu.memory_space<vmem>>, vector<1x16xi32>,
      %get3A_132 = arith.constant 128 : index
      %get3A_133 = tpu.vector_load %arg6[%get3A_132] {strides = array<i32>} : memref<1664xi32, #tpu.memory_space<vmem>>, vector<16xi32>,
      %get3A_134 = vector.shape_cast %get3A_133 : vector<16xi32> to vector<16xi32>
      %get3A_135 = arith.constant 1 : i32
      %get3A_136 = arith.index_cast %get3A_135 : i32 to index
      %get3A_137 = arith.constant 0 : index
      %get3A_138 = tpu.vector_load %arg7[%get3A_136, %get3A_137] {strides = array<i32>} : memref<13x128xi32, #tpu.memory_space<vmem>>, vector<1x16xi32>,
      %get3A_139 = vector.shape_cast %get3A_138 : vector<1x16xi32> to vector<16xi32>
      %add3A_140 = arith.addi %get3A_134, %get3A_139 : vector<16xi32>
      %swap3A_141 = arith.constant 1 : i32
      %swap3A_142 = arith.index_cast %swap3A_141 : i32 to index
      %swap3A_143 = arith.constant 0 : index
      %swap3A_144 = tpu.vector_load %arg8[%swap3A_142, %swap3A_143] {strides = array<i32>} : memref<13x128xi32, #tpu.memory_space<vmem>>, vector<1x16xi32>,
      %swap3A_145 = vector.shape_cast %swap3A_144 : vector<1x16xi32> to vector<16xi32>
      %swap3A_146 = vector.shape_cast %add3A_140 : vector<16xi32> to vector<1x16xi32>
      tpu.vector_store %arg8[%swap3A_142, %swap3A_143], %swap3A_146 {strides = array<i32>} : memref<13x128xi32, #tpu.memory_space<vmem>>, vector<1x16xi32>,
      %get3A_147 = arith.constant 144 : index
      %get3A_148 = tpu.vector_load %arg6[%get3A_147] {strides = array<i32>} : memref<1664xi32, #tpu.memory_space<vmem>>, vector<16xi32>,
      %get3A_149 = vector.shape_cast %get3A_148 : vector<16xi32> to vector<16xi32>
      %get3A_150 = arith.constant 1 : i32
      %get3A_151 = arith.index_cast %get3A_150 : i32 to index
      %get3A_152 = arith.constant 16 : index
      %get3A_153 = tpu.vector_load %arg7[%get3A_151, %get3A_152] {strides = array<i32>} : memref<13x128xi32, #tpu.memory_space<vmem>>, vector<1x16xi32>,
      %get3A_154 = vector.shape_cast %get3A_153 : vector<1x16xi32> to vector<16xi32>
      %add3A_155 = arith.addi %get3A_149, %get3A_154 : vector<16xi32>
      %swap3A_156 = arith.constant 1 : i32
      %swap3A_157 = arith.index_cast %swap3A_156 : i32 to index
      %swap3A_158 = arith.constant 16 : index
      %swap3A_159 = tpu.vector_load %arg8[%swap3A_157, %swap3A_158] {strides = array<i32>} : memref<13x128xi32, #tpu.memory_space<vmem>>, vector<1x16xi32>,
      %swap3A_160 = vector.shape_cast %swap3A_159 : vector<1x16xi32> to vector<16xi32>
      %swap3A_161 = vector.shape_cast %add3A_155 : vector<16xi32> to vector<1x16xi32>
      tpu.vector_store %arg8[%swap3A_157, %swap3A_158], %swap3A_161 {strides = array<i32>} : memref<13x128xi32, #tpu.memory_space<vmem>>, vector<1x16xi32>,
      %get3A_162 = arith.constant 160 : index
      %get3A_163 = tpu.vector_load %arg6[%get3A_162] {strides = array<i32>} : memref<1664xi32, #tpu.memory_space<vmem>>, vector<16xi32>,
      %get3A_164 = vector.shape_cast %get3A_163 : vector<16xi32> to vector<16xi32>
      %get3A_165 = arith.constant 1 : i32
      %get3A_166 = arith.index_cast %get3A_165 : i32 to index
      %get3A_167 = arith.constant 32 : index
      %get3A_168 = tpu.vector_load %arg7[%get3A_166, %get3A_167] {strides = array<i32>} : memref<13x128xi32, #tpu.memory_space<vmem>>, vector<1x16xi32>,
      %get3A_169 = vector.shape_cast %get3A_168 : vector<1x16xi32> to vector<16xi32>
      %add3A_170 = arith.addi %get3A_164, %get3A_169 : vector<16xi32>
      %swap3A_171 = arith.constant 1 : i32
      %swap3A_172 = arith.index_cast %swap3A_171 : i32 to index
      %swap3A_173 = arith.constant 32 : index
      %swap3A_174 = tpu.vector_load %arg8[%swap3A_172, %swap3A_173] {strides = array<i32>} : memref<13x128xi32, #tpu.memory_space<vmem>>, vector<1x16xi32>,
      %swap3A_175 = vector.shape_cast %swap3A_174 : vector<1x16xi32> to vector<16xi32>
      %swap3A_176 = vector.shape_cast %add3A_170 : vector<16xi32> to vector<1x16xi32>
      tpu.vector_store %arg8[%swap3A_172, %swap3A_173], %swap3A_176 {strides = array<i32>} : memref<13x128xi32, #tpu.memory_space<vmem>>, vector<1x16xi32>,
      %get3A_177 = arith.constant 176 : index
      %get3A_178 = tpu.vector_load %arg6[%get3A_177] {strides = array<i32>} : memref<1664xi32, #tpu.memory_space<vmem>>, vector<16xi32>,
      %get3A_179 = vector.shape_cast %get3A_178 : vector<16xi32> to vector<16xi32>
      %get3A_180 = arith.constant 1 : i32
      %get3A_181 = arith.index_cast %get3A_180 : i32 to index
      %get3A_182 = arith.constant 48 : index
      %get3A_183 = tpu.vector_load %arg7[%get3A_181, %get3A_182] {strides = array<i32>} : memref<13x128xi32, #tpu.memory_space<vmem>>, vector<1x16xi32>,
      %get3A_184 = vector.shape_cast %get3A_183 : vector<1x16xi32> to vector<16xi32>
      %add3A_185 = arith.addi %get3A_179, %get3A_184 : vector<16xi32>
      %swap3A_186 = arith.constant 1 : i32
      %swap3A_187 = arith.index_cast %swap3A_186 : i32 to index
      %swap3A_188 = arith.constant 48 : index
      %swap3A_189 = tpu.vector_load %arg8[%swap3A_187, %swap3A_188] {strides = array<i32>} : memref<13x128xi32, #tpu.memory_space<vmem>>, vector<1x16xi32>,
      %swap3A_190 = vector.shape_cast %swap3A_189 : vector<1x16xi32> to vector<16xi32>
      %swap3A_191 = vector.shape_cast %add3A_185 : vector<16xi32> to vector<1x16xi32>
      tpu.vector_store %arg8[%swap3A_187, %swap3A_188], %swap3A_191 {strides = array<i32>} : memref<13x128xi32, #tpu.memory_space<vmem>>, vector<1x16xi32>,
      %get3A_192 = arith.constant 192 : index
      %get3A_193 = tpu.vector_load %arg6[%get3A_192] {strides = array<i32>} : memref<1664xi32, #tpu.memory_space<vmem>>, vector<16xi32>,
      %get3A_194 = vector.shape_cast %get3A_193 : vector<16xi32> to vector<16xi32>
      %get3A_195 = arith.constant 1 : i32
      %get3A_196 = arith.index_cast %get3A_195 : i32 to index
      %get3A_197 = arith.constant 64 : index
      %get3A_198 = tpu.vector_load %arg7[%get3A_196, %get3A_197] {strides = array<i32>} : memref<13x128xi32, #tpu.memory_space<vmem>>, vector<1x16xi32>,
      %get3A_199 = vector.shape_cast %get3A_198 : vector<1x16xi32> to vector<16xi32>
      %add3A_200 = arith.addi %get3A_194, %get3A_199 : vector<16xi32>
      %swap3A_201 = arith.constant 1 : i32
      %swap3A_202 = arith.index_cast %swap3A_201 : i32 to index
      %swap3A_203 = arith.constant 64 : index
      %swap3A_204 = tpu.vector_load %arg8[%swap3A_202, %swap3A_203] {strides = array<i32>} : memref<13x128xi32, #tpu.memory_space<vmem>>, vector<1x16xi32>,
      %swap3A_205 = vector.shape_cast %swap3A_204 : vector<1x16xi32> to vector<16xi32>
      %swap3A_206 = vector.shape_cast %add3A_200 : vector<16xi32> to vector<1x16xi32>
      tpu.vector_store %arg8[%swap3A_202, %swap3A_203], %swap3A_206 {strides = array<i32>} : memref<13x128xi32, #tpu.memory_space<vmem>>, vector<1x16xi32>,
      %get3A_207 = arith.constant 208 : index
      %get3A_208 = tpu.vector_load %arg6[%get3A_207] {strides = array<i32>} : memref<1664xi32, #tpu.memory_space<vmem>>, vector<16xi32>,
      %get3A_209 = vector.shape_cast %get3A_208 : vector<16xi32> to vector<16xi32>
      %get3A_210 = arith.constant 1 : i32
      %get3A_211 = arith.index_cast %get3A_210 : i32 to index
      %get3A_212 = arith.constant 80 : index
      %get3A_213 = tpu.vector_load %arg7[%get3A_211, %get3A_212] {strides = array<i32>} : memref<13x128xi32, #tpu.memory_space<vmem>>, vector<1x16xi32>,
      %get3A_214 = vector.shape_cast %get3A_213 : vector<1x16xi32> to vector<16xi32>
      %add3A_215 = arith.addi %get3A_209, %get3A_214 : vector<16xi32>
      %swap3A_216 = arith.constant 1 : i32
      %swap3A_217 = arith.index_cast %swap3A_216 : i32 to index
      %swap3A_218 = arith.constant 80 : index
      %swap3A_219 = tpu.vector_load %arg8[%swap3A_217, %swap3A_218] {strides = array<i32>} : memref<13x128xi32, #tpu.memory_space<vmem>>, vector<1x16xi32>,
      %swap3A_220 = vector.shape_cast %swap3A_219 : vector<1x16xi32> to vector<16xi32>
      %swap3A_221 = vector.shape_cast %add3A_215 : vector<16xi32> to vector<1x16xi32>
      tpu.vector_store %arg8[%swap3A_217, %swap3A_218], %swap3A_221 {strides = array<i32>} : memref<13x128xi32, #tpu.memory_space<vmem>>, vector<1x16xi32>,
      %get3A_222 = arith.constant 224 : index
      %get3A_223 = tpu.vector_load %arg6[%get3A_222] {strides = array<i32>} : memref<1664xi32, #tpu.memory_space<vmem>>, vector<16xi32>,
      %get3A_224 = vector.shape_cast %get3A_223 : vector<16xi32> to vector<16xi32>
      %get3A_225 = arith.constant 1 : i32
      %get3A_226 = arith.index_cast %get3A_225 : i32 to index
      %get3A_227 = arith.constant 96 : index
      %get3A_228 = tpu.vector_load %arg7[%get3A_226, %get3A_227] {strides = array<i32>} : memref<13x128xi32, #tpu.memory_space<vmem>>, vector<1x16xi32>,
      %get3A_229 = vector.shape_cast %get3A_228 : vector<1x16xi32> to vector<16xi32>
      %add3A_230 = arith.addi %get3A_224, %get3A_229 : vector<16xi32>
      %swap3A_231 = arith.constant 1 : i32
      %swap3A_232 = arith.index_cast %swap3A_231 : i32 to index
      %swap3A_233 = arith.constant 96 : index
      %swap3A_234 = tpu.vector_load %arg8[%swap3A_232, %swap3A_233] {strides = array<i32>} : memref<13x128xi32, #tpu.memory_space<vmem>>, vector<1x16xi32>,
      %swap3A_235 = vector.shape_cast %swap3A_234 : vector<1x16xi32> to vector<16xi32>
      %swap3A_236 = vector.shape_cast %add3A_230 : vector<16xi32> to vector<1x16xi32>
      tpu.vector_store %arg8[%swap3A_232, %swap3A_233], %swap3A_236 {strides = array<i32>} : memref<13x128xi32, #tpu.memory_space<vmem>>, vector<1x16xi32>,
      %get3A_237 = arith.constant 240 : index
      %get3A_238 = tpu.vector_load %arg6[%get3A_237] {strides = array<i32>} : memref<1664xi32, #tpu.memory_space<vmem>>, vector<16xi32>,
      %get3A_239 = vector.shape_cast %get3A_238 : vector<16xi32> to vector<16xi32>
      %get3A_240 = arith.constant 1 : i32
      %get3A_241 = arith.index_cast %get3A_240 : i32 to index
      %get3A_242 = arith.constant 112 : index
      %get3A_243 = tpu.vector_load %arg7[%get3A_241, %get3A_242] {strides = array<i32>} : memref<13x128xi32, #tpu.memory_space<vmem>>, vector<1x16xi32>,
      %get3A_244 = vector.shape_cast %get3A_243 : vector<1x16xi32> to vector<16xi32>
      %add3A_245 = arith.addi %get3A_239, %get3A_244 : vector<16xi32>
      %swap3A_246 = arith.constant 1 : i32
      %swap3A_247 = arith.index_cast %swap3A_246 : i32 to index
      %swap3A_248 = arith.constant 112 : index
      %swap3A_249 = tpu.vector_load %arg8[%swap3A_247, %swap3A_248] {strides = array<i32>} : memref<13x128xi32, #tpu.memory_space<vmem>>, vector<1x16xi32>,
      %swap3A_250 = vector.shape_cast %swap3A_249 : vector<1x16xi32> to vector<16xi32>
      %swap3A_251 = vector.shape_cast %add3A_245 : vector<16xi32> to vector<1x16xi32>
      tpu.vector_store %arg8[%swap3A_247, %swap3A_248], %swap3A_251 {strides = array<i32>} : memref<13x128xi32, #tpu.memory_space<vmem>>, vector<1x16xi32>,
      %get3A_252 = arith.constant 256 : index
      %get3A_253 = tpu.vector_load %arg6[%get3A_252] {strides = array<i32>} : memref<1664xi32, #tpu.memory_space<vmem>>, vector<16xi32>,
      %get3A_254 = vector.shape_cast %get3A_253 : vector<16xi32> to vector<16xi32>
      %get3A_255 = arith.constant 2 : i32
      %get3A_256 = arith.index_cast %get3A_255 : i32 to index
      %get3A_257 = arith.constant 0 : index
      %get3A_258 = tpu.vector_load %arg7[%get3A_256, %get3A_257] {strides = array<i32>} : memref<13x128xi32, #tpu.memory_space<vmem>>, vector<1x16xi32>,
      %get3A_259 = vector.shape_cast %get3A_258 : vector<1x16xi32> to vector<16xi32>
      %add3A_260 = arith.addi %get3A_254, %get3A_259 : vector<16xi32>
      %swap3A_261 = arith.constant 2 : i32
      %swap3A_262 = arith.index_cast %swap3A_261 : i32 to index
      %swap3A_263 = arith.constant 0 : index
      %swap3A_264 = tpu.vector_load %arg8[%swap3A_262, %swap3A_263] {strides = array<i32>} : memref<13x128xi32, #tpu.memory_space<vmem>>, vector<1x16xi32>,
      %swap3A_265 = vector.shape_cast %swap3A_264 : vector<1x16xi32> to vector<16xi32>
      %swap3A_266 = vector.shape_cast %add3A_260 : vector<16xi32> to vector<1x16xi32>
      tpu.vector_store %arg8[%swap3A_262, %swap3A_263], %swap3A_266 {strides = array<i32>} : memref<13x128xi32, #tpu.memory_space<vmem>>, vector<1x16xi32>,
      %get3A_267 = arith.constant 272 : index
      %get3A_268 = tpu.vector_load %arg6[%get3A_267] {strides = array<i32>} : memref<1664xi32, #tpu.memory_space<vmem>>, vector<16xi32>,
      %get3A_269 = vector.shape_cast %get3A_268 : vector<16xi32> to vector<16xi32>
      %get3A_270 = arith.constant 2 : i32
      %get3A_271 = arith.index_cast %get3A_270 : i32 to index
      %get3A_272 = arith.constant 16 : index
      %get3A_273 = tpu.vector_load %arg7[%get3A_271, %get3A_272] {strides = array<i32>} : memref<13x128xi32, #tpu.memory_space<vmem>>, vector<1x16xi32>,
      %get3A_274 = vector.shape_cast %get3A_273 : vector<1x16xi32> to vector<16xi32>
      %add3A_275 = arith.addi %get3A_269, %get3A_274 : vector<16xi32>
      %swap3A_276 = arith.constant 2 : i32
      %swap3A_277 = arith.index_cast %swap3A_276 : i32 to index
      %swap3A_278 = arith.constant 16 : index
      %swap3A_279 = tpu.vector_load %arg8[%swap3A_277, %swap3A_278] {strides = array<i32>} : memref<13x128xi32, #tpu.memory_space<vmem>>, vector<1x16xi32>,
      %swap3A_280 = vector.shape_cast %swap3A_279 : vector<1x16xi32> to vector<16xi32>
      %swap3A_281 = vector.shape_cast %add3A_275 : vector<16xi32> to vector<1x16xi32>
      tpu.vector_store %arg8[%swap3A_277, %swap3A_278], %swap3A_281 {strides = array<i32>} : memref<13x128xi32, #tpu.memory_space<vmem>>, vector<1x16xi32>,
      %get3A_282 = arith.constant 288 : index
      %get3A_283 = tpu.vector_load %arg6[%get3A_282] {strides = array<i32>} : memref<1664xi32, #tpu.memory_space<vmem>>, vector<16xi32>,
      %get3A_284 = vector.shape_cast %get3A_283 : vector<16xi32> to vector<16xi32>
      %get3A_285 = arith.constant 2 : i32
      %get3A_286 = arith.index_cast %get3A_285 : i32 to index
      %get3A_287 = arith.constant 32 : index
      %get3A_288 = tpu.vector_load %arg7[%get3A_286, %get3A_287] {strides = array<i32>} : memref<13x128xi32, #tpu.memory_space<vmem>>, vector<1x16xi32>,
      %get3A_289 = vector.shape_cast %get3A_288 : vector<1x16xi32> to vector<16xi32>
      %add3A_290 = arith.addi %get3A_284, %get3A_289 : vector<16xi32>
      %swap3A_291 = arith.constant 2 : i32
      %swap3A_292 = arith.index_cast %swap3A_291 : i32 to index
      %swap3A_293 = arith.constant 32 : index
      %swap3A_294 = tpu.vector_load %arg8[%swap3A_292, %swap3A_293] {strides = array<i32>} : memref<13x128xi32, #tpu.memory_space<vmem>>, vector<1x16xi32>,
      %swap3A_295 = vector.shape_cast %swap3A_294 : vector<1x16xi32> to vector<16xi32>
      %swap3A_296 = vector.shape_cast %add3A_290 : vector<16xi32> to vector<1x16xi32>
      tpu.vector_store %arg8[%swap3A_292, %swap3A_293], %swap3A_296 {strides = array<i32>} : memref<13x128xi32, #tpu.memory_space<vmem>>, vector<1x16xi32>,
      %get3A_297 = arith.constant 304 : index
      %get3A_298 = tpu.vector_load %arg6[%get3A_297] {strides = array<i32>} : memref<1664xi32, #tpu.memory_space<vmem>>, vector<16xi32>,
      %get3A_299 = vector.shape_cast %get3A_298 : vector<16xi32> to vector<16xi32>
      %get3A_300 = arith.constant 2 : i32
      %get3A_301 = arith.index_cast %get3A_300 : i32 to index
      %get3A_302 = arith.constant 48 : index
      %get3A_303 = tpu.vector_load %arg7[%get3A_301, %get3A_302] {strides = array<i32>} : memref<13x128xi32, #tpu.memory_space<vmem>>, vector<1x16xi32>,
      %get3A_304 = vector.shape_cast %get3A_303 : vector<1x16xi32> to vector<16xi32>
      %add3A_305 = arith.addi %get3A_299, %get3A_304 : vector<16xi32>
      %swap3A_306 = arith.constant 2 : i32
      %swap3A_307 = arith.index_cast %swap3A_306 : i32 to index
      %swap3A_308 = arith.constant 48 : index
      %swap3A_309 = tpu.vector_load %arg8[%swap3A_307, %swap3A_308] {strides = array<i32>} : memref<13x128xi32, #tpu.memory_space<vmem>>, vector<1x16xi32>,
      %swap3A_310 = vector.shape_cast %swap3A_309 : vector<1x16xi32> to vector<16xi32>
      %swap3A_311 = vector.shape_cast %add3A_305 : vector<16xi32> to vector<1x16xi32>
      tpu.vector_store %arg8[%swap3A_307, %swap3A_308], %swap3A_311 {strides = array<i32>} : memref<13x128xi32, #tpu.memory_space<vmem>>, vector<1x16xi32>,
      %get3A_312 = arith.constant 320 : index
      %get3A_313 = tpu.vector_load %arg6[%get3A_312] {strides = array<i32>} : memref<1664xi32, #tpu.memory_space<vmem>>, vector<16xi32>,
      %get3A_314 = vector.shape_cast %get3A_313 : vector<16xi32> to vector<16xi32>
      %get3A_315 = arith.constant 2 : i32
      %get3A_316 = arith.index_cast %get3A_315 : i32 to index
      %get3A_317 = arith.constant 64 : index
      %get3A_318 = tpu.vector_load %arg7[%get3A_316, %get3A_317] {strides = array<i32>} : memref<13x128xi32, #tpu.memory_space<vmem>>, vector<1x16xi32>,
      %get3A_319 = vector.shape_cast %get3A_318 : vector<1x16xi32> to vector<16xi32>
      %add3A_320 = arith.addi %get3A_314, %get3A_319 : vector<16xi32>
      %swap3A_321 = arith.constant 2 : i32
      %swap3A_322 = arith.index_cast %swap3A_321 : i32 to index
      %swap3A_323 = arith.constant 64 : index
      %swap3A_324 = tpu.vector_load %arg8[%swap3A_322, %swap3A_323] {strides = array<i32>} : memref<13x128xi32, #tpu.memory_space<vmem>>, vector<1x16xi32>,
      %swap3A_325 = vector.shape_cast %swap3A_324 : vector<1x16xi32> to vector<16xi32>
      %swap3A_326 = vector.shape_cast %add3A_320 : vector<16xi32> to vector<1x16xi32>
      tpu.vector_store %arg8[%swap3A_322, %swap3A_323], %swap3A_326 {strides = array<i32>} : memref<13x128xi32, #tpu.memory_space<vmem>>, vector<1x16xi32>,
      %get3A_327 = arith.constant 336 : index
      %get3A_328 = tpu.vector_load %arg6[%get3A_327] {strides = array<i32>} : memref<1664xi32, #tpu.memory_space<vmem>>, vector<16xi32>,
      %get3A_329 = vector.shape_cast %get3A_328 : vector<16xi32> to vector<16xi32>
      %get3A_330 = arith.constant 2 : i32
      %get3A_331 = arith.index_cast %get3A_330 : i32 to index
      %get3A_332 = arith.constant 80 : index
      %get3A_333 = tpu.vector_load %arg7[%get3A_331, %get3A_332] {strides = array<i32>} : memref<13x128xi32, #tpu.memory_space<vmem>>, vector<1x16xi32>,
      %get3A_334 = vector.shape_cast %get3A_333 : vector<1x16xi32> to vector<16xi32>
      %add3A_335 = arith.addi %get3A_329, %get3A_334 : vector<16xi32>
      %swap3A_336 = arith.constant 2 : i32
      %swap3A_337 = arith.index_cast %swap3A_336 : i32 to index
      %swap3A_338 = arith.constant 80 : index
      %swap3A_339 = tpu.vector_load %arg8[%swap3A_337, %swap3A_338] {strides = array<i32>} : memref<13x128xi32, #tpu.memory_space<vmem>>, vector<1x16xi32>,
      %swap3A_340 = vector.shape_cast %swap3A_339 : vector<1x16xi32> to vector<16xi32>
      %swap3A_341 = vector.shape_cast %add3A_335 : vector<16xi32> to vector<1x16xi32>
      tpu.vector_store %arg8[%swap3A_337, %swap3A_338], %swap3A_341 {strides = array<i32>} : memref<13x128xi32, #tpu.memory_space<vmem>>, vector<1x16xi32>,
      %get3A_342 = arith.constant 352 : index
      %get3A_343 = tpu.vector_load %arg6[%get3A_342] {strides = array<i32>} : memref<1664xi32, #tpu.memory_space<vmem>>, vector<16xi32>,
      %get3A_344 = vector.shape_cast %get3A_343 : vector<16xi32> to vector<16xi32>
      %get3A_345 = arith.constant 2 : i32
      %get3A_346 = arith.index_cast %get3A_345 : i32 to index
      %get3A_347 = arith.constant 96 : index
      %get3A_348 = tpu.vector_load %arg7[%get3A_346, %get3A_347] {strides = array<i32>} : memref<13x128xi32, #tpu.memory_space<vmem>>, vector<1x16xi32>,
      %get3A_349 = vector.shape_cast %get3A_348 : vector<1x16xi32> to vector<16xi32>
      %add3A_350 = arith.addi %get3A_344, %get3A_349 : vector<16xi32>
      %swap3A_351 = arith.constant 2 : i32
      %swap3A_352 = arith.index_cast %swap3A_351 : i32 to index
      %swap3A_353 = arith.constant 96 : index
      %swap3A_354 = tpu.vector_load %arg8[%swap3A_352, %swap3A_353] {strides = array<i32>} : memref<13x128xi32, #tpu.memory_space<vmem>>, vector<1x16xi32>,
      %swap3A_355 = vector.shape_cast %swap3A_354 : vector<1x16xi32> to vector<16xi32>
      %swap3A_356 = vector.shape_cast %add3A_350 : vector<16xi32> to vector<1x16xi32>
      tpu.vector_store %arg8[%swap3A_352, %swap3A_353], %swap3A_356 {strides = array<i32>} : memref<13x128xi32, #tpu.memory_space<vmem>>, vector<1x16xi32>,
      %get3A_357 = arith.constant 368 : index
      %get3A_358 = tpu.vector_load %arg6[%get3A_357] {strides = array<i32>} : memref<1664xi32, #tpu.memory_space<vmem>>, vector<16xi32>,
      %get3A_359 = vector.shape_cast %get3A_358 : vector<16xi32> to vector<16xi32>
      %get3A_360 = arith.constant 2 : i32
      %get3A_361 = arith.index_cast %get3A_360 : i32 to index
      %get3A_362 = arith.constant 112 : index
      %get3A_363 = tpu.vector_load %arg7[%get3A_361, %get3A_362] {strides = array<i32>} : memref<13x128xi32, #tpu.memory_space<vmem>>, vector<1x16xi32>,
      %get3A_364 = vector.shape_cast %get3A_363 : vector<1x16xi32> to vector<16xi32>
      %add3A_365 = arith.addi %get3A_359, %get3A_364 : vector<16xi32>
      %swap3A_366 = arith.constant 2 : i32
      %swap3A_367 = arith.index_cast %swap3A_366 : i32 to index
      %swap3A_368 = arith.constant 112 : index
      %swap3A_369 = tpu.vector_load %arg8[%swap3A_367, %swap3A_368] {strides = array<i32>} : memref<13x128xi32, #tpu.memory_space<vmem>>, vector<1x16xi32>,
      %swap3A_370 = vector.shape_cast %swap3A_369 : vector<1x16xi32> to vector<16xi32>
      %swap3A_371 = vector.shape_cast %add3A_365 : vector<16xi32> to vector<1x16xi32>
      tpu.vector_store %arg8[%swap3A_367, %swap3A_368], %swap3A_371 {strides = array<i32>} : memref<13x128xi32, #tpu.memory_space<vmem>>, vector<1x16xi32>,
      %get3A_372 = arith.constant 384 : index
      %get3A_373 = tpu.vector_load %arg6[%get3A_372] {strides = array<i32>} : memref<1664xi32, #tpu.memory_space<vmem>>, vector<16xi32>,
      %get3A_374 = vector.shape_cast %get3A_373 : vector<16xi32> to vector<16xi32>
      %get3A_375 = arith.constant 3 : i32
      %get3A_376 = arith.index_cast %get3A_375 : i32 to index
      %get3A_377 = arith.constant 0 : index
      %get3A_378 = tpu.vector_load %arg7[%get3A_376, %get3A_377] {strides = array<i32>} : memref<13x128xi32, #tpu.memory_space<vmem>>, vector<1x16xi32>,
      %get3A_379 = vector.shape_cast %get3A_378 : vector<1x16xi32> to vector<16xi32>
      %add3A_380 = arith.addi %get3A_374, %get3A_379 : vector<16xi32>
      %swap3A_381 = arith.constant 3 : i32
      %swap3A_382 = arith.index_cast %swap3A_381 : i32 to index
      %swap3A_383 = arith.constant 0 : index
      %swap3A_384 = tpu.vector_load %arg8[%swap3A_382, %swap3A_383] {strides = array<i32>} : memref<13x128xi32, #tpu.memory_space<vmem>>, vector<1x16xi32>,
      %swap3A_385 = vector.shape_cast %swap3A_384 : vector<1x16xi32> to vector<16xi32>
      %swap3A_386 = vector.shape_cast %add3A_380 : vector<16xi32> to vector<1x16xi32>
      tpu.vector_store %arg8[%swap3A_382, %swap3A_383], %swap3A_386 {strides = array<i32>} : memref<13x128xi32, #tpu.memory_space<vmem>>, vector<1x16xi32>,
      %get3A_387 = arith.constant 400 : index
      %get3A_388 = tpu.vector_load %arg6[%get3A_387] {strides = array<i32>} : memref<1664xi32, #tpu.memory_space<vmem>>, vector<16xi32>,
      %get3A_389 = vector.shape_cast %get3A_388 : vector<16xi32> to vector<16xi32>
      %get3A_390 = arith.constant 3 : i32
      %get3A_391 = arith.index_cast %get3A_390 : i32 to index
      %get3A_392 = arith.constant 16 : index
      %get3A_393 = tpu.vector_load %arg7[%get3A_391, %get3A_392] {strides = array<i32>} : memref<13x128xi32, #tpu.memory_space<vmem>>, vector<1x16xi32>,
      %get3A_394 = vector.shape_cast %get3A_393 : vector<1x16xi32> to vector<16xi32>
      %add3A_395 = arith.addi %get3A_389, %get3A_394 : vector<16xi32>
      %swap3A_396 = arith.constant 3 : i32
      %swap3A_397 = arith.index_cast %swap3A_396 : i32 to index
      %swap3A_398 = arith.constant 16 : index
      %swap3A_399 = tpu.vector_load %arg8[%swap3A_397, %swap3A_398] {strides = array<i32>} : memref<13x128xi32, #tpu.memory_space<vmem>>, vector<1x16xi32>,
      %swap3A_400 = vector.shape_cast %swap3A_399 : vector<1x16xi32> to vector<16xi32>
      %swap3A_401 = vector.shape_cast %add3A_395 : vector<16xi32> to vector<1x16xi32>
      tpu.vector_store %arg8[%swap3A_397, %swap3A_398], %swap3A_401 {strides = array<i32>} : memref<13x128xi32, #tpu.memory_space<vmem>>, vector<1x16xi32>,
      %get3A_402 = arith.constant 416 : index
      %get3A_403 = tpu.vector_load %arg6[%get3A_402] {strides = array<i32>} : memref<1664xi32, #tpu.memory_space<vmem>>, vector<16xi32>,
      %get3A_404 = vector.shape_cast %get3A_403 : vector<16xi32> to vector<16xi32>
      %get3A_405 = arith.constant 3 : i32
      %get3A_406 = arith.index_cast %get3A_405 : i32 to index
      %get3A_407 = arith.constant 32 : index
      %get3A_408 = tpu.vector_load %arg7[%get3A_406, %get3A_407] {strides = array<i32>} : memref<13x128xi32, #tpu.memory_space<vmem>>, vector<1x16xi32>,
      %get3A_409 = vector.shape_cast %get3A_408 : vector<1x16xi32> to vector<16xi32>
      %add3A_410 = arith.addi %get3A_404, %get3A_409 : vector<16xi32>
      %swap3A_411 = arith.constant 3 : i32
      %swap3A_412 = arith.index_cast %swap3A_411 : i32 to index
      %swap3A_413 = arith.constant 32 : index
      %swap3A_414 = tpu.vector_load %arg8[%swap3A_412, %swap3A_413] {strides = array<i32>} : memref<13x128xi32, #tpu.memory_space<vmem>>, vector<1x16xi32>,
      %swap3A_415 = vector.shape_cast %swap3A_414 : vector<1x16xi32> to vector<16xi32>
      %swap3A_416 = vector.shape_cast %add3A_410 : vector<16xi32> to vector<1x16xi32>
      tpu.vector_store %arg8[%swap3A_412, %swap3A_413], %swap3A_416 {strides = array<i32>} : memref<13x128xi32, #tpu.memory_space<vmem>>, vector<1x16xi32>,
      %get3A_417 = arith.constant 432 : index
      %get3A_418 = tpu.vector_load %arg6[%get3A_417] {strides = array<i32>} : memref<1664xi32, #tpu.memory_space<vmem>>, vector<16xi32>,
      %get3A_419 = vector.shape_cast %get3A_418 : vector<16xi32> to vector<16xi32>
      %get3A_420 = arith.constant 3 : i32
      %get3A_421 = arith.index_cast %get3A_420 : i32 to index
      %get3A_422 = arith.constant 48 : index
      %get3A_423 = tpu.vector_load %arg7[%get3A_421, %get3A_422] {strides = array<i32>} : memref<13x128xi32, #tpu.memory_space<vmem>>, vector<1x16xi32>,
      %get3A_424 = vector.shape_cast %get3A_423 : vector<1x16xi32> to vector<16xi32>
      %add3A_425 = arith.addi %get3A_419, %get3A_424 : vector<16xi32>
      %swap3A_426 = arith.constant 3 : i32
      %swap3A_427 = arith.index_cast %swap3A_426 : i32 to index
      %swap3A_428 = arith.constant 48 : index
      %swap3A_429 = tpu.vector_load %arg8[%swap3A_427, %swap3A_428] {strides = array<i32>} : memref<13x128xi32, #tpu.memory_space<vmem>>, vector<1x16xi32>,
      %swap3A_430 = vector.shape_cast %swap3A_429 : vector<1x16xi32> to vector<16xi32>
      %swap3A_431 = vector.shape_cast %add3A_425 : vector<16xi32> to vector<1x16xi32>
      tpu.vector_store %arg8[%swap3A_427, %swap3A_428], %swap3A_431 {strides = array<i32>} : memref<13x128xi32, #tpu.memory_space<vmem>>, vector<1x16xi32>,
      %get3A_432 = arith.constant 448 : index
      %get3A_433 = tpu.vector_load %arg6[%get3A_432] {strides = array<i32>} : memref<1664xi32, #tpu.memory_space<vmem>>, vector<16xi32>,
      %get3A_434 = vector.shape_cast %get3A_433 : vector<16xi32> to vector<16xi32>
      %get3A_435 = arith.constant 3 : i32
      %get3A_436 = arith.index_cast %get3A_435 : i32 to index
      %get3A_437 = arith.constant 64 : index
      %get3A_438 = tpu.vector_load %arg7[%get3A_436, %get3A_437] {strides = array<i32>} : memref<13x128xi32, #tpu.memory_space<vmem>>, vector<1x16xi32>,
      %get3A_439 = vector.shape_cast %get3A_438 : vector<1x16xi32> to vector<16xi32>
      %add3A_440 = arith.addi %get3A_434, %get3A_439 : vector<16xi32>
      %swap3A_441 = arith.constant 3 : i32
      %swap3A_442 = arith.index_cast %swap3A_441 : i32 to index
      %swap3A_443 = arith.constant 64 : index
      %swap3A_444 = tpu.vector_load %arg8[%swap3A_442, %swap3A_443] {strides = array<i32>} : memref<13x128xi32, #tpu.memory_space<vmem>>, vector<1x16xi32>,
      %swap3A_445 = vector.shape_cast %swap3A_444 : vector<1x16xi32> to vector<16xi32>
      %swap3A_446 = vector.shape_cast %add3A_440 : vector<16xi32> to vector<1x16xi32>
      tpu.vector_store %arg8[%swap3A_442, %swap3A_443], %swap3A_446 {strides = array<i32>} : memref<13x128xi32, #tpu.memory_space<vmem>>, vector<1x16xi32>,
      %get3A_447 = arith.constant 464 : index
      %get3A_448 = tpu.vector_load %arg6[%get3A_447] {strides = array<i32>} : memref<1664xi32, #tpu.memory_space<vmem>>, vector<16xi32>,
      %get3A_449 = vector.shape_cast %get3A_448 : vector<16xi32> to vector<16xi32>
      %get3A_450 = arith.constant 3 : i32
      %get3A_451 = arith.index_cast %get3A_450 : i32 to index
      %get3A_452 = arith.constant 80 : index
      %get3A_453 = tpu.vector_load %arg7[%get3A_451, %get3A_452] {strides = array<i32>} : memref<13x128xi32, #tpu.memory_space<vmem>>, vector<1x16xi32>,
      %get3A_454 = vector.shape_cast %get3A_453 : vector<1x16xi32> to vector<16xi32>
      %add3A_455 = arith.addi %get3A_449, %get3A_454 : vector<16xi32>
      %swap3A_456 = arith.constant 3 : i32
      %swap3A_457 = arith.index_cast %swap3A_456 : i32 to index
      %swap3A_458 = arith.constant 80 : index
      %swap3A_459 = tpu.vector_load %arg8[%swap3A_457, %swap3A_458] {strides = array<i32>} : memref<13x128xi32, #tpu.memory_space<vmem>>, vector<1x16xi32>,
      %swap3A_460 = vector.shape_cast %swap3A_459 : vector<1x16xi32> to vector<16xi32>
      %swap3A_461 = vector.shape_cast %add3A_455 : vector<16xi32> to vector<1x16xi32>
      tpu.vector_store %arg8[%swap3A_457, %swap3A_458], %swap3A_461 {strides = array<i32>} : memref<13x128xi32, #tpu.memory_space<vmem>>, vector<1x16xi32>,
      %get3A_462 = arith.constant 480 : index
      %get3A_463 = tpu.vector_load %arg6[%get3A_462] {strides = array<i32>} : memref<1664xi32, #tpu.memory_space<vmem>>, vector<16xi32>,
      %get3A_464 = vector.shape_cast %get3A_463 : vector<16xi32> to vector<16xi32>
      %get3A_465 = arith.constant 3 : i32
      %get3A_466 = arith.index_cast %get3A_465 : i32 to index
      %get3A_467 = arith.constant 96 : index
      %get3A_468 = tpu.vector_load %arg7[%get3A_466, %get3A_467] {strides = array<i32>} : memref<13x128xi32, #tpu.memory_space<vmem>>, vector<1x16xi32>,
      %get3A_469 = vector.shape_cast %get3A_468 : vector<1x16xi32> to vector<16xi32>
      %add3A_470 = arith.addi %get3A_464, %get3A_469 : vector<16xi32>
      %swap3A_471 = arith.constant 3 : i32
      %swap3A_472 = arith.index_cast %swap3A_471 : i32 to index
      %swap3A_473 = arith.constant 96 : index
      %swap3A_474 = tpu.vector_load %arg8[%swap3A_472, %swap3A_473] {strides = array<i32>} : memref<13x128xi32, #tpu.memory_space<vmem>>, vector<1x16xi32>,
      %swap3A_475 = vector.shape_cast %swap3A_474 : vector<1x16xi32> to vector<16xi32>
      %swap3A_476 = vector.shape_cast %add3A_470 : vector<16xi32> to vector<1x16xi32>
      tpu.vector_store %arg8[%swap3A_472, %swap3A_473], %swap3A_476 {strides = array<i32>} : memref<13x128xi32, #tpu.memory_space<vmem>>, vector<1x16xi32>,
      %get3A_477 = arith.constant 496 : index
      %get3A_478 = tpu.vector_load %arg6[%get3A_477] {strides = array<i32>} : memref<1664xi32, #tpu.memory_space<vmem>>, vector<16xi32>,
      %get3A_479 = vector.shape_cast %get3A_478 : vector<16xi32> to vector<16xi32>
      %get3A_480 = arith.constant 3 : i32
      %get3A_481 = arith.index_cast %get3A_480 : i32 to index
      %get3A_482 = arith.constant 112 : index
      %get3A_483 = tpu.vector_load %arg7[%get3A_481, %get3A_482] {strides = array<i32>} : memref<13x128xi32, #tpu.memory_space<vmem>>, vector<1x16xi32>,
      %get3A_484 = vector.shape_cast %get3A_483 : vector<1x16xi32> to vector<16xi32>
      %add3A_485 = arith.addi %get3A_479, %get3A_484 : vector<16xi32>
      %swap3A_486 = arith.constant 3 : i32
      %swap3A_487 = arith.index_cast %swap3A_486 : i32 to index
      %swap3A_488 = arith.constant 112 : index
      %swap3A_489 = tpu.vector_load %arg8[%swap3A_487, %swap3A_488] {strides = array<i32>} : memref<13x128xi32, #tpu.memory_space<vmem>>, vector<1x16xi32>,
      %swap3A_490 = vector.shape_cast %swap3A_489 : vector<1x16xi32> to vector<16xi32>
      %swap3A_491 = vector.shape_cast %add3A_485 : vector<16xi32> to vector<1x16xi32>
      tpu.vector_store %arg8[%swap3A_487, %swap3A_488], %swap3A_491 {strides = array<i32>} : memref<13x128xi32, #tpu.memory_space<vmem>>, vector<1x16xi32>,
      %get3A_492 = arith.constant 512 : index
      %get3A_493 = tpu.vector_load %arg6[%get3A_492] {strides = array<i32>} : memref<1664xi32, #tpu.memory_space<vmem>>, vector<16xi32>,
      %get3A_494 = vector.shape_cast %get3A_493 : vector<16xi32> to vector<16xi32>
      %get3A_495 = arith.constant 4 : i32
      %get3A_496 = arith.index_cast %get3A_495 : i32 to index
      %get3A_497 = arith.constant 0 : index
      %get3A_498 = tpu.vector_load %arg7[%get3A_496, %get3A_497] {strides = array<i32>} : memref<13x128xi32, #tpu.memory_space<vmem>>, vector<1x16xi32>,
      %get3A_499 = vector.shape_cast %get3A_498 : vector<1x16xi32> to vector<16xi32>
      %add3A_500 = arith.addi %get3A_494, %get3A_499 : vector<16xi32>
      %swap3A_501 = arith.constant 4 : i32
      %swap3A_502 = arith.index_cast %swap3A_501 : i32 to index
      %swap3A_503 = arith.constant 0 : index
      %swap3A_504 = tpu.vector_load %arg8[%swap3A_502, %swap3A_503] {strides = array<i32>} : memref<13x128xi32, #tpu.memory_space<vmem>>, vector<1x16xi32>,
      %swap3A_505 = vector.shape_cast %swap3A_504 : vector<1x16xi32> to vector<16xi32>
      %swap3A_506 = vector.shape_cast %add3A_500 : vector<16xi32> to vector<1x16xi32>
      tpu.vector_store %arg8[%swap3A_502, %swap3A_503], %swap3A_506 {strides = array<i32>} : memref<13x128xi32, #tpu.memory_space<vmem>>, vector<1x16xi32>,
      %get3A_507 = arith.constant 528 : index
      %get3A_508 = tpu.vector_load %arg6[%get3A_507] {strides = array<i32>} : memref<1664xi32, #tpu.memory_space<vmem>>, vector<16xi32>,
      %get3A_509 = vector.shape_cast %get3A_508 : vector<16xi32> to vector<16xi32>
      %get3A_510 = arith.constant 4 : i32
      %get3A_511 = arith.index_cast %get3A_510 : i32 to index
      %get3A_512 = arith.constant 16 : index
      %get3A_513 = tpu.vector_load %arg7[%get3A_511, %get3A_512] {strides = array<i32>} : memref<13x128xi32, #tpu.memory_space<vmem>>, vector<1x16xi32>,
      %get3A_514 = vector.shape_cast %get3A_513 : vector<1x16xi32> to vector<16xi32>
      %add3A_515 = arith.addi %get3A_509, %get3A_514 : vector<16xi32>
      %swap3A_516 = arith.constant 4 : i32
      %swap3A_517 = arith.index_cast %swap3A_516 : i32 to index
      %swap3A_518 = arith.constant 16 : index
      %swap3A_519 = tpu.vector_load %arg8[%swap3A_517, %swap3A_518] {strides = array<i32>} : memref<13x128xi32, #tpu.memory_space<vmem>>, vector<1x16xi32>,
      %swap3A_520 = vector.shape_cast %swap3A_519 : vector<1x16xi32> to vector<16xi32>
      %swap3A_521 = vector.shape_cast %add3A_515 : vector<16xi32> to vector<1x16xi32>
      tpu.vector_store %arg8[%swap3A_517, %swap3A_518], %swap3A_521 {strides = array<i32>} : memref<13x128xi32, #tpu.memory_space<vmem>>, vector<1x16xi32>,
      %get3A_522 = arith.constant 544 : index
      %get3A_523 = tpu.vector_load %arg6[%get3A_522] {strides = array<i32>} : memref<1664xi32, #tpu.memory_space<vmem>>, vector<16xi32>,
      %get3A_524 = vector.shape_cast %get3A_523 : vector<16xi32> to vector<16xi32>
      %get3A_525 = arith.constant 4 : i32
      %get3A_526 = arith.index_cast %get3A_525 : i32 to index
      %get3A_527 = arith.constant 32 : index
      %get3A_528 = tpu.vector_load %arg7[%get3A_526, %get3A_527] {strides = array<i32>} : memref<13x128xi32, #tpu.memory_space<vmem>>, vector<1x16xi32>,
      %get3A_529 = vector.shape_cast %get3A_528 : vector<1x16xi32> to vector<16xi32>
      %add3A_530 = arith.addi %get3A_524, %get3A_529 : vector<16xi32>
      %swap3A_531 = arith.constant 4 : i32
      %swap3A_532 = arith.index_cast %swap3A_531 : i32 to index
      %swap3A_533 = arith.constant 32 : index
      %swap3A_534 = tpu.vector_load %arg8[%swap3A_532, %swap3A_533] {strides = array<i32>} : memref<13x128xi32, #tpu.memory_space<vmem>>, vector<1x16xi32>,
      %swap3A_535 = vector.shape_cast %swap3A_534 : vector<1x16xi32> to vector<16xi32>
      %swap3A_536 = vector.shape_cast %add3A_530 : vector<16xi32> to vector<1x16xi32>
      tpu.vector_store %arg8[%swap3A_532, %swap3A_533], %swap3A_536 {strides = array<i32>} : memref<13x128xi32, #tpu.memory_space<vmem>>, vector<1x16xi32>,
      %get3A_537 = arith.constant 560 : index
      %get3A_538 = tpu.vector_load %arg6[%get3A_537] {strides = array<i32>} : memref<1664xi32, #tpu.memory_space<vmem>>, vector<16xi32>,
      %get3A_539 = vector.shape_cast %get3A_538 : vector<16xi32> to vector<16xi32>
      %get3A_540 = arith.constant 4 : i32
      %get3A_541 = arith.index_cast %get3A_540 : i32 to index
      %get3A_542 = arith.constant 48 : index
      %get3A_543 = tpu.vector_load %arg7[%get3A_541, %get3A_542] {strides = array<i32>} : memref<13x128xi32, #tpu.memory_space<vmem>>, vector<1x16xi32>,
      %get3A_544 = vector.shape_cast %get3A_543 : vector<1x16xi32> to vector<16xi32>
      %add3A_545 = arith.addi %get3A_539, %get3A_544 : vector<16xi32>
      %swap3A_546 = arith.constant 4 : i32
      %swap3A_547 = arith.index_cast %swap3A_546 : i32 to index
      %swap3A_548 = arith.constant 48 : index
      %swap3A_549 = tpu.vector_load %arg8[%swap3A_547, %swap3A_548] {strides = array<i32>} : memref<13x128xi32, #tpu.memory_space<vmem>>, vector<1x16xi32>,
      %swap3A_550 = vector.shape_cast %swap3A_549 : vector<1x16xi32> to vector<16xi32>
      %swap3A_551 = vector.shape_cast %add3A_545 : vector<16xi32> to vector<1x16xi32>
      tpu.vector_store %arg8[%swap3A_547, %swap3A_548], %swap3A_551 {strides = array<i32>} : memref<13x128xi32, #tpu.memory_space<vmem>>, vector<1x16xi32>,
      %get3A_552 = arith.constant 576 : index
      %get3A_553 = tpu.vector_load %arg6[%get3A_552] {strides = array<i32>} : memref<1664xi32, #tpu.memory_space<vmem>>, vector<16xi32>,
      %get3A_554 = vector.shape_cast %get3A_553 : vector<16xi32> to vector<16xi32>
      %get3A_555 = arith.constant 4 : i32
      %get3A_556 = arith.index_cast %get3A_555 : i32 to index
      %get3A_557 = arith.constant 64 : index
      %get3A_558 = tpu.vector_load %arg7[%get3A_556, %get3A_557] {strides = array<i32>} : memref<13x128xi32, #tpu.memory_space<vmem>>, vector<1x16xi32>,
      %get3A_559 = vector.shape_cast %get3A_558 : vector<1x16xi32> to vector<16xi32>
      %add3A_560 = arith.addi %get3A_554, %get3A_559 : vector<16xi32>
      %swap3A_561 = arith.constant 4 : i32
      %swap3A_562 = arith.index_cast %swap3A_561 : i32 to index
      %swap3A_563 = arith.constant 64 : index
      %swap3A_564 = tpu.vector_load %arg8[%swap3A_562, %swap3A_563] {strides = array<i32>} : memref<13x128xi32, #tpu.memory_space<vmem>>, vector<1x16xi32>,
      %swap3A_565 = vector.shape_cast %swap3A_564 : vector<1x16xi32> to vector<16xi32>
      %swap3A_566 = vector.shape_cast %add3A_560 : vector<16xi32> to vector<1x16xi32>
      tpu.vector_store %arg8[%swap3A_562, %swap3A_563], %swap3A_566 {strides = array<i32>} : memref<13x128xi32, #tpu.memory_space<vmem>>, vector<1x16xi32>,
      %get3A_567 = arith.constant 592 : index
      %get3A_568 = tpu.vector_load %arg6[%get3A_567] {strides = array<i32>} : memref<1664xi32, #tpu.memory_space<vmem>>, vector<16xi32>,
      %get3A_569 = vector.shape_cast %get3A_568 : vector<16xi32> to vector<16xi32>
      %get3A_570 = arith.constant 4 : i32
      %get3A_571 = arith.index_cast %get3A_570 : i32 to index
      %get3A_572 = arith.constant 80 : index
      %get3A_573 = tpu.vector_load %arg7[%get3A_571, %get3A_572] {strides = array<i32>} : memref<13x128xi32, #tpu.memory_space<vmem>>, vector<1x16xi32>,
      %get3A_574 = vector.shape_cast %get3A_573 : vector<1x16xi32> to vector<16xi32>
      %add3A_575 = arith.addi %get3A_569, %get3A_574 : vector<16xi32>
      %swap3A_576 = arith.constant 4 : i32
      %swap3A_577 = arith.index_cast %swap3A_576 : i32 to index
      %swap3A_578 = arith.constant 80 : index
      %swap3A_579 = tpu.vector_load %arg8[%swap3A_577, %swap3A_578] {strides = array<i32>} : memref<13x128xi32, #tpu.memory_space<vmem>>, vector<1x16xi32>,
      %swap3A_580 = vector.shape_cast %swap3A_579 : vector<1x16xi32> to vector<16xi32>
      %swap3A_581 = vector.shape_cast %add3A_575 : vector<16xi32> to vector<1x16xi32>
      tpu.vector_store %arg8[%swap3A_577, %swap3A_578], %swap3A_581 {strides = array<i32>} : memref<13x128xi32, #tpu.memory_space<vmem>>, vector<1x16xi32>,
      %get3A_582 = arith.constant 608 : index
      %get3A_583 = tpu.vector_load %arg6[%get3A_582] {strides = array<i32>} : memref<1664xi32, #tpu.memory_space<vmem>>, vector<16xi32>,
      %get3A_584 = vector.shape_cast %get3A_583 : vector<16xi32> to vector<16xi32>
      %get3A_585 = arith.constant 4 : i32
      %get3A_586 = arith.index_cast %get3A_585 : i32 to index
      %get3A_587 = arith.constant 96 : index
      %get3A_588 = tpu.vector_load %arg7[%get3A_586, %get3A_587] {strides = array<i32>} : memref<13x128xi32, #tpu.memory_space<vmem>>, vector<1x16xi32>,
      %get3A_589 = vector.shape_cast %get3A_588 : vector<1x16xi32> to vector<16xi32>
      %add3A_590 = arith.addi %get3A_584, %get3A_589 : vector<16xi32>
      %swap3A_591 = arith.constant 4 : i32
      %swap3A_592 = arith.index_cast %swap3A_591 : i32 to index
      %swap3A_593 = arith.constant 96 : index
      %swap3A_594 = tpu.vector_load %arg8[%swap3A_592, %swap3A_593] {strides = array<i32>} : memref<13x128xi32, #tpu.memory_space<vmem>>, vector<1x16xi32>,
      %swap3A_595 = vector.shape_cast %swap3A_594 : vector<1x16xi32> to vector<16xi32>
      %swap3A_596 = vector.shape_cast %add3A_590 : vector<16xi32> to vector<1x16xi32>
      tpu.vector_store %arg8[%swap3A_592, %swap3A_593], %swap3A_596 {strides = array<i32>} : memref<13x128xi32, #tpu.memory_space<vmem>>, vector<1x16xi32>,
      %get3A_597 = arith.constant 624 : index
      %get3A_598 = tpu.vector_load %arg6[%get3A_597] {strides = array<i32>} : memref<1664xi32, #tpu.memory_space<vmem>>, vector<16xi32>,
      %get3A_599 = vector.shape_cast %get3A_598 : vector<16xi32> to vector<16xi32>
      %get3A_600 = arith.constant 4 : i32
      %get3A_601 = arith.index_cast %get3A_600 : i32 to index
      %get3A_602 = arith.constant 112 : index
      %get3A_603 = tpu.vector_load %arg7[%get3A_601, %get3A_602] {strides = array<i32>} : memref<13x128xi32, #tpu.memory_space<vmem>>, vector<1x16xi32>,
      %get3A_604 = vector.shape_cast %get3A_603 : vector<1x16xi32> to vector<16xi32>
      %add3A_605 = arith.addi %get3A_599, %get3A_604 : vector<16xi32>
      %swap3A_606 = arith.constant 4 : i32
      %swap3A_607 = arith.index_cast %swap3A_606 : i32 to index
      %swap3A_608 = arith.constant 112 : index
      %swap3A_609 = tpu.vector_load %arg8[%swap3A_607, %swap3A_608] {strides = array<i32>} : memref<13x128xi32, #tpu.memory_space<vmem>>, vector<1x16xi32>,
      %swap3A_610 = vector.shape_cast %swap3A_609 : vector<1x16xi32> to vector<16xi32>
      %swap3A_611 = vector.shape_cast %add3A_605 : vector<16xi32> to vector<1x16xi32>
      tpu.vector_store %arg8[%swap3A_607, %swap3A_608], %swap3A_611 {strides = array<i32>} : memref<13x128xi32, #tpu.memory_space<vmem>>, vector<1x16xi32>,
      %get3A_612 = arith.constant 640 : index
      %get3A_613 = tpu.vector_load %arg6[%get3A_612] {strides = array<i32>} : memref<1664xi32, #tpu.memory_space<vmem>>, vector<16xi32>,
      %get3A_614 = vector.shape_cast %get3A_613 : vector<16xi32> to vector<16xi32>
      %get3A_615 = arith.constant 5 : i32
      %get3A_616 = arith.index_cast %get3A_615 : i32 to index
      %get3A_617 = arith.constant 0 : index
      %get3A_618 = tpu.vector_load %arg7[%get3A_616, %get3A_617] {strides = array<i32>} : memref<13x128xi32, #tpu.memory_space<vmem>>, vector<1x16xi32>,
      %get3A_619 = vector.shape_cast %get3A_618 : vector<1x16xi32> to vector<16xi32>
      %add3A_620 = arith.addi %get3A_614, %get3A_619 : vector<16xi32>
      %swap3A_621 = arith.constant 5 : i32
      %swap3A_622 = arith.index_cast %swap3A_621 : i32 to index
      %swap3A_623 = arith.constant 0 : index
      %swap3A_624 = tpu.vector_load %arg8[%swap3A_622, %swap3A_623] {strides = array<i32>} : memref<13x128xi32, #tpu.memory_space<vmem>>, vector<1x16xi32>,
      %swap3A_625 = vector.shape_cast %swap3A_624 : vector<1x16xi32> to vector<16xi32>
      %swap3A_626 = vector.shape_cast %add3A_620 : vector<16xi32> to vector<1x16xi32>
      tpu.vector_store %arg8[%swap3A_622, %swap3A_623], %swap3A_626 {strides = array<i32>} : memref<13x128xi32, #tpu.memory_space<vmem>>, vector<1x16xi32>,
      %get3A_627 = arith.constant 656 : index
      %get3A_628 = tpu.vector_load %arg6[%get3A_627] {strides = array<i32>} : memref<1664xi32, #tpu.memory_space<vmem>>, vector<16xi32>,
      %get3A_629 = vector.shape_cast %get3A_628 : vector<16xi32> to vector<16xi32>
      %get3A_630 = arith.constant 5 : i32
      %get3A_631 = arith.index_cast %get3A_630 : i32 to index
      %get3A_632 = arith.constant 16 : index
      %get3A_633 = tpu.vector_load %arg7[%get3A_631, %get3A_632] {strides = array<i32>} : memref<13x128xi32, #tpu.memory_space<vmem>>, vector<1x16xi32>,
      %get3A_634 = vector.shape_cast %get3A_633 : vector<1x16xi32> to vector<16xi32>
      %add3A_635 = arith.addi %get3A_629, %get3A_634 : vector<16xi32>
      %swap3A_636 = arith.constant 5 : i32
      %swap3A_637 = arith.index_cast %swap3A_636 : i32 to index
      %swap3A_638 = arith.constant 16 : index
      %swap3A_639 = tpu.vector_load %arg8[%swap3A_637, %swap3A_638] {strides = array<i32>} : memref<13x128xi32, #tpu.memory_space<vmem>>, vector<1x16xi32>,
      %swap3A_640 = vector.shape_cast %swap3A_639 : vector<1x16xi32> to vector<16xi32>
      %swap3A_641 = vector.shape_cast %add3A_635 : vector<16xi32> to vector<1x16xi32>
      tpu.vector_store %arg8[%swap3A_637, %swap3A_638], %swap3A_641 {strides = array<i32>} : memref<13x128xi32, #tpu.memory_space<vmem>>, vector<1x16xi32>,
      %get3A_642 = arith.constant 672 : index
      %get3A_643 = tpu.vector_load %arg6[%get3A_642] {strides = array<i32>} : memref<1664xi32, #tpu.memory_space<vmem>>, vector<16xi32>,
      %get3A_644 = vector.shape_cast %get3A_643 : vector<16xi32> to vector<16xi32>
      %get3A_645 = arith.constant 5 : i32
      %get3A_646 = arith.index_cast %get3A_645 : i32 to index
      %get3A_647 = arith.constant 32 : index
      %get3A_648 = tpu.vector_load %arg7[%get3A_646, %get3A_647] {strides = array<i32>} : memref<13x128xi32, #tpu.memory_space<vmem>>, vector<1x16xi32>,
      %get3A_649 = vector.shape_cast %get3A_648 : vector<1x16xi32> to vector<16xi32>
      %add3A_650 = arith.addi %get3A_644, %get3A_649 : vector<16xi32>
      %swap3A_651 = arith.constant 5 : i32
      %swap3A_652 = arith.index_cast %swap3A_651 : i32 to index
      %swap3A_653 = arith.constant 32 : index
      %swap3A_654 = tpu.vector_load %arg8[%swap3A_652, %swap3A_653] {strides = array<i32>} : memref<13x128xi32, #tpu.memory_space<vmem>>, vector<1x16xi32>,
      %swap3A_655 = vector.shape_cast %swap3A_654 : vector<1x16xi32> to vector<16xi32>
      %swap3A_656 = vector.shape_cast %add3A_650 : vector<16xi32> to vector<1x16xi32>
      tpu.vector_store %arg8[%swap3A_652, %swap3A_653], %swap3A_656 {strides = array<i32>} : memref<13x128xi32, #tpu.memory_space<vmem>>, vector<1x16xi32>,
      %get3A_657 = arith.constant 688 : index
      %get3A_658 = tpu.vector_load %arg6[%get3A_657] {strides = array<i32>} : memref<1664xi32, #tpu.memory_space<vmem>>, vector<16xi32>,
      %get3A_659 = vector.shape_cast %get3A_658 : vector<16xi32> to vector<16xi32>
      %get3A_660 = arith.constant 5 : i32
      %get3A_661 = arith.index_cast %get3A_660 : i32 to index
      %get3A_662 = arith.constant 48 : index
      %get3A_663 = tpu.vector_load %arg7[%get3A_661, %get3A_662] {strides = array<i32>} : memref<13x128xi32, #tpu.memory_space<vmem>>, vector<1x16xi32>,
      %get3A_664 = vector.shape_cast %get3A_663 : vector<1x16xi32> to vector<16xi32>
      %add3A_665 = arith.addi %get3A_659, %get3A_664 : vector<16xi32>
      %swap3A_666 = arith.constant 5 : i32
      %swap3A_667 = arith.index_cast %swap3A_666 : i32 to index
      %swap3A_668 = arith.constant 48 : index
      %swap3A_669 = tpu.vector_load %arg8[%swap3A_667, %swap3A_668] {strides = array<i32>} : memref<13x128xi32, #tpu.memory_space<vmem>>, vector<1x16xi32>,
      %swap3A_670 = vector.shape_cast %swap3A_669 : vector<1x16xi32> to vector<16xi32>
      %swap3A_671 = vector.shape_cast %add3A_665 : vector<16xi32> to vector<1x16xi32>
      tpu.vector_store %arg8[%swap3A_667, %swap3A_668], %swap3A_671 {strides = array<i32>} : memref<13x128xi32, #tpu.memory_space<vmem>>, vector<1x16xi32>,
      %get3A_672 = arith.constant 704 : index
      %get3A_673 = tpu.vector_load %arg6[%get3A_672] {strides = array<i32>} : memref<1664xi32, #tpu.memory_space<vmem>>, vector<16xi32>,
      %get3A_674 = vector.shape_cast %get3A_673 : vector<16xi32> to vector<16xi32>
      %get3A_675 = arith.constant 5 : i32
      %get3A_676 = arith.index_cast %get3A_675 : i32 to index
      %get3A_677 = arith.constant 64 : index
      %get3A_678 = tpu.vector_load %arg7[%get3A_676, %get3A_677] {strides = array<i32>} : memref<13x128xi32, #tpu.memory_space<vmem>>, vector<1x16xi32>,
      %get3A_679 = vector.shape_cast %get3A_678 : vector<1x16xi32> to vector<16xi32>
      %add3A_680 = arith.addi %get3A_674, %get3A_679 : vector<16xi32>
      %swap3A_681 = arith.constant 5 : i32
      %swap3A_682 = arith.index_cast %swap3A_681 : i32 to index
      %swap3A_683 = arith.constant 64 : index
      %swap3A_684 = tpu.vector_load %arg8[%swap3A_682, %swap3A_683] {strides = array<i32>} : memref<13x128xi32, #tpu.memory_space<vmem>>, vector<1x16xi32>,
      %swap3A_685 = vector.shape_cast %swap3A_684 : vector<1x16xi32> to vector<16xi32>
      %swap3A_686 = vector.shape_cast %add3A_680 : vector<16xi32> to vector<1x16xi32>
      tpu.vector_store %arg8[%swap3A_682, %swap3A_683], %swap3A_686 {strides = array<i32>} : memref<13x128xi32, #tpu.memory_space<vmem>>, vector<1x16xi32>,
      %get3A_687 = arith.constant 720 : index
      %get3A_688 = tpu.vector_load %arg6[%get3A_687] {strides = array<i32>} : memref<1664xi32, #tpu.memory_space<vmem>>, vector<16xi32>,
      %get3A_689 = vector.shape_cast %get3A_688 : vector<16xi32> to vector<16xi32>
      %get3A_690 = arith.constant 5 : i32
      %get3A_691 = arith.index_cast %get3A_690 : i32 to index
      %get3A_692 = arith.constant 80 : index
      %get3A_693 = tpu.vector_load %arg7[%get3A_691, %get3A_692] {strides = array<i32>} : memref<13x128xi32, #tpu.memory_space<vmem>>, vector<1x16xi32>,
      %get3A_694 = vector.shape_cast %get3A_693 : vector<1x16xi32> to vector<16xi32>
      %add3A_695 = arith.addi %get3A_689, %get3A_694 : vector<16xi32>
      %swap3A_696 = arith.constant 5 : i32
      %swap3A_697 = arith.index_cast %swap3A_696 : i32 to index
      %swap3A_698 = arith.constant 80 : index
      %swap3A_699 = tpu.vector_load %arg8[%swap3A_697, %swap3A_698] {strides = array<i32>} : memref<13x128xi32, #tpu.memory_space<vmem>>, vector<1x16xi32>,
      %swap3A_700 = vector.shape_cast %swap3A_699 : vector<1x16xi32> to vector<16xi32>
      %swap3A_701 = vector.shape_cast %add3A_695 : vector<16xi32> to vector<1x16xi32>
      tpu.vector_store %arg8[%swap3A_697, %swap3A_698], %swap3A_701 {strides = array<i32>} : memref<13x128xi32, #tpu.memory_space<vmem>>, vector<1x16xi32>,
      %get3A_702 = arith.constant 736 : index
      %get3A_703 = tpu.vector_load %arg6[%get3A_702] {strides = array<i32>} : memref<1664xi32, #tpu.memory_space<vmem>>, vector<16xi32>,
      %get3A_704 = vector.shape_cast %get3A_703 : vector<16xi32> to vector<16xi32>
      %get3A_705 = arith.constant 5 : i32
      %get3A_706 = arith.index_cast %get3A_705 : i32 to index
      %get3A_707 = arith.constant 96 : index
      %get3A_708 = tpu.vector_load %arg7[%get3A_706, %get3A_707] {strides = array<i32>} : memref<13x128xi32, #tpu.memory_space<vmem>>, vector<1x16xi32>,
      %get3A_709 = vector.shape_cast %get3A_708 : vector<1x16xi32> to vector<16xi32>
      %add3A_710 = arith.addi %get3A_704, %get3A_709 : vector<16xi32>
      %swap3A_711 = arith.constant 5 : i32
      %swap3A_712 = arith.index_cast %swap3A_711 : i32 to index
      %swap3A_713 = arith.constant 96 : index
      %swap3A_714 = tpu.vector_load %arg8[%swap3A_712, %swap3A_713] {strides = array<i32>} : memref<13x128xi32, #tpu.memory_space<vmem>>, vector<1x16xi32>,
      %swap3A_715 = vector.shape_cast %swap3A_714 : vector<1x16xi32> to vector<16xi32>
      %swap3A_716 = vector.shape_cast %add3A_710 : vector<16xi32> to vector<1x16xi32>
      tpu.vector_store %arg8[%swap3A_712, %swap3A_713], %swap3A_716 {strides = array<i32>} : memref<13x128xi32, #tpu.memory_space<vmem>>, vector<1x16xi32>,
      %get3A_717 = arith.constant 752 : index
      %get3A_718 = tpu.vector_load %arg6[%get3A_717] {strides = array<i32>} : memref<1664xi32, #tpu.memory_space<vmem>>, vector<16xi32>,
      %get3A_719 = vector.shape_cast %get3A_718 : vector<16xi32> to vector<16xi32>
      %get3A_720 = arith.constant 5 : i32
      %get3A_721 = arith.index_cast %get3A_720 : i32 to index
      %get3A_722 = arith.constant 112 : index
      %get3A_723 = tpu.vector_load %arg7[%get3A_721, %get3A_722] {strides = array<i32>} : memref<13x128xi32, #tpu.memory_space<vmem>>, vector<1x16xi32>,
      %get3A_724 = vector.shape_cast %get3A_723 : vector<1x16xi32> to vector<16xi32>
      %add3A_725 = arith.addi %get3A_719, %get3A_724 : vector<16xi32>
      %swap3A_726 = arith.constant 5 : i32
      %swap3A_727 = arith.index_cast %swap3A_726 : i32 to index
      %swap3A_728 = arith.constant 112 : index
      %swap3A_729 = tpu.vector_load %arg8[%swap3A_727, %swap3A_728] {strides = array<i32>} : memref<13x128xi32, #tpu.memory_space<vmem>>, vector<1x16xi32>,
      %swap3A_730 = vector.shape_cast %swap3A_729 : vector<1x16xi32> to vector<16xi32>
      %swap3A_731 = vector.shape_cast %add3A_725 : vector<16xi32> to vector<1x16xi32>
      tpu.vector_store %arg8[%swap3A_727, %swap3A_728], %swap3A_731 {strides = array<i32>} : memref<13x128xi32, #tpu.memory_space<vmem>>, vector<1x16xi32>,
      %get3A_732 = arith.constant 768 : index
      %get3A_733 = tpu.vector_load %arg6[%get3A_732] {strides = array<i32>} : memref<1664xi32, #tpu.memory_space<vmem>>, vector<16xi32>,
      %get3A_734 = vector.shape_cast %get3A_733 : vector<16xi32> to vector<16xi32>
      %get3A_735 = arith.constant 6 : i32
      %get3A_736 = arith.index_cast %get3A_735 : i32 to index
      %get3A_737 = arith.constant 0 : index
      %get3A_738 = tpu.vector_load %arg7[%get3A_736, %get3A_737] {strides = array<i32>} : memref<13x128xi32, #tpu.memory_space<vmem>>, vector<1x16xi32>,
      %get3A_739 = vector.shape_cast %get3A_738 : vector<1x16xi32> to vector<16xi32>
      %add3A_740 = arith.addi %get3A_734, %get3A_739 : vector<16xi32>
      %swap3A_741 = arith.constant 6 : i32
      %swap3A_742 = arith.index_cast %swap3A_741 : i32 to index
      %swap3A_743 = arith.constant 0 : index
      %swap3A_744 = tpu.vector_load %arg8[%swap3A_742, %swap3A_743] {strides = array<i32>} : memref<13x128xi32, #tpu.memory_space<vmem>>, vector<1x16xi32>,
      %swap3A_745 = vector.shape_cast %swap3A_744 : vector<1x16xi32> to vector<16xi32>
      %swap3A_746 = vector.shape_cast %add3A_740 : vector<16xi32> to vector<1x16xi32>
      tpu.vector_store %arg8[%swap3A_742, %swap3A_743], %swap3A_746 {strides = array<i32>} : memref<13x128xi32, #tpu.memory_space<vmem>>, vector<1x16xi32>,
      %get3A_747 = arith.constant 784 : index
      %get3A_748 = tpu.vector_load %arg6[%get3A_747] {strides = array<i32>} : memref<1664xi32, #tpu.memory_space<vmem>>, vector<16xi32>,
      %get3A_749 = vector.shape_cast %get3A_748 : vector<16xi32> to vector<16xi32>
      %get3A_750 = arith.constant 6 : i32
      %get3A_751 = arith.index_cast %get3A_750 : i32 to index
      %get3A_752 = arith.constant 16 : index
      %get3A_753 = tpu.vector_load %arg7[%get3A_751, %get3A_752] {strides = array<i32>} : memref<13x128xi32, #tpu.memory_space<vmem>>, vector<1x16xi32>,
      %get3A_754 = vector.shape_cast %get3A_753 : vector<1x16xi32> to vector<16xi32>
      %add3A_755 = arith.addi %get3A_749, %get3A_754 : vector<16xi32>
      %swap3A_756 = arith.constant 6 : i32
      %swap3A_757 = arith.index_cast %swap3A_756 : i32 to index
      %swap3A_758 = arith.constant 16 : index
      %swap3A_759 = tpu.vector_load %arg8[%swap3A_757, %swap3A_758] {strides = array<i32>} : memref<13x128xi32, #tpu.memory_space<vmem>>, vector<1x16xi32>,
      %swap3A_760 = vector.shape_cast %swap3A_759 : vector<1x16xi32> to vector<16xi32>
      %swap3A_761 = vector.shape_cast %add3A_755 : vector<16xi32> to vector<1x16xi32>
      tpu.vector_store %arg8[%swap3A_757, %swap3A_758], %swap3A_761 {strides = array<i32>} : memref<13x128xi32, #tpu.memory_space<vmem>>, vector<1x16xi32>,
      %get3A_762 = arith.constant 800 : index
      %get3A_763 = tpu.vector_load %arg6[%get3A_762] {strides = array<i32>} : memref<1664xi32, #tpu.memory_space<vmem>>, vector<16xi32>,
      %get3A_764 = vector.shape_cast %get3A_763 : vector<16xi32> to vector<16xi32>
      %get3A_765 = arith.constant 6 : i32
      %get3A_766 = arith.index_cast %get3A_765 : i32 to index
      %get3A_767 = arith.constant 32 : index
      %get3A_768 = tpu.vector_load %arg7[%get3A_766, %get3A_767] {strides = array<i32>} : memref<13x128xi32, #tpu.memory_space<vmem>>, vector<1x16xi32>,
      %get3A_769 = vector.shape_cast %get3A_768 : vector<1x16xi32> to vector<16xi32>
      %add3A_770 = arith.addi %get3A_764, %get3A_769 : vector<16xi32>
      %swap3A_771 = arith.constant 6 : i32
      %swap3A_772 = arith.index_cast %swap3A_771 : i32 to index
      %swap3A_773 = arith.constant 32 : index
      %swap3A_774 = tpu.vector_load %arg8[%swap3A_772, %swap3A_773] {strides = array<i32>} : memref<13x128xi32, #tpu.memory_space<vmem>>, vector<1x16xi32>,
      %swap3A_775 = vector.shape_cast %swap3A_774 : vector<1x16xi32> to vector<16xi32>
      %swap3A_776 = vector.shape_cast %add3A_770 : vector<16xi32> to vector<1x16xi32>
      tpu.vector_store %arg8[%swap3A_772, %swap3A_773], %swap3A_776 {strides = array<i32>} : memref<13x128xi32, #tpu.memory_space<vmem>>, vector<1x16xi32>,
      %get3A_777 = arith.constant 816 : index
      %get3A_778 = tpu.vector_load %arg6[%get3A_777] {strides = array<i32>} : memref<1664xi32, #tpu.memory_space<vmem>>, vector<16xi32>,
      %get3A_779 = vector.shape_cast %get3A_778 : vector<16xi32> to vector<16xi32>
      %get3A_780 = arith.constant 6 : i32
      %get3A_781 = arith.index_cast %get3A_780 : i32 to index
      %get3A_782 = arith.constant 48 : index
      %get3A_783 = tpu.vector_load %arg7[%get3A_781, %get3A_782] {strides = array<i32>} : memref<13x128xi32, #tpu.memory_space<vmem>>, vector<1x16xi32>,
      %get3A_784 = vector.shape_cast %get3A_783 : vector<1x16xi32> to vector<16xi32>
      %add3A_785 = arith.addi %get3A_779, %get3A_784 : vector<16xi32>
      %swap3A_786 = arith.constant 6 : i32
      %swap3A_787 = arith.index_cast %swap3A_786 : i32 to index
      %swap3A_788 = arith.constant 48 : index
      %swap3A_789 = tpu.vector_load %arg8[%swap3A_787, %swap3A_788] {strides = array<i32>} : memref<13x128xi32, #tpu.memory_space<vmem>>, vector<1x16xi32>,
      %swap3A_790 = vector.shape_cast %swap3A_789 : vector<1x16xi32> to vector<16xi32>
      %swap3A_791 = vector.shape_cast %add3A_785 : vector<16xi32> to vector<1x16xi32>
      tpu.vector_store %arg8[%swap3A_787, %swap3A_788], %swap3A_791 {strides = array<i32>} : memref<13x128xi32, #tpu.memory_space<vmem>>, vector<1x16xi32>,
      %get3A_792 = arith.constant 832 : index
      %get3A_793 = tpu.vector_load %arg6[%get3A_792] {strides = array<i32>} : memref<1664xi32, #tpu.memory_space<vmem>>, vector<16xi32>,
      %get3A_794 = vector.shape_cast %get3A_793 : vector<16xi32> to vector<16xi32>
      %get3A_795 = arith.constant 6 : i32
      %get3A_796 = arith.index_cast %get3A_795 : i32 to index
      %get3A_797 = arith.constant 64 : index
      %get3A_798 = tpu.vector_load %arg7[%get3A_796, %get3A_797] {strides = array<i32>} : memref<13x128xi32, #tpu.memory_space<vmem>>, vector<1x16xi32>,
      %get3A_799 = vector.shape_cast %get3A_798 : vector<1x16xi32> to vector<16xi32>
      %add3A_800 = arith.addi %get3A_794, %get3A_799 : vector<16xi32>
      %swap3A_801 = arith.constant 6 : i32
      %swap3A_802 = arith.index_cast %swap3A_801 : i32 to index
      %swap3A_803 = arith.constant 64 : index
      %swap3A_804 = tpu.vector_load %arg8[%swap3A_802, %swap3A_803] {strides = array<i32>} : memref<13x128xi32, #tpu.memory_space<vmem>>, vector<1x16xi32>,
      %swap3A_805 = vector.shape_cast %swap3A_804 : vector<1x16xi32> to vector<16xi32>
      %swap3A_806 = vector.shape_cast %add3A_800 : vector<16xi32> to vector<1x16xi32>
      tpu.vector_store %arg8[%swap3A_802, %swap3A_803], %swap3A_806 {strides = array<i32>} : memref<13x128xi32, #tpu.memory_space<vmem>>, vector<1x16xi32>,
      %get3A_807 = arith.constant 848 : index
      %get3A_808 = tpu.vector_load %arg6[%get3A_807] {strides = array<i32>} : memref<1664xi32, #tpu.memory_space<vmem>>, vector<16xi32>,
      %get3A_809 = vector.shape_cast %get3A_808 : vector<16xi32> to vector<16xi32>
      %get3A_810 = arith.constant 6 : i32
      %get3A_811 = arith.index_cast %get3A_810 : i32 to index
      %get3A_812 = arith.constant 80 : index
      %get3A_813 = tpu.vector_load %arg7[%get3A_811, %get3A_812] {strides = array<i32>} : memref<13x128xi32, #tpu.memory_space<vmem>>, vector<1x16xi32>,
      %get3A_814 = vector.shape_cast %get3A_813 : vector<1x16xi32> to vector<16xi32>
      %add3A_815 = arith.addi %get3A_809, %get3A_814 : vector<16xi32>
      %swap3A_816 = arith.constant 6 : i32
      %swap3A_817 = arith.index_cast %swap3A_816 : i32 to index
      %swap3A_818 = arith.constant 80 : index
      %swap3A_819 = tpu.vector_load %arg8[%swap3A_817, %swap3A_818] {strides = array<i32>} : memref<13x128xi32, #tpu.memory_space<vmem>>, vector<1x16xi32>,
      %swap3A_820 = vector.shape_cast %swap3A_819 : vector<1x16xi32> to vector<16xi32>
      %swap3A_821 = vector.shape_cast %add3A_815 : vector<16xi32> to vector<1x16xi32>
      tpu.vector_store %arg8[%swap3A_817, %swap3A_818], %swap3A_821 {strides = array<i32>} : memref<13x128xi32, #tpu.memory_space<vmem>>, vector<1x16xi32>,
      %get3A_822 = arith.constant 864 : index
      %get3A_823 = tpu.vector_load %arg6[%get3A_822] {strides = array<i32>} : memref<1664xi32, #tpu.memory_space<vmem>>, vector<16xi32>,
      %get3A_824 = vector.shape_cast %get3A_823 : vector<16xi32> to vector<16xi32>
      %get3A_825 = arith.constant 6 : i32
      %get3A_826 = arith.index_cast %get3A_825 : i32 to index
      %get3A_827 = arith.constant 96 : index
      %get3A_828 = tpu.vector_load %arg7[%get3A_826, %get3A_827] {strides = array<i32>} : memref<13x128xi32, #tpu.memory_space<vmem>>, vector<1x16xi32>,
      %get3A_829 = vector.shape_cast %get3A_828 : vector<1x16xi32> to vector<16xi32>
      %add3A_830 = arith.addi %get3A_824, %get3A_829 : vector<16xi32>
      %swap3A_831 = arith.constant 6 : i32
      %swap3A_832 = arith.index_cast %swap3A_831 : i32 to index
      %swap3A_833 = arith.constant 96 : index
      %swap3A_834 = tpu.vector_load %arg8[%swap3A_832, %swap3A_833] {strides = array<i32>} : memref<13x128xi32, #tpu.memory_space<vmem>>, vector<1x16xi32>,
      %swap3A_835 = vector.shape_cast %swap3A_834 : vector<1x16xi32> to vector<16xi32>
      %swap3A_836 = vector.shape_cast %add3A_830 : vector<16xi32> to vector<1x16xi32>
      tpu.vector_store %arg8[%swap3A_832, %swap3A_833], %swap3A_836 {strides = array<i32>} : memref<13x128xi32, #tpu.memory_space<vmem>>, vector<1x16xi32>,
      %get3A_837 = arith.constant 880 : index
      %get3A_838 = tpu.vector_load %arg6[%get3A_837] {strides = array<i32>} : memref<1664xi32, #tpu.memory_space<vmem>>, vector<16xi32>,
      %get3A_839 = vector.shape_cast %get3A_838 : vector<16xi32> to vector<16xi32>
      %get3A_840 = arith.constant 6 : i32
      %get3A_841 = arith.index_cast %get3A_840 : i32 to index
      %get3A_842 = arith.constant 112 : index
      %get3A_843 = tpu.vector_load %arg7[%get3A_841, %get3A_842] {strides = array<i32>} : memref<13x128xi32, #tpu.memory_space<vmem>>, vector<1x16xi32>,
      %get3A_844 = vector.shape_cast %get3A_843 : vector<1x16xi32> to vector<16xi32>
      %add3A_845 = arith.addi %get3A_839, %get3A_844 : vector<16xi32>
      %swap3A_846 = arith.constant 6 : i32
      %swap3A_847 = arith.index_cast %swap3A_846 : i32 to index
      %swap3A_848 = arith.constant 112 : index
      %swap3A_849 = tpu.vector_load %arg8[%swap3A_847, %swap3A_848] {strides = array<i32>} : memref<13x128xi32, #tpu.memory_space<vmem>>, vector<1x16xi32>,
      %swap3A_850 = vector.shape_cast %swap3A_849 : vector<1x16xi32> to vector<16xi32>
      %swap3A_851 = vector.shape_cast %add3A_845 : vector<16xi32> to vector<1x16xi32>
      tpu.vector_store %arg8[%swap3A_847, %swap3A_848], %swap3A_851 {strides = array<i32>} : memref<13x128xi32, #tpu.memory_space<vmem>>, vector<1x16xi32>,
      %get3A_852 = arith.constant 896 : index
      %get3A_853 = tpu.vector_load %arg6[%get3A_852] {strides = array<i32>} : memref<1664xi32, #tpu.memory_space<vmem>>, vector<16xi32>,
      %get3A_854 = vector.shape_cast %get3A_853 : vector<16xi32> to vector<16xi32>
      %get3A_855 = arith.constant 7 : i32
      %get3A_856 = arith.index_cast %get3A_855 : i32 to index
      %get3A_857 = arith.constant 0 : index
      %get3A_858 = tpu.vector_load %arg7[%get3A_856, %get3A_857] {strides = array<i32>} : memref<13x128xi32, #tpu.memory_space<vmem>>, vector<1x16xi32>,
      %get3A_859 = vector.shape_cast %get3A_858 : vector<1x16xi32> to vector<16xi32>
      %add3A_860 = arith.addi %get3A_854, %get3A_859 : vector<16xi32>
      %swap3A_861 = arith.constant 7 : i32
      %swap3A_862 = arith.index_cast %swap3A_861 : i32 to index
      %swap3A_863 = arith.constant 0 : index
      %swap3A_864 = tpu.vector_load %arg8[%swap3A_862, %swap3A_863] {strides = array<i32>} : memref<13x128xi32, #tpu.memory_space<vmem>>, vector<1x16xi32>,
      %swap3A_865 = vector.shape_cast %swap3A_864 : vector<1x16xi32> to vector<16xi32>
      %swap3A_866 = vector.shape_cast %add3A_860 : vector<16xi32> to vector<1x16xi32>
      tpu.vector_store %arg8[%swap3A_862, %swap3A_863], %swap3A_866 {strides = array<i32>} : memref<13x128xi32, #tpu.memory_space<vmem>>, vector<1x16xi32>,
      %get3A_867 = arith.constant 912 : index
      %get3A_868 = tpu.vector_load %arg6[%get3A_867] {strides = array<i32>} : memref<1664xi32, #tpu.memory_space<vmem>>, vector<16xi32>,
      %get3A_869 = vector.shape_cast %get3A_868 : vector<16xi32> to vector<16xi32>
      %get3A_870 = arith.constant 7 : i32
      %get3A_871 = arith.index_cast %get3A_870 : i32 to index
      %get3A_872 = arith.constant 16 : index
      %get3A_873 = tpu.vector_load %arg7[%get3A_871, %get3A_872] {strides = array<i32>} : memref<13x128xi32, #tpu.memory_space<vmem>>, vector<1x16xi32>,
      %get3A_874 = vector.shape_cast %get3A_873 : vector<1x16xi32> to vector<16xi32>
      %add3A_875 = arith.addi %get3A_869, %get3A_874 : vector<16xi32>
      %swap3A_876 = arith.constant 7 : i32
      %swap3A_877 = arith.index_cast %swap3A_876 : i32 to index
      %swap3A_878 = arith.constant 16 : index
      %swap3A_879 = tpu.vector_load %arg8[%swap3A_877, %swap3A_878] {strides = array<i32>} : memref<13x128xi32, #tpu.memory_space<vmem>>, vector<1x16xi32>,
      %swap3A_880 = vector.shape_cast %swap3A_879 : vector<1x16xi32> to vector<16xi32>
      %swap3A_881 = vector.shape_cast %add3A_875 : vector<16xi32> to vector<1x16xi32>
      tpu.vector_store %arg8[%swap3A_877, %swap3A_878], %swap3A_881 {strides = array<i32>} : memref<13x128xi32, #tpu.memory_space<vmem>>, vector<1x16xi32>,
      %get3A_882 = arith.constant 928 : index
      %get3A_883 = tpu.vector_load %arg6[%get3A_882] {strides = array<i32>} : memref<1664xi32, #tpu.memory_space<vmem>>, vector<16xi32>,
      %get3A_884 = vector.shape_cast %get3A_883 : vector<16xi32> to vector<16xi32>
      %get3A_885 = arith.constant 7 : i32
      %get3A_886 = arith.index_cast %get3A_885 : i32 to index
      %get3A_887 = arith.constant 32 : index
      %get3A_888 = tpu.vector_load %arg7[%get3A_886, %get3A_887] {strides = array<i32>} : memref<13x128xi32, #tpu.memory_space<vmem>>, vector<1x16xi32>,
      %get3A_889 = vector.shape_cast %get3A_888 : vector<1x16xi32> to vector<16xi32>
      %add3A_890 = arith.addi %get3A_884, %get3A_889 : vector<16xi32>
      %swap3A_891 = arith.constant 7 : i32
      %swap3A_892 = arith.index_cast %swap3A_891 : i32 to index
      %swap3A_893 = arith.constant 32 : index
      %swap3A_894 = tpu.vector_load %arg8[%swap3A_892, %swap3A_893] {strides = array<i32>} : memref<13x128xi32, #tpu.memory_space<vmem>>, vector<1x16xi32>,
      %swap3A_895 = vector.shape_cast %swap3A_894 : vector<1x16xi32> to vector<16xi32>
      %swap3A_896 = vector.shape_cast %add3A_890 : vector<16xi32> to vector<1x16xi32>
      tpu.vector_store %arg8[%swap3A_892, %swap3A_893], %swap3A_896 {strides = array<i32>} : memref<13x128xi32, #tpu.memory_space<vmem>>, vector<1x16xi32>,
      %get3A_897 = arith.constant 944 : index
      %get3A_898 = tpu.vector_load %arg6[%get3A_897] {strides = array<i32>} : memref<1664xi32, #tpu.memory_space<vmem>>, vector<16xi32>,
      %get3A_899 = vector.shape_cast %get3A_898 : vector<16xi32> to vector<16xi32>
      %get3A_900 = arith.constant 7 : i32
      %get3A_901 = arith.index_cast %get3A_900 : i32 to index
      %get3A_902 = arith.constant 48 : index
      %get3A_903 = tpu.vector_load %arg7[%get3A_901, %get3A_902] {strides = array<i32>} : memref<13x128xi32, #tpu.memory_space<vmem>>, vector<1x16xi32>,
      %get3A_904 = vector.shape_cast %get3A_903 : vector<1x16xi32> to vector<16xi32>
      %add3A_905 = arith.addi %get3A_899, %get3A_904 : vector<16xi32>
      %swap3A_906 = arith.constant 7 : i32
      %swap3A_907 = arith.index_cast %swap3A_906 : i32 to index
      %swap3A_908 = arith.constant 48 : index
      %swap3A_909 = tpu.vector_load %arg8[%swap3A_907, %swap3A_908] {strides = array<i32>} : memref<13x128xi32, #tpu.memory_space<vmem>>, vector<1x16xi32>,
      %swap3A_910 = vector.shape_cast %swap3A_909 : vector<1x16xi32> to vector<16xi32>
      %swap3A_911 = vector.shape_cast %add3A_905 : vector<16xi32> to vector<1x16xi32>
      tpu.vector_store %arg8[%swap3A_907, %swap3A_908], %swap3A_911 {strides = array<i32>} : memref<13x128xi32, #tpu.memory_space<vmem>>, vector<1x16xi32>,
      %get3A_912 = arith.constant 960 : index
      %get3A_913 = tpu.vector_load %arg6[%get3A_912] {strides = array<i32>} : memref<1664xi32, #tpu.memory_space<vmem>>, vector<16xi32>,
      %get3A_914 = vector.shape_cast %get3A_913 : vector<16xi32> to vector<16xi32>
      %get3A_915 = arith.constant 7 : i32
      %get3A_916 = arith.index_cast %get3A_915 : i32 to index
      %get3A_917 = arith.constant 64 : index
      %get3A_918 = tpu.vector_load %arg7[%get3A_916, %get3A_917] {strides = array<i32>} : memref<13x128xi32, #tpu.memory_space<vmem>>, vector<1x16xi32>,
      %get3A_919 = vector.shape_cast %get3A_918 : vector<1x16xi32> to vector<16xi32>
      %add3A_920 = arith.addi %get3A_914, %get3A_919 : vector<16xi32>
      %swap3A_921 = arith.constant 7 : i32
      %swap3A_922 = arith.index_cast %swap3A_921 : i32 to index
      %swap3A_923 = arith.constant 64 : index
      %swap3A_924 = tpu.vector_load %arg8[%swap3A_922, %swap3A_923] {strides = array<i32>} : memref<13x128xi32, #tpu.memory_space<vmem>>, vector<1x16xi32>,
      %swap3A_925 = vector.shape_cast %swap3A_924 : vector<1x16xi32> to vector<16xi32>
      %swap3A_926 = vector.shape_cast %add3A_920 : vector<16xi32> to vector<1x16xi32>
      tpu.vector_store %arg8[%swap3A_922, %swap3A_923], %swap3A_926 {strides = array<i32>} : memref<13x128xi32, #tpu.memory_space<vmem>>, vector<1x16xi32>,
      %get3A_927 = arith.constant 976 : index
      %get3A_928 = tpu.vector_load %arg6[%get3A_927] {strides = array<i32>} : memref<1664xi32, #tpu.memory_space<vmem>>, vector<16xi32>,
      %get3A_929 = vector.shape_cast %get3A_928 : vector<16xi32> to vector<16xi32>
      %get3A_930 = arith.constant 7 : i32
      %get3A_931 = arith.index_cast %get3A_930 : i32 to index
      %get3A_932 = arith.constant 80 : index
      %get3A_933 = tpu.vector_load %arg7[%get3A_931, %get3A_932] {strides = array<i32>} : memref<13x128xi32, #tpu.memory_space<vmem>>, vector<1x16xi32>,
      %get3A_934 = vector.shape_cast %get3A_933 : vector<1x16xi32> to vector<16xi32>
      %add3A_935 = arith.addi %get3A_929, %get3A_934 : vector<16xi32>
      %swap3A_936 = arith.constant 7 : i32
      %swap3A_937 = arith.index_cast %swap3A_936 : i32 to index
      %swap3A_938 = arith.constant 80 : index
      %swap3A_939 = tpu.vector_load %arg8[%swap3A_937, %swap3A_938] {strides = array<i32>} : memref<13x128xi32, #tpu.memory_space<vmem>>, vector<1x16xi32>,
      %swap3A_940 = vector.shape_cast %swap3A_939 : vector<1x16xi32> to vector<16xi32>
      %swap3A_941 = vector.shape_cast %add3A_935 : vector<16xi32> to vector<1x16xi32>
      tpu.vector_store %arg8[%swap3A_937, %swap3A_938], %swap3A_941 {strides = array<i32>} : memref<13x128xi32, #tpu.memory_space<vmem>>, vector<1x16xi32>,
      %get3A_942 = arith.constant 992 : index
      %get3A_943 = tpu.vector_load %arg6[%get3A_942] {strides = array<i32>} : memref<1664xi32, #tpu.memory_space<vmem>>, vector<16xi32>,
      %get3A_944 = vector.shape_cast %get3A_943 : vector<16xi32> to vector<16xi32>
      %get3A_945 = arith.constant 7 : i32
      %get3A_946 = arith.index_cast %get3A_945 : i32 to index
      %get3A_947 = arith.constant 96 : index
      %get3A_948 = tpu.vector_load %arg7[%get3A_946, %get3A_947] {strides = array<i32>} : memref<13x128xi32, #tpu.memory_space<vmem>>, vector<1x16xi32>,
      %get3A_949 = vector.shape_cast %get3A_948 : vector<1x16xi32> to vector<16xi32>
      %add3A_950 = arith.addi %get3A_944, %get3A_949 : vector<16xi32>
      %swap3A_951 = arith.constant 7 : i32
      %swap3A_952 = arith.index_cast %swap3A_951 : i32 to index
      %swap3A_953 = arith.constant 96 : index
      %swap3A_954 = tpu.vector_load %arg8[%swap3A_952, %swap3A_953] {strides = array<i32>} : memref<13x128xi32, #tpu.memory_space<vmem>>, vector<1x16xi32>,
      %swap3A_955 = vector.shape_cast %swap3A_954 : vector<1x16xi32> to vector<16xi32>
      %swap3A_956 = vector.shape_cast %add3A_950 : vector<16xi32> to vector<1x16xi32>
      tpu.vector_store %arg8[%swap3A_952, %swap3A_953], %swap3A_956 {strides = array<i32>} : memref<13x128xi32, #tpu.memory_space<vmem>>, vector<1x16xi32>,
      %get3A_957 = arith.constant 1008 : index
      %get3A_958 = tpu.vector_load %arg6[%get3A_957] {strides = array<i32>} : memref<1664xi32, #tpu.memory_space<vmem>>, vector<16xi32>,
      %get3A_959 = vector.shape_cast %get3A_958 : vector<16xi32> to vector<16xi32>
      %get3A_960 = arith.constant 7 : i32
      %get3A_961 = arith.index_cast %get3A_960 : i32 to index
      %get3A_962 = arith.constant 112 : index
      %get3A_963 = tpu.vector_load %arg7[%get3A_961, %get3A_962] {strides = array<i32>} : memref<13x128xi32, #tpu.memory_space<vmem>>, vector<1x16xi32>,
      %get3A_964 = vector.shape_cast %get3A_963 : vector<1x16xi32> to vector<16xi32>
      %add3A_965 = arith.addi %get3A_959, %get3A_964 : vector<16xi32>
      %swap3A_966 = arith.constant 7 : i32
      %swap3A_967 = arith.index_cast %swap3A_966 : i32 to index
      %swap3A_968 = arith.constant 112 : index
      %swap3A_969 = tpu.vector_load %arg8[%swap3A_967, %swap3A_968] {strides = array<i32>} : memref<13x128xi32, #tpu.memory_space<vmem>>, vector<1x16xi32>,
      %swap3A_970 = vector.shape_cast %swap3A_969 : vector<1x16xi32> to vector<16xi32>
      %swap3A_971 = vector.shape_cast %add3A_965 : vector<16xi32> to vector<1x16xi32>
      tpu.vector_store %arg8[%swap3A_967, %swap3A_968], %swap3A_971 {strides = array<i32>} : memref<13x128xi32, #tpu.memory_space<vmem>>, vector<1x16xi32>,
      %get3A_972 = arith.constant 1024 : index
      %get3A_973 = tpu.vector_load %arg6[%get3A_972] {strides = array<i32>} : memref<1664xi32, #tpu.memory_space<vmem>>, vector<16xi32>,
      %get3A_974 = vector.shape_cast %get3A_973 : vector<16xi32> to vector<16xi32>
      %get3A_975 = arith.constant 8 : i32
      %get3A_976 = arith.index_cast %get3A_975 : i32 to index
      %get3A_977 = arith.constant 0 : index
      %get3A_978 = tpu.vector_load %arg7[%get3A_976, %get3A_977] {strides = array<i32>} : memref<13x128xi32, #tpu.memory_space<vmem>>, vector<1x16xi32>,
      %get3A_979 = vector.shape_cast %get3A_978 : vector<1x16xi32> to vector<16xi32>
      %add3A_980 = arith.addi %get3A_974, %get3A_979 : vector<16xi32>
      %swap3A_981 = arith.constant 8 : i32
      %swap3A_982 = arith.index_cast %swap3A_981 : i32 to index
      %swap3A_983 = arith.constant 0 : index
      %swap3A_984 = tpu.vector_load %arg8[%swap3A_982, %swap3A_983] {strides = array<i32>} : memref<13x128xi32, #tpu.memory_space<vmem>>, vector<1x16xi32>,
      %swap3A_985 = vector.shape_cast %swap3A_984 : vector<1x16xi32> to vector<16xi32>
      %swap3A_986 = vector.shape_cast %add3A_980 : vector<16xi32> to vector<1x16xi32>
      tpu.vector_store %arg8[%swap3A_982, %swap3A_983], %swap3A_986 {strides = array<i32>} : memref<13x128xi32, #tpu.memory_space<vmem>>, vector<1x16xi32>,
      %get3A_987 = arith.constant 1040 : index
      %get3A_988 = tpu.vector_load %arg6[%get3A_987] {strides = array<i32>} : memref<1664xi32, #tpu.memory_space<vmem>>, vector<16xi32>,
      %get3A_989 = vector.shape_cast %get3A_988 : vector<16xi32> to vector<16xi32>
      %get3A_990 = arith.constant 8 : i32
      %get3A_991 = arith.index_cast %get3A_990 : i32 to index
      %get3A_992 = arith.constant 16 : index
      %get3A_993 = tpu.vector_load %arg7[%get3A_991, %get3A_992] {strides = array<i32>} : memref<13x128xi32, #tpu.memory_space<vmem>>, vector<1x16xi32>,
      %get3A_994 = vector.shape_cast %get3A_993 : vector<1x16xi32> to vector<16xi32>
      %add3A_995 = arith.addi %get3A_989, %get3A_994 : vector<16xi32>
      %swap3A_996 = arith.constant 8 : i32
      %swap3A_997 = arith.index_cast %swap3A_996 : i32 to index
      %swap3A_998 = arith.constant 16 : index
      %swap3A_999 = tpu.vector_load %arg8[%swap3A_997, %swap3A_998] {strides = array<i32>} : memref<13x128xi32, #tpu.memory_space<vmem>>, vector<1x16xi32>,
      %swap3A_1000 = vector.shape_cast %swap3A_999 : vector<1x16xi32> to vector<16xi32>
      %swap3A_1001 = vector.shape_cast %add3A_995 : vector<16xi32> to vector<1x16xi32>
      tpu.vector_store %arg8[%swap3A_997, %swap3A_998], %swap3A_1001 {strides = array<i32>} : memref<13x128xi32, #tpu.memory_space<vmem>>, vector<1x16xi32>,
      %get3A_1002 = arith.constant 1056 : index
      %get3A_1003 = tpu.vector_load %arg6[%get3A_1002] {strides = array<i32>} : memref<1664xi32, #tpu.memory_space<vmem>>, vector<16xi32>,
      %get3A_1004 = vector.shape_cast %get3A_1003 : vector<16xi32> to vector<16xi32>
      %get3A_1005 = arith.constant 8 : i32
      %get3A_1006 = arith.index_cast %get3A_1005 : i32 to index
      %get3A_1007 = arith.constant 32 : index
      %get3A_1008 = tpu.vector_load %arg7[%get3A_1006, %get3A_1007] {strides = array<i32>} : memref<13x128xi32, #tpu.memory_space<vmem>>, vector<1x16xi32>,
      %get3A_1009 = vector.shape_cast %get3A_1008 : vector<1x16xi32> to vector<16xi32>
      %add3A_1010 = arith.addi %get3A_1004, %get3A_1009 : vector<16xi32>
      %swap3A_1011 = arith.constant 8 : i32
      %swap3A_1012 = arith.index_cast %swap3A_1011 : i32 to index
      %swap3A_1013 = arith.constant 32 : index
      %swap3A_1014 = tpu.vector_load %arg8[%swap3A_1012, %swap3A_1013] {strides = array<i32>} : memref<13x128xi32, #tpu.memory_space<vmem>>, vector<1x16xi32>,
      %swap3A_1015 = vector.shape_cast %swap3A_1014 : vector<1x16xi32> to vector<16xi32>
      %swap3A_1016 = vector.shape_cast %add3A_1010 : vector<16xi32> to vector<1x16xi32>
      tpu.vector_store %arg8[%swap3A_1012, %swap3A_1013], %swap3A_1016 {strides = array<i32>} : memref<13x128xi32, #tpu.memory_space<vmem>>, vector<1x16xi32>,
      %get3A_1017 = arith.constant 1072 : index
      %get3A_1018 = tpu.vector_load %arg6[%get3A_1017] {strides = array<i32>} : memref<1664xi32, #tpu.memory_space<vmem>>, vector<16xi32>,
      %get3A_1019 = vector.shape_cast %get3A_1018 : vector<16xi32> to vector<16xi32>
      %get3A_1020 = arith.constant 8 : i32
      %get3A_1021 = arith.index_cast %get3A_1020 : i32 to index
      %get3A_1022 = arith.constant 48 : index
      %get3A_1023 = tpu.vector_load %arg7[%get3A_1021, %get3A_1022] {strides = array<i32>} : memref<13x128xi32, #tpu.memory_space<vmem>>, vector<1x16xi32>,
      %get3A_1024 = vector.shape_cast %get3A_1023 : vector<1x16xi32> to vector<16xi32>
      %add3A_1025 = arith.addi %get3A_1019, %get3A_1024 : vector<16xi32>
      %swap3A_1026 = arith.constant 8 : i32
      %swap3A_1027 = arith.index_cast %swap3A_1026 : i32 to index
      %swap3A_1028 = arith.constant 48 : index
      %swap3A_1029 = tpu.vector_load %arg8[%swap3A_1027, %swap3A_1028] {strides = array<i32>} : memref<13x128xi32, #tpu.memory_space<vmem>>, vector<1x16xi32>,
      %swap3A_1030 = vector.shape_cast %swap3A_1029 : vector<1x16xi32> to vector<16xi32>
      %swap3A_1031 = vector.shape_cast %add3A_1025 : vector<16xi32> to vector<1x16xi32>
      tpu.vector_store %arg8[%swap3A_1027, %swap3A_1028], %swap3A_1031 {strides = array<i32>} : memref<13x128xi32, #tpu.memory_space<vmem>>, vector<1x16xi32>,
      %get3A_1032 = arith.constant 1088 : index
      %get3A_1033 = tpu.vector_load %arg6[%get3A_1032] {strides = array<i32>} : memref<1664xi32, #tpu.memory_space<vmem>>, vector<16xi32>,
      %get3A_1034 = vector.shape_cast %get3A_1033 : vector<16xi32> to vector<16xi32>
      %get3A_1035 = arith.constant 8 : i32
      %get3A_1036 = arith.index_cast %get3A_1035 : i32 to index
      %get3A_1037 = arith.constant 64 : index
      %get3A_1038 = tpu.vector_load %arg7[%get3A_1036, %get3A_1037] {strides = array<i32>} : memref<13x128xi32, #tpu.memory_space<vmem>>, vector<1x16xi32>,
      %get3A_1039 = vector.shape_cast %get3A_1038 : vector<1x16xi32> to vector<16xi32>
      %add3A_1040 = arith.addi %get3A_1034, %get3A_1039 : vector<16xi32>
      %swap3A_1041 = arith.constant 8 : i32
      %swap3A_1042 = arith.index_cast %swap3A_1041 : i32 to index
      %swap3A_1043 = arith.constant 64 : index
      %swap3A_1044 = tpu.vector_load %arg8[%swap3A_1042, %swap3A_1043] {strides = array<i32>} : memref<13x128xi32, #tpu.memory_space<vmem>>, vector<1x16xi32>,
      %swap3A_1045 = vector.shape_cast %swap3A_1044 : vector<1x16xi32> to vector<16xi32>
      %swap3A_1046 = vector.shape_cast %add3A_1040 : vector<16xi32> to vector<1x16xi32>
      tpu.vector_store %arg8[%swap3A_1042, %swap3A_1043], %swap3A_1046 {strides = array<i32>} : memref<13x128xi32, #tpu.memory_space<vmem>>, vector<1x16xi32>,
      %get3A_1047 = arith.constant 1104 : index
      %get3A_1048 = tpu.vector_load %arg6[%get3A_1047] {strides = array<i32>} : memref<1664xi32, #tpu.memory_space<vmem>>, vector<16xi32>,
      %get3A_1049 = vector.shape_cast %get3A_1048 : vector<16xi32> to vector<16xi32>
      %get3A_1050 = arith.constant 8 : i32
      %get3A_1051 = arith.index_cast %get3A_1050 : i32 to index
      %get3A_1052 = arith.constant 80 : index
      %get3A_1053 = tpu.vector_load %arg7[%get3A_1051, %get3A_1052] {strides = array<i32>} : memref<13x128xi32, #tpu.memory_space<vmem>>, vector<1x16xi32>,
      %get3A_1054 = vector.shape_cast %get3A_1053 : vector<1x16xi32> to vector<16xi32>
      %add3A_1055 = arith.addi %get3A_1049, %get3A_1054 : vector<16xi32>
      %swap3A_1056 = arith.constant 8 : i32
      %swap3A_1057 = arith.index_cast %swap3A_1056 : i32 to index
      %swap3A_1058 = arith.constant 80 : index
      %swap3A_1059 = tpu.vector_load %arg8[%swap3A_1057, %swap3A_1058] {strides = array<i32>} : memref<13x128xi32, #tpu.memory_space<vmem>>, vector<1x16xi32>,
      %swap3A_1060 = vector.shape_cast %swap3A_1059 : vector<1x16xi32> to vector<16xi32>
      %swap3A_1061 = vector.shape_cast %add3A_1055 : vector<16xi32> to vector<1x16xi32>
      tpu.vector_store %arg8[%swap3A_1057, %swap3A_1058], %swap3A_1061 {strides = array<i32>} : memref<13x128xi32, #tpu.memory_space<vmem>>, vector<1x16xi32>,
      %get3A_1062 = arith.constant 1120 : index
      %get3A_1063 = tpu.vector_load %arg6[%get3A_1062] {strides = array<i32>} : memref<1664xi32, #tpu.memory_space<vmem>>, vector<16xi32>,
      %get3A_1064 = vector.shape_cast %get3A_1063 : vector<16xi32> to vector<16xi32>
      %get3A_1065 = arith.constant 8 : i32
      %get3A_1066 = arith.index_cast %get3A_1065 : i32 to index
      %get3A_1067 = arith.constant 96 : index
      %get3A_1068 = tpu.vector_load %arg7[%get3A_1066, %get3A_1067] {strides = array<i32>} : memref<13x128xi32, #tpu.memory_space<vmem>>, vector<1x16xi32>,
      %get3A_1069 = vector.shape_cast %get3A_1068 : vector<1x16xi32> to vector<16xi32>
      %add3A_1070 = arith.addi %get3A_1064, %get3A_1069 : vector<16xi32>
      %swap3A_1071 = arith.constant 8 : i32
      %swap3A_1072 = arith.index_cast %swap3A_1071 : i32 to index
      %swap3A_1073 = arith.constant 96 : index
      %swap3A_1074 = tpu.vector_load %arg8[%swap3A_1072, %swap3A_1073] {strides = array<i32>} : memref<13x128xi32, #tpu.memory_space<vmem>>, vector<1x16xi32>,
      %swap3A_1075 = vector.shape_cast %swap3A_1074 : vector<1x16xi32> to vector<16xi32>
      %swap3A_1076 = vector.shape_cast %add3A_1070 : vector<16xi32> to vector<1x16xi32>
      tpu.vector_store %arg8[%swap3A_1072, %swap3A_1073], %swap3A_1076 {strides = array<i32>} : memref<13x128xi32, #tpu.memory_space<vmem>>, vector<1x16xi32>,
      %get3A_1077 = arith.constant 1136 : index
      %get3A_1078 = tpu.vector_load %arg6[%get3A_1077] {strides = array<i32>} : memref<1664xi32, #tpu.memory_space<vmem>>, vector<16xi32>,
      %get3A_1079 = vector.shape_cast %get3A_1078 : vector<16xi32> to vector<16xi32>
      %get3A_1080 = arith.constant 8 : i32
      %get3A_1081 = arith.index_cast %get3A_1080 : i32 to index
      %get3A_1082 = arith.constant 112 : index
      %get3A_1083 = tpu.vector_load %arg7[%get3A_1081, %get3A_1082] {strides = array<i32>} : memref<13x128xi32, #tpu.memory_space<vmem>>, vector<1x16xi32>,
      %get3A_1084 = vector.shape_cast %get3A_1083 : vector<1x16xi32> to vector<16xi32>
      %add3A_1085 = arith.addi %get3A_1079, %get3A_1084 : vector<16xi32>
      %swap3A_1086 = arith.constant 8 : i32
      %swap3A_1087 = arith.index_cast %swap3A_1086 : i32 to index
      %swap3A_1088 = arith.constant 112 : index
      %swap3A_1089 = tpu.vector_load %arg8[%swap3A_1087, %swap3A_1088] {strides = array<i32>} : memref<13x128xi32, #tpu.memory_space<vmem>>, vector<1x16xi32>,
      %swap3A_1090 = vector.shape_cast %swap3A_1089 : vector<1x16xi32> to vector<16xi32>
      %swap3A_1091 = vector.shape_cast %add3A_1085 : vector<16xi32> to vector<1x16xi32>
      tpu.vector_store %arg8[%swap3A_1087, %swap3A_1088], %swap3A_1091 {strides = array<i32>} : memref<13x128xi32, #tpu.memory_space<vmem>>, vector<1x16xi32>,
      %get3A_1092 = arith.constant 1152 : index
      %get3A_1093 = tpu.vector_load %arg6[%get3A_1092] {strides = array<i32>} : memref<1664xi32, #tpu.memory_space<vmem>>, vector<16xi32>,
      %get3A_1094 = vector.shape_cast %get3A_1093 : vector<16xi32> to vector<16xi32>
      %get3A_1095 = arith.constant 9 : i32
      %get3A_1096 = arith.index_cast %get3A_1095 : i32 to index
      %get3A_1097 = arith.constant 0 : index
      %get3A_1098 = tpu.vector_load %arg7[%get3A_1096, %get3A_1097] {strides = array<i32>} : memref<13x128xi32, #tpu.memory_space<vmem>>, vector<1x16xi32>,
      %get3A_1099 = vector.shape_cast %get3A_1098 : vector<1x16xi32> to vector<16xi32>
      %add3A_1100 = arith.addi %get3A_1094, %get3A_1099 : vector<16xi32>
      %swap3A_1101 = arith.constant 9 : i32
      %swap3A_1102 = arith.index_cast %swap3A_1101 : i32 to index
      %swap3A_1103 = arith.constant 0 : index
      %swap3A_1104 = tpu.vector_load %arg8[%swap3A_1102, %swap3A_1103] {strides = array<i32>} : memref<13x128xi32, #tpu.memory_space<vmem>>, vector<1x16xi32>,
      %swap3A_1105 = vector.shape_cast %swap3A_1104 : vector<1x16xi32> to vector<16xi32>
      %swap3A_1106 = vector.shape_cast %add3A_1100 : vector<16xi32> to vector<1x16xi32>
      tpu.vector_store %arg8[%swap3A_1102, %swap3A_1103], %swap3A_1106 {strides = array<i32>} : memref<13x128xi32, #tpu.memory_space<vmem>>, vector<1x16xi32>,
      %get3A_1107 = arith.constant 1168 : index
      %get3A_1108 = tpu.vector_load %arg6[%get3A_1107] {strides = array<i32>} : memref<1664xi32, #tpu.memory_space<vmem>>, vector<16xi32>,
      %get3A_1109 = vector.shape_cast %get3A_1108 : vector<16xi32> to vector<16xi32>
      %get3A_1110 = arith.constant 9 : i32
      %get3A_1111 = arith.index_cast %get3A_1110 : i32 to index
      %get3A_1112 = arith.constant 16 : index
      %get3A_1113 = tpu.vector_load %arg7[%get3A_1111, %get3A_1112] {strides = array<i32>} : memref<13x128xi32, #tpu.memory_space<vmem>>, vector<1x16xi32>,
      %get3A_1114 = vector.shape_cast %get3A_1113 : vector<1x16xi32> to vector<16xi32>
      %add3A_1115 = arith.addi %get3A_1109, %get3A_1114 : vector<16xi32>
      %swap3A_1116 = arith.constant 9 : i32
      %swap3A_1117 = arith.index_cast %swap3A_1116 : i32 to index
      %swap3A_1118 = arith.constant 16 : index
      %swap3A_1119 = tpu.vector_load %arg8[%swap3A_1117, %swap3A_1118] {strides = array<i32>} : memref<13x128xi32, #tpu.memory_space<vmem>>, vector<1x16xi32>,
      %swap3A_1120 = vector.shape_cast %swap3A_1119 : vector<1x16xi32> to vector<16xi32>
      %swap3A_1121 = vector.shape_cast %add3A_1115 : vector<16xi32> to vector<1x16xi32>
      tpu.vector_store %arg8[%swap3A_1117, %swap3A_1118], %swap3A_1121 {strides = array<i32>} : memref<13x128xi32, #tpu.memory_space<vmem>>, vector<1x16xi32>,
      %get3A_1122 = arith.constant 1184 : index
      %get3A_1123 = tpu.vector_load %arg6[%get3A_1122] {strides = array<i32>} : memref<1664xi32, #tpu.memory_space<vmem>>, vector<16xi32>,
      %get3A_1124 = vector.shape_cast %get3A_1123 : vector<16xi32> to vector<16xi32>
      %get3A_1125 = arith.constant 9 : i32
      %get3A_1126 = arith.index_cast %get3A_1125 : i32 to index
      %get3A_1127 = arith.constant 32 : index
      %get3A_1128 = tpu.vector_load %arg7[%get3A_1126, %get3A_1127] {strides = array<i32>} : memref<13x128xi32, #tpu.memory_space<vmem>>, vector<1x16xi32>,
      %get3A_1129 = vector.shape_cast %get3A_1128 : vector<1x16xi32> to vector<16xi32>
      %add3A_1130 = arith.addi %get3A_1124, %get3A_1129 : vector<16xi32>
      %swap3A_1131 = arith.constant 9 : i32
      %swap3A_1132 = arith.index_cast %swap3A_1131 : i32 to index
      %swap3A_1133 = arith.constant 32 : index
      %swap3A_1134 = tpu.vector_load %arg8[%swap3A_1132, %swap3A_1133] {strides = array<i32>} : memref<13x128xi32, #tpu.memory_space<vmem>>, vector<1x16xi32>,
      %swap3A_1135 = vector.shape_cast %swap3A_1134 : vector<1x16xi32> to vector<16xi32>
      %swap3A_1136 = vector.shape_cast %add3A_1130 : vector<16xi32> to vector<1x16xi32>
      tpu.vector_store %arg8[%swap3A_1132, %swap3A_1133], %swap3A_1136 {strides = array<i32>} : memref<13x128xi32, #tpu.memory_space<vmem>>, vector<1x16xi32>,
      %get3A_1137 = arith.constant 1200 : index
      %get3A_1138 = tpu.vector_load %arg6[%get3A_1137] {strides = array<i32>} : memref<1664xi32, #tpu.memory_space<vmem>>, vector<16xi32>,
      %get3A_1139 = vector.shape_cast %get3A_1138 : vector<16xi32> to vector<16xi32>
      %get3A_1140 = arith.constant 9 : i32
      %get3A_1141 = arith.index_cast %get3A_1140 : i32 to index
      %get3A_1142 = arith.constant 48 : index
      %get3A_1143 = tpu.vector_load %arg7[%get3A_1141, %get3A_1142] {strides = array<i32>} : memref<13x128xi32, #tpu.memory_space<vmem>>, vector<1x16xi32>,
      %get3A_1144 = vector.shape_cast %get3A_1143 : vector<1x16xi32> to vector<16xi32>
      %add3A_1145 = arith.addi %get3A_1139, %get3A_1144 : vector<16xi32>
      %swap3A_1146 = arith.constant 9 : i32
      %swap3A_1147 = arith.index_cast %swap3A_1146 : i32 to index
      %swap3A_1148 = arith.constant 48 : index
      %swap3A_1149 = tpu.vector_load %arg8[%swap3A_1147, %swap3A_1148] {strides = array<i32>} : memref<13x128xi32, #tpu.memory_space<vmem>>, vector<1x16xi32>,
      %swap3A_1150 = vector.shape_cast %swap3A_1149 : vector<1x16xi32> to vector<16xi32>
      %swap3A_1151 = vector.shape_cast %add3A_1145 : vector<16xi32> to vector<1x16xi32>
      tpu.vector_store %arg8[%swap3A_1147, %swap3A_1148], %swap3A_1151 {strides = array<i32>} : memref<13x128xi32, #tpu.memory_space<vmem>>, vector<1x16xi32>,
      %get3A_1152 = arith.constant 1216 : index
      %get3A_1153 = tpu.vector_load %arg6[%get3A_1152] {strides = array<i32>} : memref<1664xi32, #tpu.memory_space<vmem>>, vector<16xi32>,
      %get3A_1154 = vector.shape_cast %get3A_1153 : vector<16xi32> to vector<16xi32>
      %get3A_1155 = arith.constant 9 : i32
      %get3A_1156 = arith.index_cast %get3A_1155 : i32 to index
      %get3A_1157 = arith.constant 64 : index
      %get3A_1158 = tpu.vector_load %arg7[%get3A_1156, %get3A_1157] {strides = array<i32>} : memref<13x128xi32, #tpu.memory_space<vmem>>, vector<1x16xi32>,
      %get3A_1159 = vector.shape_cast %get3A_1158 : vector<1x16xi32> to vector<16xi32>
      %add3A_1160 = arith.addi %get3A_1154, %get3A_1159 : vector<16xi32>
      %swap3A_1161 = arith.constant 9 : i32
      %swap3A_1162 = arith.index_cast %swap3A_1161 : i32 to index
      %swap3A_1163 = arith.constant 64 : index
      %swap3A_1164 = tpu.vector_load %arg8[%swap3A_1162, %swap3A_1163] {strides = array<i32>} : memref<13x128xi32, #tpu.memory_space<vmem>>, vector<1x16xi32>,
      %swap3A_1165 = vector.shape_cast %swap3A_1164 : vector<1x16xi32> to vector<16xi32>
      %swap3A_1166 = vector.shape_cast %add3A_1160 : vector<16xi32> to vector<1x16xi32>
      tpu.vector_store %arg8[%swap3A_1162, %swap3A_1163], %swap3A_1166 {strides = array<i32>} : memref<13x128xi32, #tpu.memory_space<vmem>>, vector<1x16xi32>,
      %get3A_1167 = arith.constant 1232 : index
      %get3A_1168 = tpu.vector_load %arg6[%get3A_1167] {strides = array<i32>} : memref<1664xi32, #tpu.memory_space<vmem>>, vector<16xi32>,
      %get3A_1169 = vector.shape_cast %get3A_1168 : vector<16xi32> to vector<16xi32>
      %get3A_1170 = arith.constant 9 : i32
      %get3A_1171 = arith.index_cast %get3A_1170 : i32 to index
      %get3A_1172 = arith.constant 80 : index
      %get3A_1173 = tpu.vector_load %arg7[%get3A_1171, %get3A_1172] {strides = array<i32>} : memref<13x128xi32, #tpu.memory_space<vmem>>, vector<1x16xi32>,
      %get3A_1174 = vector.shape_cast %get3A_1173 : vector<1x16xi32> to vector<16xi32>
      %add3A_1175 = arith.addi %get3A_1169, %get3A_1174 : vector<16xi32>
      %swap3A_1176 = arith.constant 9 : i32
      %swap3A_1177 = arith.index_cast %swap3A_1176 : i32 to index
      %swap3A_1178 = arith.constant 80 : index
      %swap3A_1179 = tpu.vector_load %arg8[%swap3A_1177, %swap3A_1178] {strides = array<i32>} : memref<13x128xi32, #tpu.memory_space<vmem>>, vector<1x16xi32>,
      %swap3A_1180 = vector.shape_cast %swap3A_1179 : vector<1x16xi32> to vector<16xi32>
      %swap3A_1181 = vector.shape_cast %add3A_1175 : vector<16xi32> to vector<1x16xi32>
      tpu.vector_store %arg8[%swap3A_1177, %swap3A_1178], %swap3A_1181 {strides = array<i32>} : memref<13x128xi32, #tpu.memory_space<vmem>>, vector<1x16xi32>,
      %get3A_1182 = arith.constant 1248 : index
      %get3A_1183 = tpu.vector_load %arg6[%get3A_1182] {strides = array<i32>} : memref<1664xi32, #tpu.memory_space<vmem>>, vector<16xi32>,
      %get3A_1184 = vector.shape_cast %get3A_1183 : vector<16xi32> to vector<16xi32>
      %get3A_1185 = arith.constant 9 : i32
      %get3A_1186 = arith.index_cast %get3A_1185 : i32 to index
      %get3A_1187 = arith.constant 96 : index
      %get3A_1188 = tpu.vector_load %arg7[%get3A_1186, %get3A_1187] {strides = array<i32>} : memref<13x128xi32, #tpu.memory_space<vmem>>, vector<1x16xi32>,
      %get3A_1189 = vector.shape_cast %get3A_1188 : vector<1x16xi32> to vector<16xi32>
      %add3A_1190 = arith.addi %get3A_1184, %get3A_1189 : vector<16xi32>
      %swap3A_1191 = arith.constant 9 : i32
      %swap3A_1192 = arith.index_cast %swap3A_1191 : i32 to index
      %swap3A_1193 = arith.constant 96 : index
      %swap3A_1194 = tpu.vector_load %arg8[%swap3A_1192, %swap3A_1193] {strides = array<i32>} : memref<13x128xi32, #tpu.memory_space<vmem>>, vector<1x16xi32>,
      %swap3A_1195 = vector.shape_cast %swap3A_1194 : vector<1x16xi32> to vector<16xi32>
      %swap3A_1196 = vector.shape_cast %add3A_1190 : vector<16xi32> to vector<1x16xi32>
      tpu.vector_store %arg8[%swap3A_1192, %swap3A_1193], %swap3A_1196 {strides = array<i32>} : memref<13x128xi32, #tpu.memory_space<vmem>>, vector<1x16xi32>,
      %get3A_1197 = arith.constant 1264 : index
      %get3A_1198 = tpu.vector_load %arg6[%get3A_1197] {strides = array<i32>} : memref<1664xi32, #tpu.memory_space<vmem>>, vector<16xi32>,
      %get3A_1199 = vector.shape_cast %get3A_1198 : vector<16xi32> to vector<16xi32>
      %get3A_1200 = arith.constant 9 : i32
      %get3A_1201 = arith.index_cast %get3A_1200 : i32 to index
      %get3A_1202 = arith.constant 112 : index
      %get3A_1203 = tpu.vector_load %arg7[%get3A_1201, %get3A_1202] {strides = array<i32>} : memref<13x128xi32, #tpu.memory_space<vmem>>, vector<1x16xi32>,
      %get3A_1204 = vector.shape_cast %get3A_1203 : vector<1x16xi32> to vector<16xi32>
      %add3A_1205 = arith.addi %get3A_1199, %get3A_1204 : vector<16xi32>
      %swap3A_1206 = arith.constant 9 : i32
      %swap3A_1207 = arith.index_cast %swap3A_1206 : i32 to index
      %swap3A_1208 = arith.constant 112 : index
      %swap3A_1209 = tpu.vector_load %arg8[%swap3A_1207, %swap3A_1208] {strides = array<i32>} : memref<13x128xi32, #tpu.memory_space<vmem>>, vector<1x16xi32>,
      %swap3A_1210 = vector.shape_cast %swap3A_1209 : vector<1x16xi32> to vector<16xi32>
      %swap3A_1211 = vector.shape_cast %add3A_1205 : vector<16xi32> to vector<1x16xi32>
      tpu.vector_store %arg8[%swap3A_1207, %swap3A_1208], %swap3A_1211 {strides = array<i32>} : memref<13x128xi32, #tpu.memory_space<vmem>>, vector<1x16xi32>,
      %get3A_1212 = arith.constant 1280 : index
      %get3A_1213 = tpu.vector_load %arg6[%get3A_1212] {strides = array<i32>} : memref<1664xi32, #tpu.memory_space<vmem>>, vector<16xi32>,
      %get3A_1214 = vector.shape_cast %get3A_1213 : vector<16xi32> to vector<16xi32>
      %get3A_1215 = arith.constant 10 : i32
      %get3A_1216 = arith.index_cast %get3A_1215 : i32 to index
      %get3A_1217 = arith.constant 0 : index
      %get3A_1218 = tpu.vector_load %arg7[%get3A_1216, %get3A_1217] {strides = array<i32>} : memref<13x128xi32, #tpu.memory_space<vmem>>, vector<1x16xi32>,
      %get3A_1219 = vector.shape_cast %get3A_1218 : vector<1x16xi32> to vector<16xi32>
      %add3A_1220 = arith.addi %get3A_1214, %get3A_1219 : vector<16xi32>
      %swap3A_1221 = arith.constant 10 : i32
      %swap3A_1222 = arith.index_cast %swap3A_1221 : i32 to index
      %swap3A_1223 = arith.constant 0 : index
      %swap3A_1224 = tpu.vector_load %arg8[%swap3A_1222, %swap3A_1223] {strides = array<i32>} : memref<13x128xi32, #tpu.memory_space<vmem>>, vector<1x16xi32>,
      %swap3A_1225 = vector.shape_cast %swap3A_1224 : vector<1x16xi32> to vector<16xi32>
      %swap3A_1226 = vector.shape_cast %add3A_1220 : vector<16xi32> to vector<1x16xi32>
      tpu.vector_store %arg8[%swap3A_1222, %swap3A_1223], %swap3A_1226 {strides = array<i32>} : memref<13x128xi32, #tpu.memory_space<vmem>>, vector<1x16xi32>,
      %get3A_1227 = arith.constant 1296 : index
      %get3A_1228 = tpu.vector_load %arg6[%get3A_1227] {strides = array<i32>} : memref<1664xi32, #tpu.memory_space<vmem>>, vector<16xi32>,
      %get3A_1229 = vector.shape_cast %get3A_1228 : vector<16xi32> to vector<16xi32>
      %get3A_1230 = arith.constant 10 : i32
      %get3A_1231 = arith.index_cast %get3A_1230 : i32 to index
      %get3A_1232 = arith.constant 16 : index
      %get3A_1233 = tpu.vector_load %arg7[%get3A_1231, %get3A_1232] {strides = array<i32>} : memref<13x128xi32, #tpu.memory_space<vmem>>, vector<1x16xi32>,
      %get3A_1234 = vector.shape_cast %get3A_1233 : vector<1x16xi32> to vector<16xi32>
      %add3A_1235 = arith.addi %get3A_1229, %get3A_1234 : vector<16xi32>
      %swap3A_1236 = arith.constant 10 : i32
      %swap3A_1237 = arith.index_cast %swap3A_1236 : i32 to index
      %swap3A_1238 = arith.constant 16 : index
      %swap3A_1239 = tpu.vector_load %arg8[%swap3A_1237, %swap3A_1238] {strides = array<i32>} : memref<13x128xi32, #tpu.memory_space<vmem>>, vector<1x16xi32>,
      %swap3A_1240 = vector.shape_cast %swap3A_1239 : vector<1x16xi32> to vector<16xi32>
      %swap3A_1241 = vector.shape_cast %add3A_1235 : vector<16xi32> to vector<1x16xi32>
      tpu.vector_store %arg8[%swap3A_1237, %swap3A_1238], %swap3A_1241 {strides = array<i32>} : memref<13x128xi32, #tpu.memory_space<vmem>>, vector<1x16xi32>,
      %get3A_1242 = arith.constant 1312 : index
      %get3A_1243 = tpu.vector_load %arg6[%get3A_1242] {strides = array<i32>} : memref<1664xi32, #tpu.memory_space<vmem>>, vector<16xi32>,
      %get3A_1244 = vector.shape_cast %get3A_1243 : vector<16xi32> to vector<16xi32>
      %get3A_1245 = arith.constant 10 : i32
      %get3A_1246 = arith.index_cast %get3A_1245 : i32 to index
      %get3A_1247 = arith.constant 32 : index
      %get3A_1248 = tpu.vector_load %arg7[%get3A_1246, %get3A_1247] {strides = array<i32>} : memref<13x128xi32, #tpu.memory_space<vmem>>, vector<1x16xi32>,
      %get3A_1249 = vector.shape_cast %get3A_1248 : vector<1x16xi32> to vector<16xi32>
      %add3A_1250 = arith.addi %get3A_1244, %get3A_1249 : vector<16xi32>
      %swap3A_1251 = arith.constant 10 : i32
      %swap3A_1252 = arith.index_cast %swap3A_1251 : i32 to index
      %swap3A_1253 = arith.constant 32 : index
      %swap3A_1254 = tpu.vector_load %arg8[%swap3A_1252, %swap3A_1253] {strides = array<i32>} : memref<13x128xi32, #tpu.memory_space<vmem>>, vector<1x16xi32>,
      %swap3A_1255 = vector.shape_cast %swap3A_1254 : vector<1x16xi32> to vector<16xi32>
      %swap3A_1256 = vector.shape_cast %add3A_1250 : vector<16xi32> to vector<1x16xi32>
      tpu.vector_store %arg8[%swap3A_1252, %swap3A_1253], %swap3A_1256 {strides = array<i32>} : memref<13x128xi32, #tpu.memory_space<vmem>>, vector<1x16xi32>,
      %get3A_1257 = arith.constant 1328 : index
      %get3A_1258 = tpu.vector_load %arg6[%get3A_1257] {strides = array<i32>} : memref<1664xi32, #tpu.memory_space<vmem>>, vector<16xi32>,
      %get3A_1259 = vector.shape_cast %get3A_1258 : vector<16xi32> to vector<16xi32>
      %get3A_1260 = arith.constant 10 : i32
      %get3A_1261 = arith.index_cast %get3A_1260 : i32 to index
      %get3A_1262 = arith.constant 48 : index
      %get3A_1263 = tpu.vector_load %arg7[%get3A_1261, %get3A_1262] {strides = array<i32>} : memref<13x128xi32, #tpu.memory_space<vmem>>, vector<1x16xi32>,
      %get3A_1264 = vector.shape_cast %get3A_1263 : vector<1x16xi32> to vector<16xi32>
      %add3A_1265 = arith.addi %get3A_1259, %get3A_1264 : vector<16xi32>
      %swap3A_1266 = arith.constant 10 : i32
      %swap3A_1267 = arith.index_cast %swap3A_1266 : i32 to index
      %swap3A_1268 = arith.constant 48 : index
      %swap3A_1269 = tpu.vector_load %arg8[%swap3A_1267, %swap3A_1268] {strides = array<i32>} : memref<13x128xi32, #tpu.memory_space<vmem>>, vector<1x16xi32>,
      %swap3A_1270 = vector.shape_cast %swap3A_1269 : vector<1x16xi32> to vector<16xi32>
      %swap3A_1271 = vector.shape_cast %add3A_1265 : vector<16xi32> to vector<1x16xi32>
      tpu.vector_store %arg8[%swap3A_1267, %swap3A_1268], %swap3A_1271 {strides = array<i32>} : memref<13x128xi32, #tpu.memory_space<vmem>>, vector<1x16xi32>,
      %get3A_1272 = arith.constant 1344 : index
      %get3A_1273 = tpu.vector_load %arg6[%get3A_1272] {strides = array<i32>} : memref<1664xi32, #tpu.memory_space<vmem>>, vector<16xi32>,
      %get3A_1274 = vector.shape_cast %get3A_1273 : vector<16xi32> to vector<16xi32>
      %get3A_1275 = arith.constant 10 : i32
      %get3A_1276 = arith.index_cast %get3A_1275 : i32 to index
      %get3A_1277 = arith.constant 64 : index
      %get3A_1278 = tpu.vector_load %arg7[%get3A_1276, %get3A_1277] {strides = array<i32>} : memref<13x128xi32, #tpu.memory_space<vmem>>, vector<1x16xi32>,
      %get3A_1279 = vector.shape_cast %get3A_1278 : vector<1x16xi32> to vector<16xi32>
      %add3A_1280 = arith.addi %get3A_1274, %get3A_1279 : vector<16xi32>
      %swap3A_1281 = arith.constant 10 : i32
      %swap3A_1282 = arith.index_cast %swap3A_1281 : i32 to index
      %swap3A_1283 = arith.constant 64 : index
      %swap3A_1284 = tpu.vector_load %arg8[%swap3A_1282, %swap3A_1283] {strides = array<i32>} : memref<13x128xi32, #tpu.memory_space<vmem>>, vector<1x16xi32>,
      %swap3A_1285 = vector.shape_cast %swap3A_1284 : vector<1x16xi32> to vector<16xi32>
      %swap3A_1286 = vector.shape_cast %add3A_1280 : vector<16xi32> to vector<1x16xi32>
      tpu.vector_store %arg8[%swap3A_1282, %swap3A_1283], %swap3A_1286 {strides = array<i32>} : memref<13x128xi32, #tpu.memory_space<vmem>>, vector<1x16xi32>,
      %get3A_1287 = arith.constant 1360 : index
      %get3A_1288 = tpu.vector_load %arg6[%get3A_1287] {strides = array<i32>} : memref<1664xi32, #tpu.memory_space<vmem>>, vector<16xi32>,
      %get3A_1289 = vector.shape_cast %get3A_1288 : vector<16xi32> to vector<16xi32>
      %get3A_1290 = arith.constant 10 : i32
      %get3A_1291 = arith.index_cast %get3A_1290 : i32 to index
      %get3A_1292 = arith.constant 80 : index
      %get3A_1293 = tpu.vector_load %arg7[%get3A_1291, %get3A_1292] {strides = array<i32>} : memref<13x128xi32, #tpu.memory_space<vmem>>, vector<1x16xi32>,
      %get3A_1294 = vector.shape_cast %get3A_1293 : vector<1x16xi32> to vector<16xi32>
      %add3A_1295 = arith.addi %get3A_1289, %get3A_1294 : vector<16xi32>
      %swap3A_1296 = arith.constant 10 : i32
      %swap3A_1297 = arith.index_cast %swap3A_1296 : i32 to index
      %swap3A_1298 = arith.constant 80 : index
      %swap3A_1299 = tpu.vector_load %arg8[%swap3A_1297, %swap3A_1298] {strides = array<i32>} : memref<13x128xi32, #tpu.memory_space<vmem>>, vector<1x16xi32>,
      %swap3A_1300 = vector.shape_cast %swap3A_1299 : vector<1x16xi32> to vector<16xi32>
      %swap3A_1301 = vector.shape_cast %add3A_1295 : vector<16xi32> to vector<1x16xi32>
      tpu.vector_store %arg8[%swap3A_1297, %swap3A_1298], %swap3A_1301 {strides = array<i32>} : memref<13x128xi32, #tpu.memory_space<vmem>>, vector<1x16xi32>,
      %get3A_1302 = arith.constant 1376 : index
      %get3A_1303 = tpu.vector_load %arg6[%get3A_1302] {strides = array<i32>} : memref<1664xi32, #tpu.memory_space<vmem>>, vector<16xi32>,
      %get3A_1304 = vector.shape_cast %get3A_1303 : vector<16xi32> to vector<16xi32>
      %get3A_1305 = arith.constant 10 : i32
      %get3A_1306 = arith.index_cast %get3A_1305 : i32 to index
      %get3A_1307 = arith.constant 96 : index
      %get3A_1308 = tpu.vector_load %arg7[%get3A_1306, %get3A_1307] {strides = array<i32>} : memref<13x128xi32, #tpu.memory_space<vmem>>, vector<1x16xi32>,
      %get3A_1309 = vector.shape_cast %get3A_1308 : vector<1x16xi32> to vector<16xi32>
      %add3A_1310 = arith.addi %get3A_1304, %get3A_1309 : vector<16xi32>
      %swap3A_1311 = arith.constant 10 : i32
      %swap3A_1312 = arith.index_cast %swap3A_1311 : i32 to index
      %swap3A_1313 = arith.constant 96 : index
      %swap3A_1314 = tpu.vector_load %arg8[%swap3A_1312, %swap3A_1313] {strides = array<i32>} : memref<13x128xi32, #tpu.memory_space<vmem>>, vector<1x16xi32>,
      %swap3A_1315 = vector.shape_cast %swap3A_1314 : vector<1x16xi32> to vector<16xi32>
      %swap3A_1316 = vector.shape_cast %add3A_1310 : vector<16xi32> to vector<1x16xi32>
      tpu.vector_store %arg8[%swap3A_1312, %swap3A_1313], %swap3A_1316 {strides = array<i32>} : memref<13x128xi32, #tpu.memory_space<vmem>>, vector<1x16xi32>,
      %get3A_1317 = arith.constant 1392 : index
      %get3A_1318 = tpu.vector_load %arg6[%get3A_1317] {strides = array<i32>} : memref<1664xi32, #tpu.memory_space<vmem>>, vector<16xi32>,
      %get3A_1319 = vector.shape_cast %get3A_1318 : vector<16xi32> to vector<16xi32>
      %get3A_1320 = arith.constant 10 : i32
      %get3A_1321 = arith.index_cast %get3A_1320 : i32 to index
      %get3A_1322 = arith.constant 112 : index
      %get3A_1323 = tpu.vector_load %arg7[%get3A_1321, %get3A_1322] {strides = array<i32>} : memref<13x128xi32, #tpu.memory_space<vmem>>, vector<1x16xi32>,
      %get3A_1324 = vector.shape_cast %get3A_1323 : vector<1x16xi32> to vector<16xi32>
      %add3A_1325 = arith.addi %get3A_1319, %get3A_1324 : vector<16xi32>
      %swap3A_1326 = arith.constant 10 : i32
      %swap3A_1327 = arith.index_cast %swap3A_1326 : i32 to index
      %swap3A_1328 = arith.constant 112 : index
      %swap3A_1329 = tpu.vector_load %arg8[%swap3A_1327, %swap3A_1328] {strides = array<i32>} : memref<13x128xi32, #tpu.memory_space<vmem>>, vector<1x16xi32>,
      %swap3A_1330 = vector.shape_cast %swap3A_1329 : vector<1x16xi32> to vector<16xi32>
      %swap3A_1331 = vector.shape_cast %add3A_1325 : vector<16xi32> to vector<1x16xi32>
      tpu.vector_store %arg8[%swap3A_1327, %swap3A_1328], %swap3A_1331 {strides = array<i32>} : memref<13x128xi32, #tpu.memory_space<vmem>>, vector<1x16xi32>,
      %get3A_1332 = arith.constant 1408 : index
      %get3A_1333 = tpu.vector_load %arg6[%get3A_1332] {strides = array<i32>} : memref<1664xi32, #tpu.memory_space<vmem>>, vector<16xi32>,
      %get3A_1334 = vector.shape_cast %get3A_1333 : vector<16xi32> to vector<16xi32>
      %get3A_1335 = arith.constant 11 : i32
      %get3A_1336 = arith.index_cast %get3A_1335 : i32 to index
      %get3A_1337 = arith.constant 0 : index
      %get3A_1338 = tpu.vector_load %arg7[%get3A_1336, %get3A_1337] {strides = array<i32>} : memref<13x128xi32, #tpu.memory_space<vmem>>, vector<1x16xi32>,
      %get3A_1339 = vector.shape_cast %get3A_1338 : vector<1x16xi32> to vector<16xi32>
      %add3A_1340 = arith.addi %get3A_1334, %get3A_1339 : vector<16xi32>
      %swap3A_1341 = arith.constant 11 : i32
      %swap3A_1342 = arith.index_cast %swap3A_1341 : i32 to index
      %swap3A_1343 = arith.constant 0 : index
      %swap3A_1344 = tpu.vector_load %arg8[%swap3A_1342, %swap3A_1343] {strides = array<i32>} : memref<13x128xi32, #tpu.memory_space<vmem>>, vector<1x16xi32>,
      %swap3A_1345 = vector.shape_cast %swap3A_1344 : vector<1x16xi32> to vector<16xi32>
      %swap3A_1346 = vector.shape_cast %add3A_1340 : vector<16xi32> to vector<1x16xi32>
      tpu.vector_store %arg8[%swap3A_1342, %swap3A_1343], %swap3A_1346 {strides = array<i32>} : memref<13x128xi32, #tpu.memory_space<vmem>>, vector<1x16xi32>,
      %get3A_1347 = arith.constant 1424 : index
      %get3A_1348 = tpu.vector_load %arg6[%get3A_1347] {strides = array<i32>} : memref<1664xi32, #tpu.memory_space<vmem>>, vector<16xi32>,
      %get3A_1349 = vector.shape_cast %get3A_1348 : vector<16xi32> to vector<16xi32>
      %get3A_1350 = arith.constant 11 : i32
      %get3A_1351 = arith.index_cast %get3A_1350 : i32 to index
      %get3A_1352 = arith.constant 16 : index
      %get3A_1353 = tpu.vector_load %arg7[%get3A_1351, %get3A_1352] {strides = array<i32>} : memref<13x128xi32, #tpu.memory_space<vmem>>, vector<1x16xi32>,
      %get3A_1354 = vector.shape_cast %get3A_1353 : vector<1x16xi32> to vector<16xi32>
      %add3A_1355 = arith.addi %get3A_1349, %get3A_1354 : vector<16xi32>
      %swap3A_1356 = arith.constant 11 : i32
      %swap3A_1357 = arith.index_cast %swap3A_1356 : i32 to index
      %swap3A_1358 = arith.constant 16 : index
      %swap3A_1359 = tpu.vector_load %arg8[%swap3A_1357, %swap3A_1358] {strides = array<i32>} : memref<13x128xi32, #tpu.memory_space<vmem>>, vector<1x16xi32>,
      %swap3A_1360 = vector.shape_cast %swap3A_1359 : vector<1x16xi32> to vector<16xi32>
      %swap3A_1361 = vector.shape_cast %add3A_1355 : vector<16xi32> to vector<1x16xi32>
      tpu.vector_store %arg8[%swap3A_1357, %swap3A_1358], %swap3A_1361 {strides = array<i32>} : memref<13x128xi32, #tpu.memory_space<vmem>>, vector<1x16xi32>,
      %get3A_1362 = arith.constant 1440 : index
      %get3A_1363 = tpu.vector_load %arg6[%get3A_1362] {strides = array<i32>} : memref<1664xi32, #tpu.memory_space<vmem>>, vector<16xi32>,
      %get3A_1364 = vector.shape_cast %get3A_1363 : vector<16xi32> to vector<16xi32>
      %get3A_1365 = arith.constant 11 : i32
      %get3A_1366 = arith.index_cast %get3A_1365 : i32 to index
      %get3A_1367 = arith.constant 32 : index
      %get3A_1368 = tpu.vector_load %arg7[%get3A_1366, %get3A_1367] {strides = array<i32>} : memref<13x128xi32, #tpu.memory_space<vmem>>, vector<1x16xi32>,
      %get3A_1369 = vector.shape_cast %get3A_1368 : vector<1x16xi32> to vector<16xi32>
      %add3A_1370 = arith.addi %get3A_1364, %get3A_1369 : vector<16xi32>
      %swap3A_1371 = arith.constant 11 : i32
      %swap3A_1372 = arith.index_cast %swap3A_1371 : i32 to index
      %swap3A_1373 = arith.constant 32 : index
      %swap3A_1374 = tpu.vector_load %arg8[%swap3A_1372, %swap3A_1373] {strides = array<i32>} : memref<13x128xi32, #tpu.memory_space<vmem>>, vector<1x16xi32>,
      %swap3A_1375 = vector.shape_cast %swap3A_1374 : vector<1x16xi32> to vector<16xi32>
      %swap3A_1376 = vector.shape_cast %add3A_1370 : vector<16xi32> to vector<1x16xi32>
      tpu.vector_store %arg8[%swap3A_1372, %swap3A_1373], %swap3A_1376 {strides = array<i32>} : memref<13x128xi32, #tpu.memory_space<vmem>>, vector<1x16xi32>,
      %get3A_1377 = arith.constant 1456 : index
      %get3A_1378 = tpu.vector_load %arg6[%get3A_1377] {strides = array<i32>} : memref<1664xi32, #tpu.memory_space<vmem>>, vector<16xi32>,
      %get3A_1379 = vector.shape_cast %get3A_1378 : vector<16xi32> to vector<16xi32>
      %get3A_1380 = arith.constant 11 : i32
      %get3A_1381 = arith.index_cast %get3A_1380 : i32 to index
      %get3A_1382 = arith.constant 48 : index
      %get3A_1383 = tpu.vector_load %arg7[%get3A_1381, %get3A_1382] {strides = array<i32>} : memref<13x128xi32, #tpu.memory_space<vmem>>, vector<1x16xi32>,
      %get3A_1384 = vector.shape_cast %get3A_1383 : vector<1x16xi32> to vector<16xi32>
      %add3A_1385 = arith.addi %get3A_1379, %get3A_1384 : vector<16xi32>
      %swap3A_1386 = arith.constant 11 : i32
      %swap3A_1387 = arith.index_cast %swap3A_1386 : i32 to index
      %swap3A_1388 = arith.constant 48 : index
      %swap3A_1389 = tpu.vector_load %arg8[%swap3A_1387, %swap3A_1388] {strides = array<i32>} : memref<13x128xi32, #tpu.memory_space<vmem>>, vector<1x16xi32>,
      %swap3A_1390 = vector.shape_cast %swap3A_1389 : vector<1x16xi32> to vector<16xi32>
      %swap3A_1391 = vector.shape_cast %add3A_1385 : vector<16xi32> to vector<1x16xi32>
      tpu.vector_store %arg8[%swap3A_1387, %swap3A_1388], %swap3A_1391 {strides = array<i32>} : memref<13x128xi32, #tpu.memory_space<vmem>>, vector<1x16xi32>,
      %get3A_1392 = arith.constant 1472 : index
      %get3A_1393 = tpu.vector_load %arg6[%get3A_1392] {strides = array<i32>} : memref<1664xi32, #tpu.memory_space<vmem>>, vector<16xi32>,
      %get3A_1394 = vector.shape_cast %get3A_1393 : vector<16xi32> to vector<16xi32>
      %get3A_1395 = arith.constant 11 : i32
      %get3A_1396 = arith.index_cast %get3A_1395 : i32 to index
      %get3A_1397 = arith.constant 64 : index
      %get3A_1398 = tpu.vector_load %arg7[%get3A_1396, %get3A_1397] {strides = array<i32>} : memref<13x128xi32, #tpu.memory_space<vmem>>, vector<1x16xi32>,
      %get3A_1399 = vector.shape_cast %get3A_1398 : vector<1x16xi32> to vector<16xi32>
      %add3A_1400 = arith.addi %get3A_1394, %get3A_1399 : vector<16xi32>
      %swap3A_1401 = arith.constant 11 : i32
      %swap3A_1402 = arith.index_cast %swap3A_1401 : i32 to index
      %swap3A_1403 = arith.constant 64 : index
      %swap3A_1404 = tpu.vector_load %arg8[%swap3A_1402, %swap3A_1403] {strides = array<i32>} : memref<13x128xi32, #tpu.memory_space<vmem>>, vector<1x16xi32>,
      %swap3A_1405 = vector.shape_cast %swap3A_1404 : vector<1x16xi32> to vector<16xi32>
      %swap3A_1406 = vector.shape_cast %add3A_1400 : vector<16xi32> to vector<1x16xi32>
      tpu.vector_store %arg8[%swap3A_1402, %swap3A_1403], %swap3A_1406 {strides = array<i32>} : memref<13x128xi32, #tpu.memory_space<vmem>>, vector<1x16xi32>,
      %get3A_1407 = arith.constant 1488 : index
      %get3A_1408 = tpu.vector_load %arg6[%get3A_1407] {strides = array<i32>} : memref<1664xi32, #tpu.memory_space<vmem>>, vector<16xi32>,
      %get3A_1409 = vector.shape_cast %get3A_1408 : vector<16xi32> to vector<16xi32>
      %get3A_1410 = arith.constant 11 : i32
      %get3A_1411 = arith.index_cast %get3A_1410 : i32 to index
      %get3A_1412 = arith.constant 80 : index
      %get3A_1413 = tpu.vector_load %arg7[%get3A_1411, %get3A_1412] {strides = array<i32>} : memref<13x128xi32, #tpu.memory_space<vmem>>, vector<1x16xi32>,
      %get3A_1414 = vector.shape_cast %get3A_1413 : vector<1x16xi32> to vector<16xi32>
      %add3A_1415 = arith.addi %get3A_1409, %get3A_1414 : vector<16xi32>
      %swap3A_1416 = arith.constant 11 : i32
      %swap3A_1417 = arith.index_cast %swap3A_1416 : i32 to index
      %swap3A_1418 = arith.constant 80 : index
      %swap3A_1419 = tpu.vector_load %arg8[%swap3A_1417, %swap3A_1418] {strides = array<i32>} : memref<13x128xi32, #tpu.memory_space<vmem>>, vector<1x16xi32>,
      %swap3A_1420 = vector.shape_cast %swap3A_1419 : vector<1x16xi32> to vector<16xi32>
      %swap3A_1421 = vector.shape_cast %add3A_1415 : vector<16xi32> to vector<1x16xi32>
      tpu.vector_store %arg8[%swap3A_1417, %swap3A_1418], %swap3A_1421 {strides = array<i32>} : memref<13x128xi32, #tpu.memory_space<vmem>>, vector<1x16xi32>,
      %get3A_1422 = arith.constant 1504 : index
      %get3A_1423 = tpu.vector_load %arg6[%get3A_1422] {strides = array<i32>} : memref<1664xi32, #tpu.memory_space<vmem>>, vector<16xi32>,
      %get3A_1424 = vector.shape_cast %get3A_1423 : vector<16xi32> to vector<16xi32>
      %get3A_1425 = arith.constant 11 : i32
      %get3A_1426 = arith.index_cast %get3A_1425 : i32 to index
      %get3A_1427 = arith.constant 96 : index
      %get3A_1428 = tpu.vector_load %arg7[%get3A_1426, %get3A_1427] {strides = array<i32>} : memref<13x128xi32, #tpu.memory_space<vmem>>, vector<1x16xi32>,
      %get3A_1429 = vector.shape_cast %get3A_1428 : vector<1x16xi32> to vector<16xi32>
      %add3A_1430 = arith.addi %get3A_1424, %get3A_1429 : vector<16xi32>
      %swap3A_1431 = arith.constant 11 : i32
      %swap3A_1432 = arith.index_cast %swap3A_1431 : i32 to index
      %swap3A_1433 = arith.constant 96 : index
      %swap3A_1434 = tpu.vector_load %arg8[%swap3A_1432, %swap3A_1433] {strides = array<i32>} : memref<13x128xi32, #tpu.memory_space<vmem>>, vector<1x16xi32>,
      %swap3A_1435 = vector.shape_cast %swap3A_1434 : vector<1x16xi32> to vector<16xi32>
      %swap3A_1436 = vector.shape_cast %add3A_1430 : vector<16xi32> to vector<1x16xi32>
      tpu.vector_store %arg8[%swap3A_1432, %swap3A_1433], %swap3A_1436 {strides = array<i32>} : memref<13x128xi32, #tpu.memory_space<vmem>>, vector<1x16xi32>,
      %get3A_1437 = arith.constant 1520 : index
      %get3A_1438 = tpu.vector_load %arg6[%get3A_1437] {strides = array<i32>} : memref<1664xi32, #tpu.memory_space<vmem>>, vector<16xi32>,
      %get3A_1439 = vector.shape_cast %get3A_1438 : vector<16xi32> to vector<16xi32>
      %get3A_1440 = arith.constant 11 : i32
      %get3A_1441 = arith.index_cast %get3A_1440 : i32 to index
      %get3A_1442 = arith.constant 112 : index
      %get3A_1443 = tpu.vector_load %arg7[%get3A_1441, %get3A_1442] {strides = array<i32>} : memref<13x128xi32, #tpu.memory_space<vmem>>, vector<1x16xi32>,
      %get3A_1444 = vector.shape_cast %get3A_1443 : vector<1x16xi32> to vector<16xi32>
      %add3A_1445 = arith.addi %get3A_1439, %get3A_1444 : vector<16xi32>
      %swap3A_1446 = arith.constant 11 : i32
      %swap3A_1447 = arith.index_cast %swap3A_1446 : i32 to index
      %swap3A_1448 = arith.constant 112 : index
      %swap3A_1449 = tpu.vector_load %arg8[%swap3A_1447, %swap3A_1448] {strides = array<i32>} : memref<13x128xi32, #tpu.memory_space<vmem>>, vector<1x16xi32>,
      %swap3A_1450 = vector.shape_cast %swap3A_1449 : vector<1x16xi32> to vector<16xi32>
      %swap3A_1451 = vector.shape_cast %add3A_1445 : vector<16xi32> to vector<1x16xi32>
      tpu.vector_store %arg8[%swap3A_1447, %swap3A_1448], %swap3A_1451 {strides = array<i32>} : memref<13x128xi32, #tpu.memory_space<vmem>>, vector<1x16xi32>,
      %get3A_1452 = arith.constant 1536 : index
      %get3A_1453 = tpu.vector_load %arg6[%get3A_1452] {strides = array<i32>} : memref<1664xi32, #tpu.memory_space<vmem>>, vector<16xi32>,
      %get3A_1454 = vector.shape_cast %get3A_1453 : vector<16xi32> to vector<16xi32>
      %get3A_1455 = arith.constant 12 : i32
      %get3A_1456 = arith.index_cast %get3A_1455 : i32 to index
      %get3A_1457 = arith.constant 0 : index
      %get3A_1458 = tpu.vector_load %arg7[%get3A_1456, %get3A_1457] {strides = array<i32>} : memref<13x128xi32, #tpu.memory_space<vmem>>, vector<1x16xi32>,
      %get3A_1459 = vector.shape_cast %get3A_1458 : vector<1x16xi32> to vector<16xi32>
      %add3A_1460 = arith.addi %get3A_1454, %get3A_1459 : vector<16xi32>
      %swap3A_1461 = arith.constant 12 : i32
      %swap3A_1462 = arith.index_cast %swap3A_1461 : i32 to index
      %swap3A_1463 = arith.constant 0 : index
      %swap3A_1464 = tpu.vector_load %arg8[%swap3A_1462, %swap3A_1463] {strides = array<i32>} : memref<13x128xi32, #tpu.memory_space<vmem>>, vector<1x16xi32>,
      %swap3A_1465 = vector.shape_cast %swap3A_1464 : vector<1x16xi32> to vector<16xi32>
      %swap3A_1466 = vector.shape_cast %add3A_1460 : vector<16xi32> to vector<1x16xi32>
      tpu.vector_store %arg8[%swap3A_1462, %swap3A_1463], %swap3A_1466 {strides = array<i32>} : memref<13x128xi32, #tpu.memory_space<vmem>>, vector<1x16xi32>,
      %get3A_1467 = arith.constant 1552 : index
      %get3A_1468 = tpu.vector_load %arg6[%get3A_1467] {strides = array<i32>} : memref<1664xi32, #tpu.memory_space<vmem>>, vector<16xi32>,
      %get3A_1469 = vector.shape_cast %get3A_1468 : vector<16xi32> to vector<16xi32>
      %get3A_1470 = arith.constant 12 : i32
      %get3A_1471 = arith.index_cast %get3A_1470 : i32 to index
      %get3A_1472 = arith.constant 16 : index
      %get3A_1473 = tpu.vector_load %arg7[%get3A_1471, %get3A_1472] {strides = array<i32>} : memref<13x128xi32, #tpu.memory_space<vmem>>, vector<1x16xi32>,
      %get3A_1474 = vector.shape_cast %get3A_1473 : vector<1x16xi32> to vector<16xi32>
      %add3A_1475 = arith.addi %get3A_1469, %get3A_1474 : vector<16xi32>
      %swap3A_1476 = arith.constant 12 : i32
      %swap3A_1477 = arith.index_cast %swap3A_1476 : i32 to index
      %swap3A_1478 = arith.constant 16 : index
      %swap3A_1479 = tpu.vector_load %arg8[%swap3A_1477, %swap3A_1478] {strides = array<i32>} : memref<13x128xi32, #tpu.memory_space<vmem>>, vector<1x16xi32>,
      %swap3A_1480 = vector.shape_cast %swap3A_1479 : vector<1x16xi32> to vector<16xi32>
      %swap3A_1481 = vector.shape_cast %add3A_1475 : vector<16xi32> to vector<1x16xi32>
      tpu.vector_store %arg8[%swap3A_1477, %swap3A_1478], %swap3A_1481 {strides = array<i32>} : memref<13x128xi32, #tpu.memory_space<vmem>>, vector<1x16xi32>,
      %get3A_1482 = arith.constant 1568 : index
      %get3A_1483 = tpu.vector_load %arg6[%get3A_1482] {strides = array<i32>} : memref<1664xi32, #tpu.memory_space<vmem>>, vector<16xi32>,
      %get3A_1484 = vector.shape_cast %get3A_1483 : vector<16xi32> to vector<16xi32>
      %get3A_1485 = arith.constant 12 : i32
      %get3A_1486 = arith.index_cast %get3A_1485 : i32 to index
      %get3A_1487 = arith.constant 32 : index
      %get3A_1488 = tpu.vector_load %arg7[%get3A_1486, %get3A_1487] {strides = array<i32>} : memref<13x128xi32, #tpu.memory_space<vmem>>, vector<1x16xi32>,
      %get3A_1489 = vector.shape_cast %get3A_1488 : vector<1x16xi32> to vector<16xi32>
      %add3A_1490 = arith.addi %get3A_1484, %get3A_1489 : vector<16xi32>
      %swap3A_1491 = arith.constant 12 : i32
      %swap3A_1492 = arith.index_cast %swap3A_1491 : i32 to index
      %swap3A_1493 = arith.constant 32 : index
      %swap3A_1494 = tpu.vector_load %arg8[%swap3A_1492, %swap3A_1493] {strides = array<i32>} : memref<13x128xi32, #tpu.memory_space<vmem>>, vector<1x16xi32>,
      %swap3A_1495 = vector.shape_cast %swap3A_1494 : vector<1x16xi32> to vector<16xi32>
      %swap3A_1496 = vector.shape_cast %add3A_1490 : vector<16xi32> to vector<1x16xi32>
      tpu.vector_store %arg8[%swap3A_1492, %swap3A_1493], %swap3A_1496 {strides = array<i32>} : memref<13x128xi32, #tpu.memory_space<vmem>>, vector<1x16xi32>,
      %get3A_1497 = arith.constant 1584 : index
      %get3A_1498 = tpu.vector_load %arg6[%get3A_1497] {strides = array<i32>} : memref<1664xi32, #tpu.memory_space<vmem>>, vector<16xi32>,
      %get3A_1499 = vector.shape_cast %get3A_1498 : vector<16xi32> to vector<16xi32>
      %get3A_1500 = arith.constant 12 : i32
      %get3A_1501 = arith.index_cast %get3A_1500 : i32 to index
      %get3A_1502 = arith.constant 48 : index
      %get3A_1503 = tpu.vector_load %arg7[%get3A_1501, %get3A_1502] {strides = array<i32>} : memref<13x128xi32, #tpu.memory_space<vmem>>, vector<1x16xi32>,
      %get3A_1504 = vector.shape_cast %get3A_1503 : vector<1x16xi32> to vector<16xi32>
      %add3A_1505 = arith.addi %get3A_1499, %get3A_1504 : vector<16xi32>
      %swap3A_1506 = arith.constant 12 : i32
      %swap3A_1507 = arith.index_cast %swap3A_1506 : i32 to index
      %swap3A_1508 = arith.constant 48 : index
      %swap3A_1509 = tpu.vector_load %arg8[%swap3A_1507, %swap3A_1508] {strides = array<i32>} : memref<13x128xi32, #tpu.memory_space<vmem>>, vector<1x16xi32>,
      %swap3A_1510 = vector.shape_cast %swap3A_1509 : vector<1x16xi32> to vector<16xi32>
      %swap3A_1511 = vector.shape_cast %add3A_1505 : vector<16xi32> to vector<1x16xi32>
      tpu.vector_store %arg8[%swap3A_1507, %swap3A_1508], %swap3A_1511 {strides = array<i32>} : memref<13x128xi32, #tpu.memory_space<vmem>>, vector<1x16xi32>,
      %get3A_1512 = arith.constant 1600 : index
      %get3A_1513 = tpu.vector_load %arg6[%get3A_1512] {strides = array<i32>} : memref<1664xi32, #tpu.memory_space<vmem>>, vector<16xi32>,
      %get3A_1514 = vector.shape_cast %get3A_1513 : vector<16xi32> to vector<16xi32>
      %get3A_1515 = arith.constant 12 : i32
      %get3A_1516 = arith.index_cast %get3A_1515 : i32 to index
      %get3A_1517 = arith.constant 64 : index
      %get3A_1518 = tpu.vector_load %arg7[%get3A_1516, %get3A_1517] {strides = array<i32>} : memref<13x128xi32, #tpu.memory_space<vmem>>, vector<1x16xi32>,
      %get3A_1519 = vector.shape_cast %get3A_1518 : vector<1x16xi32> to vector<16xi32>
      %add3A_1520 = arith.addi %get3A_1514, %get3A_1519 : vector<16xi32>
      %swap3A_1521 = arith.constant 12 : i32
      %swap3A_1522 = arith.index_cast %swap3A_1521 : i32 to index
      %swap3A_1523 = arith.constant 64 : index
      %swap3A_1524 = tpu.vector_load %arg8[%swap3A_1522, %swap3A_1523] {strides = array<i32>} : memref<13x128xi32, #tpu.memory_space<vmem>>, vector<1x16xi32>,
      %swap3A_1525 = vector.shape_cast %swap3A_1524 : vector<1x16xi32> to vector<16xi32>
      %swap3A_1526 = vector.shape_cast %add3A_1520 : vector<16xi32> to vector<1x16xi32>
      tpu.vector_store %arg8[%swap3A_1522, %swap3A_1523], %swap3A_1526 {strides = array<i32>} : memref<13x128xi32, #tpu.memory_space<vmem>>, vector<1x16xi32>,
      %get3A_1527 = arith.constant 1616 : index
      %get3A_1528 = tpu.vector_load %arg6[%get3A_1527] {strides = array<i32>} : memref<1664xi32, #tpu.memory_space<vmem>>, vector<16xi32>,
      %get3A_1529 = vector.shape_cast %get3A_1528 : vector<16xi32> to vector<16xi32>
      %get3A_1530 = arith.constant 12 : i32
      %get3A_1531 = arith.index_cast %get3A_1530 : i32 to index
      %get3A_1532 = arith.constant 80 : index
      %get3A_1533 = tpu.vector_load %arg7[%get3A_1531, %get3A_1532] {strides = array<i32>} : memref<13x128xi32, #tpu.memory_space<vmem>>, vector<1x16xi32>,
      %get3A_1534 = vector.shape_cast %get3A_1533 : vector<1x16xi32> to vector<16xi32>
      %add3A_1535 = arith.addi %get3A_1529, %get3A_1534 : vector<16xi32>
      %swap3A_1536 = arith.constant 12 : i32
      %swap3A_1537 = arith.index_cast %swap3A_1536 : i32 to index
      %swap3A_1538 = arith.constant 80 : index
      %swap3A_1539 = tpu.vector_load %arg8[%swap3A_1537, %swap3A_1538] {strides = array<i32>} : memref<13x128xi32, #tpu.memory_space<vmem>>, vector<1x16xi32>,
      %swap3A_1540 = vector.shape_cast %swap3A_1539 : vector<1x16xi32> to vector<16xi32>
      %swap3A_1541 = vector.shape_cast %add3A_1535 : vector<16xi32> to vector<1x16xi32>
      tpu.vector_store %arg8[%swap3A_1537, %swap3A_1538], %swap3A_1541 {strides = array<i32>} : memref<13x128xi32, #tpu.memory_space<vmem>>, vector<1x16xi32>,
      %get3A_1542 = arith.constant 1632 : index
      %get3A_1543 = tpu.vector_load %arg6[%get3A_1542] {strides = array<i32>} : memref<1664xi32, #tpu.memory_space<vmem>>, vector<16xi32>,
      %get3A_1544 = vector.shape_cast %get3A_1543 : vector<16xi32> to vector<16xi32>
      %get3A_1545 = arith.constant 12 : i32
      %get3A_1546 = arith.index_cast %get3A_1545 : i32 to index
      %get3A_1547 = arith.constant 96 : index
      %get3A_1548 = tpu.vector_load %arg7[%get3A_1546, %get3A_1547] {strides = array<i32>} : memref<13x128xi32, #tpu.memory_space<vmem>>, vector<1x16xi32>,
      %get3A_1549 = vector.shape_cast %get3A_1548 : vector<1x16xi32> to vector<16xi32>
      %add3A_1550 = arith.addi %get3A_1544, %get3A_1549 : vector<16xi32>
      %swap3A_1551 = arith.constant 12 : i32
      %swap3A_1552 = arith.index_cast %swap3A_1551 : i32 to index
      %swap3A_1553 = arith.constant 96 : index
      %swap3A_1554 = tpu.vector_load %arg8[%swap3A_1552, %swap3A_1553] {strides = array<i32>} : memref<13x128xi32, #tpu.memory_space<vmem>>, vector<1x16xi32>,
      %swap3A_1555 = vector.shape_cast %swap3A_1554 : vector<1x16xi32> to vector<16xi32>
      %swap3A_1556 = vector.shape_cast %add3A_1550 : vector<16xi32> to vector<1x16xi32>
      tpu.vector_store %arg8[%swap3A_1552, %swap3A_1553], %swap3A_1556 {strides = array<i32>} : memref<13x128xi32, #tpu.memory_space<vmem>>, vector<1x16xi32>,
      %get3A_1557 = arith.constant 1648 : index
      %get3A_1558 = tpu.vector_load %arg6[%get3A_1557] {strides = array<i32>} : memref<1664xi32, #tpu.memory_space<vmem>>, vector<16xi32>,
      %get3A_1559 = vector.shape_cast %get3A_1558 : vector<16xi32> to vector<16xi32>
      %get3A_1560 = arith.constant 12 : i32
      %get3A_1561 = arith.index_cast %get3A_1560 : i32 to index
      %get3A_1562 = arith.constant 112 : index
      %get3A_1563 = tpu.vector_load %arg7[%get3A_1561, %get3A_1562] {strides = array<i32>} : memref<13x128xi32, #tpu.memory_space<vmem>>, vector<1x16xi32>,
      %get3A_1564 = vector.shape_cast %get3A_1563 : vector<1x16xi32> to vector<16xi32>
      %add3A_1565 = arith.addi %get3A_1559, %get3A_1564 : vector<16xi32>
      %swap3A_1566 = arith.constant 12 : i32
      %swap3A_1567 = arith.index_cast %swap3A_1566 : i32 to index
      %swap3A_1568 = arith.constant 112 : index
      %swap3A_1569 = tpu.vector_load %arg8[%swap3A_1567, %swap3A_1568] {strides = array<i32>} : memref<13x128xi32, #tpu.memory_space<vmem>>, vector<1x16xi32>,
      %swap3A_1570 = vector.shape_cast %swap3A_1569 : vector<1x16xi32> to vector<16xi32>
      %swap3A_1571 = vector.shape_cast %add3A_1565 : vector<16xi32> to vector<1x16xi32>
      tpu.vector_store %arg8[%swap3A_1567, %swap3A_1568], %swap3A_1571 {strides = array<i32>} : memref<13x128xi32, #tpu.memory_space<vmem>>, vector<1x16xi32>,
      %dma_start3A = arith.constant 0 : i32
      %dma_start3A_1572 = arith.constant 0 : i32
      %dma_start3A_1573 = arith.constant 0 : i32
      %dma_start3A_1574 = tpu.memref_slice %arg9[%dma_start3A_1572, %dma_start3A_1573] : memref<1664x32xf32, #tpu.memory_space<vmem>> -> memref<128x32xf32, #tpu.memory_space<vmem>>
      %dma_start3A_1575 = arith.constant 0 : i32
      %dma_start3A_1576 = tpu.memref_slice %arg8[%dma_start3A, %dma_start3A_1575] : memref<13x128xi32, #tpu.memory_space<vmem>> -> memref<1x128xi32, #tpu.memory_space<vmem>>
      %dma_start3A_1577 = tpu.memref_squeeze %dma_start3A_1576 : memref<1x128xi32, #tpu.memory_space<vmem>> -> memref<128xi32, #tpu.memory_space<vmem>>
      %dma_start3A_1578 = arith.constant 0 : i32
      %dma_start3A_1579 = arith.constant 0 : i32
      %dma_start3A_1580 = tpu.memref_slice %arg4[%dma_start3A_1578, %dma_start3A_1579] : memref<2600000x32xf32, #tpu.memory_space<hbm>> -> memref<2600000x32xf32, #tpu.memory_space<hbm>>
      tpu.enqueue_indirect_dma source(%dma_start3A_1580 : memref<2600000x32xf32, #tpu.memory_space<hbm>>) target(%dma_start3A_1574 : memref<128x32xf32, #tpu.memory_space<vmem>>) offsets(%dma_start3A_1577 : memref<128xi32, #tpu.memory_space<vmem>>) semaphore(%arg11 : memref<!tpu.dma_semaphore, #tpu.memory_space<semaphore_mem>>)
      %dma_start3A_1581 = arith.constant 1 : i32
      %dma_start3A_1582 = arith.constant 128 : i32
      %dma_start3A_1583 = arith.constant 0 : i32
      %dma_start3A_1584 = tpu.memref_slice %arg9[%dma_start3A_1582, %dma_start3A_1583] : memref<1664x32xf32, #tpu.memory_space<vmem>> -> memref<128x32xf32, #tpu.memory_space<vmem>>
      %dma_start3A_1585 = arith.constant 0 : i32
      %dma_start3A_1586 = tpu.memref_slice %arg8[%dma_start3A_1581, %dma_start3A_1585] : memref<13x128xi32, #tpu.memory_space<vmem>> -> memref<1x128xi32, #tpu.memory_space<vmem>>
      %dma_start3A_1587 = tpu.memref_squeeze %dma_start3A_1586 : memref<1x128xi32, #tpu.memory_space<vmem>> -> memref<128xi32, #tpu.memory_space<vmem>>
      %dma_start3A_1588 = arith.constant 0 : i32
      %dma_start3A_1589 = arith.constant 0 : i32
      %dma_start3A_1590 = tpu.memref_slice %arg4[%dma_start3A_1588, %dma_start3A_1589] : memref<2600000x32xf32, #tpu.memory_space<hbm>> -> memref<2600000x32xf32, #tpu.memory_space<hbm>>
      tpu.enqueue_indirect_dma source(%dma_start3A_1590 : memref<2600000x32xf32, #tpu.memory_space<hbm>>) target(%dma_start3A_1584 : memref<128x32xf32, #tpu.memory_space<vmem>>) offsets(%dma_start3A_1587 : memref<128xi32, #tpu.memory_space<vmem>>) semaphore(%arg11 : memref<!tpu.dma_semaphore, #tpu.memory_space<semaphore_mem>>)
      %dma_start3A_1591 = arith.constant 2 : i32
      %dma_start3A_1592 = arith.constant 256 : i32
      %dma_start3A_1593 = arith.constant 0 : i32
      %dma_start3A_1594 = tpu.memref_slice %arg9[%dma_start3A_1592, %dma_start3A_1593] : memref<1664x32xf32, #tpu.memory_space<vmem>> -> memref<128x32xf32, #tpu.memory_space<vmem>>
      %dma_start3A_1595 = arith.constant 0 : i32
      %dma_start3A_1596 = tpu.memref_slice %arg8[%dma_start3A_1591, %dma_start3A_1595] : memref<13x128xi32, #tpu.memory_space<vmem>> -> memref<1x128xi32, #tpu.memory_space<vmem>>
      %dma_start3A_1597 = tpu.memref_squeeze %dma_start3A_1596 : memref<1x128xi32, #tpu.memory_space<vmem>> -> memref<128xi32, #tpu.memory_space<vmem>>
      %dma_start3A_1598 = arith.constant 0 : i32
      %dma_start3A_1599 = arith.constant 0 : i32
      %dma_start3A_1600 = tpu.memref_slice %arg4[%dma_start3A_1598, %dma_start3A_1599] : memref<2600000x32xf32, #tpu.memory_space<hbm>> -> memref<2600000x32xf32, #tpu.memory_space<hbm>>
      tpu.enqueue_indirect_dma source(%dma_start3A_1600 : memref<2600000x32xf32, #tpu.memory_space<hbm>>) target(%dma_start3A_1594 : memref<128x32xf32, #tpu.memory_space<vmem>>) offsets(%dma_start3A_1597 : memref<128xi32, #tpu.memory_space<vmem>>) semaphore(%arg11 : memref<!tpu.dma_semaphore, #tpu.memory_space<semaphore_mem>>)
      %dma_start3A_1601 = arith.constant 3 : i32
      %dma_start3A_1602 = arith.constant 384 : i32
      %dma_start3A_1603 = arith.constant 0 : i32
      %dma_start3A_1604 = tpu.memref_slice %arg9[%dma_start3A_1602, %dma_start3A_1603] : memref<1664x32xf32, #tpu.memory_space<vmem>> -> memref<128x32xf32, #tpu.memory_space<vmem>>
      %dma_start3A_1605 = arith.constant 0 : i32
      %dma_start3A_1606 = tpu.memref_slice %arg8[%dma_start3A_1601, %dma_start3A_1605] : memref<13x128xi32, #tpu.memory_space<vmem>> -> memref<1x128xi32, #tpu.memory_space<vmem>>
      %dma_start3A_1607 = tpu.memref_squeeze %dma_start3A_1606 : memref<1x128xi32, #tpu.memory_space<vmem>> -> memref<128xi32, #tpu.memory_space<vmem>>
      %dma_start3A_1608 = arith.constant 0 : i32
      %dma_start3A_1609 = arith.constant 0 : i32
      %dma_start3A_1610 = tpu.memref_slice %arg4[%dma_start3A_1608, %dma_start3A_1609] : memref<2600000x32xf32, #tpu.memory_space<hbm>> -> memref<2600000x32xf32, #tpu.memory_space<hbm>>
      tpu.enqueue_indirect_dma source(%dma_start3A_1610 : memref<2600000x32xf32, #tpu.memory_space<hbm>>) target(%dma_start3A_1604 : memref<128x32xf32, #tpu.memory_space<vmem>>) offsets(%dma_start3A_1607 : memref<128xi32, #tpu.memory_space<vmem>>) semaphore(%arg11 : memref<!tpu.dma_semaphore, #tpu.memory_space<semaphore_mem>>)
      %dma_start3A_1611 = arith.constant 4 : i32
      %dma_start3A_1612 = arith.constant 512 : i32
      %dma_start3A_1613 = arith.constant 0 : i32
      %dma_start3A_1614 = tpu.memref_slice %arg9[%dma_start3A_1612, %dma_start3A_1613] : memref<1664x32xf32, #tpu.memory_space<vmem>> -> memref<128x32xf32, #tpu.memory_space<vmem>>
      %dma_start3A_1615 = arith.constant 0 : i32
      %dma_start3A_1616 = tpu.memref_slice %arg8[%dma_start3A_1611, %dma_start3A_1615] : memref<13x128xi32, #tpu.memory_space<vmem>> -> memref<1x128xi32, #tpu.memory_space<vmem>>
      %dma_start3A_1617 = tpu.memref_squeeze %dma_start3A_1616 : memref<1x128xi32, #tpu.memory_space<vmem>> -> memref<128xi32, #tpu.memory_space<vmem>>
      %dma_start3A_1618 = arith.constant 0 : i32
      %dma_start3A_1619 = arith.constant 0 : i32
      %dma_start3A_1620 = tpu.memref_slice %arg4[%dma_start3A_1618, %dma_start3A_1619] : memref<2600000x32xf32, #tpu.memory_space<hbm>> -> memref<2600000x32xf32, #tpu.memory_space<hbm>>
      tpu.enqueue_indirect_dma source(%dma_start3A_1620 : memref<2600000x32xf32, #tpu.memory_space<hbm>>) target(%dma_start3A_1614 : memref<128x32xf32, #tpu.memory_space<vmem>>) offsets(%dma_start3A_1617 : memref<128xi32, #tpu.memory_space<vmem>>) semaphore(%arg11 : memref<!tpu.dma_semaphore, #tpu.memory_space<semaphore_mem>>)
      %dma_start3A_1621 = arith.constant 5 : i32
      %dma_start3A_1622 = arith.constant 640 : i32
      %dma_start3A_1623 = arith.constant 0 : i32
      %dma_start3A_1624 = tpu.memref_slice %arg9[%dma_start3A_1622, %dma_start3A_1623] : memref<1664x32xf32, #tpu.memory_space<vmem>> -> memref<128x32xf32, #tpu.memory_space<vmem>>
      %dma_start3A_1625 = arith.constant 0 : i32
      %dma_start3A_1626 = tpu.memref_slice %arg8[%dma_start3A_1621, %dma_start3A_1625] : memref<13x128xi32, #tpu.memory_space<vmem>> -> memref<1x128xi32, #tpu.memory_space<vmem>>
      %dma_start3A_1627 = tpu.memref_squeeze %dma_start3A_1626 : memref<1x128xi32, #tpu.memory_space<vmem>> -> memref<128xi32, #tpu.memory_space<vmem>>
      %dma_start3A_1628 = arith.constant 0 : i32
      %dma_start3A_1629 = arith.constant 0 : i32
      %dma_start3A_1630 = tpu.memref_slice %arg4[%dma_start3A_1628, %dma_start3A_1629] : memref<2600000x32xf32, #tpu.memory_space<hbm>> -> memref<2600000x32xf32, #tpu.memory_space<hbm>>
      tpu.enqueue_indirect_dma source(%dma_start3A_1630 : memref<2600000x32xf32, #tpu.memory_space<hbm>>) target(%dma_start3A_1624 : memref<128x32xf32, #tpu.memory_space<vmem>>) offsets(%dma_start3A_1627 : memref<128xi32, #tpu.memory_space<vmem>>) semaphore(%arg11 : memref<!tpu.dma_semaphore, #tpu.memory_space<semaphore_mem>>)
      %dma_start3A_1631 = arith.constant 6 : i32
      %dma_start3A_1632 = arith.constant 768 : i32
      %dma_start3A_1633 = arith.constant 0 : i32
      %dma_start3A_1634 = tpu.memref_slice %arg9[%dma_start3A_1632, %dma_start3A_1633] : memref<1664x32xf32, #tpu.memory_space<vmem>> -> memref<128x32xf32, #tpu.memory_space<vmem>>
      %dma_start3A_1635 = arith.constant 0 : i32
      %dma_start3A_1636 = tpu.memref_slice %arg8[%dma_start3A_1631, %dma_start3A_1635] : memref<13x128xi32, #tpu.memory_space<vmem>> -> memref<1x128xi32, #tpu.memory_space<vmem>>
      %dma_start3A_1637 = tpu.memref_squeeze %dma_start3A_1636 : memref<1x128xi32, #tpu.memory_space<vmem>> -> memref<128xi32, #tpu.memory_space<vmem>>
      %dma_start3A_1638 = arith.constant 0 : i32
      %dma_start3A_1639 = arith.constant 0 : i32
      %dma_start3A_1640 = tpu.memref_slice %arg4[%dma_start3A_1638, %dma_start3A_1639] : memref<2600000x32xf32, #tpu.memory_space<hbm>> -> memref<2600000x32xf32, #tpu.memory_space<hbm>>
      tpu.enqueue_indirect_dma source(%dma_start3A_1640 : memref<2600000x32xf32, #tpu.memory_space<hbm>>) target(%dma_start3A_1634 : memref<128x32xf32, #tpu.memory_space<vmem>>) offsets(%dma_start3A_1637 : memref<128xi32, #tpu.memory_space<vmem>>) semaphore(%arg11 : memref<!tpu.dma_semaphore, #tpu.memory_space<semaphore_mem>>)
      %dma_start3A_1641 = arith.constant 7 : i32
      %dma_start3A_1642 = arith.constant 896 : i32
      %dma_start3A_1643 = arith.constant 0 : i32
      %dma_start3A_1644 = tpu.memref_slice %arg9[%dma_start3A_1642, %dma_start3A_1643] : memref<1664x32xf32, #tpu.memory_space<vmem>> -> memref<128x32xf32, #tpu.memory_space<vmem>>
      %dma_start3A_1645 = arith.constant 0 : i32
      %dma_start3A_1646 = tpu.memref_slice %arg8[%dma_start3A_1641, %dma_start3A_1645] : memref<13x128xi32, #tpu.memory_space<vmem>> -> memref<1x128xi32, #tpu.memory_space<vmem>>
      %dma_start3A_1647 = tpu.memref_squeeze %dma_start3A_1646 : memref<1x128xi32, #tpu.memory_space<vmem>> -> memref<128xi32, #tpu.memory_space<vmem>>
      %dma_start3A_1648 = arith.constant 0 : i32
      %dma_start3A_1649 = arith.constant 0 : i32
      %dma_start3A_1650 = tpu.memref_slice %arg4[%dma_start3A_1648, %dma_start3A_1649] : memref<2600000x32xf32, #tpu.memory_space<hbm>> -> memref<2600000x32xf32, #tpu.memory_space<hbm>>
      tpu.enqueue_indirect_dma source(%dma_start3A_1650 : memref<2600000x32xf32, #tpu.memory_space<hbm>>) target(%dma_start3A_1644 : memref<128x32xf32, #tpu.memory_space<vmem>>) offsets(%dma_start3A_1647 : memref<128xi32, #tpu.memory_space<vmem>>) semaphore(%arg11 : memref<!tpu.dma_semaphore, #tpu.memory_space<semaphore_mem>>)
      %dma_start3A_1651 = arith.constant 8 : i32
      %dma_start3A_1652 = arith.constant 1024 : i32
      %dma_start3A_1653 = arith.constant 0 : i32
      %dma_start3A_1654 = tpu.memref_slice %arg9[%dma_start3A_1652, %dma_start3A_1653] : memref<1664x32xf32, #tpu.memory_space<vmem>> -> memref<128x32xf32, #tpu.memory_space<vmem>>
      %dma_start3A_1655 = arith.constant 0 : i32
      %dma_start3A_1656 = tpu.memref_slice %arg8[%dma_start3A_1651, %dma_start3A_1655] : memref<13x128xi32, #tpu.memory_space<vmem>> -> memref<1x128xi32, #tpu.memory_space<vmem>>
      %dma_start3A_1657 = tpu.memref_squeeze %dma_start3A_1656 : memref<1x128xi32, #tpu.memory_space<vmem>> -> memref<128xi32, #tpu.memory_space<vmem>>
      %dma_start3A_1658 = arith.constant 0 : i32
      %dma_start3A_1659 = arith.constant 0 : i32
      %dma_start3A_1660 = tpu.memref_slice %arg4[%dma_start3A_1658, %dma_start3A_1659] : memref<2600000x32xf32, #tpu.memory_space<hbm>> -> memref<2600000x32xf32, #tpu.memory_space<hbm>>
      tpu.enqueue_indirect_dma source(%dma_start3A_1660 : memref<2600000x32xf32, #tpu.memory_space<hbm>>) target(%dma_start3A_1654 : memref<128x32xf32, #tpu.memory_space<vmem>>) offsets(%dma_start3A_1657 : memref<128xi32, #tpu.memory_space<vmem>>) semaphore(%arg11 : memref<!tpu.dma_semaphore, #tpu.memory_space<semaphore_mem>>)
      %dma_start3A_1661 = arith.constant 9 : i32
      %dma_start3A_1662 = arith.constant 1152 : i32
      %dma_start3A_1663 = arith.constant 0 : i32
      %dma_start3A_1664 = tpu.memref_slice %arg9[%dma_start3A_1662, %dma_start3A_1663] : memref<1664x32xf32, #tpu.memory_space<vmem>> -> memref<128x32xf32, #tpu.memory_space<vmem>>
      %dma_start3A_1665 = arith.constant 0 : i32
      %dma_start3A_1666 = tpu.memref_slice %arg8[%dma_start3A_1661, %dma_start3A_1665] : memref<13x128xi32, #tpu.memory_space<vmem>> -> memref<1x128xi32, #tpu.memory_space<vmem>>
      %dma_start3A_1667 = tpu.memref_squeeze %dma_start3A_1666 : memref<1x128xi32, #tpu.memory_space<vmem>> -> memref<128xi32, #tpu.memory_space<vmem>>
      %dma_start3A_1668 = arith.constant 0 : i32
      %dma_start3A_1669 = arith.constant 0 : i32
      %dma_start3A_1670 = tpu.memref_slice %arg4[%dma_start3A_1668, %dma_start3A_1669] : memref<2600000x32xf32, #tpu.memory_space<hbm>> -> memref<2600000x32xf32, #tpu.memory_space<hbm>>
      tpu.enqueue_indirect_dma source(%dma_start3A_1670 : memref<2600000x32xf32, #tpu.memory_space<hbm>>) target(%dma_start3A_1664 : memref<128x32xf32, #tpu.memory_space<vmem>>) offsets(%dma_start3A_1667 : memref<128xi32, #tpu.memory_space<vmem>>) semaphore(%arg11 : memref<!tpu.dma_semaphore, #tpu.memory_space<semaphore_mem>>)
      %dma_start3A_1671 = arith.constant 10 : i32
      %dma_start3A_1672 = arith.constant 1280 : i32
      %dma_start3A_1673 = arith.constant 0 : i32
      %dma_start3A_1674 = tpu.memref_slice %arg9[%dma_start3A_1672, %dma_start3A_1673] : memref<1664x32xf32, #tpu.memory_space<vmem>> -> memref<128x32xf32, #tpu.memory_space<vmem>>
      %dma_start3A_1675 = arith.constant 0 : i32
      %dma_start3A_1676 = tpu.memref_slice %arg8[%dma_start3A_1671, %dma_start3A_1675] : memref<13x128xi32, #tpu.memory_space<vmem>> -> memref<1x128xi32, #tpu.memory_space<vmem>>
      %dma_start3A_1677 = tpu.memref_squeeze %dma_start3A_1676 : memref<1x128xi32, #tpu.memory_space<vmem>> -> memref<128xi32, #tpu.memory_space<vmem>>
      %dma_start3A_1678 = arith.constant 0 : i32
      %dma_start3A_1679 = arith.constant 0 : i32
      %dma_start3A_1680 = tpu.memref_slice %arg4[%dma_start3A_1678, %dma_start3A_1679] : memref<2600000x32xf32, #tpu.memory_space<hbm>> -> memref<2600000x32xf32, #tpu.memory_space<hbm>>
      tpu.enqueue_indirect_dma source(%dma_start3A_1680 : memref<2600000x32xf32, #tpu.memory_space<hbm>>) target(%dma_start3A_1674 : memref<128x32xf32, #tpu.memory_space<vmem>>) offsets(%dma_start3A_1677 : memref<128xi32, #tpu.memory_space<vmem>>) semaphore(%arg11 : memref<!tpu.dma_semaphore, #tpu.memory_space<semaphore_mem>>)
      %dma_start3A_1681 = arith.constant 11 : i32
      %dma_start3A_1682 = arith.constant 1408 : i32
      %dma_start3A_1683 = arith.constant 0 : i32
      %dma_start3A_1684 = tpu.memref_slice %arg9[%dma_start3A_1682, %dma_start3A_1683] : memref<1664x32xf32, #tpu.memory_space<vmem>> -> memref<128x32xf32, #tpu.memory_space<vmem>>
      %dma_start3A_1685 = arith.constant 0 : i32
      %dma_start3A_1686 = tpu.memref_slice %arg8[%dma_start3A_1681, %dma_start3A_1685] : memref<13x128xi32, #tpu.memory_space<vmem>> -> memref<1x128xi32, #tpu.memory_space<vmem>>
      %dma_start3A_1687 = tpu.memref_squeeze %dma_start3A_1686 : memref<1x128xi32, #tpu.memory_space<vmem>> -> memref<128xi32, #tpu.memory_space<vmem>>
      %dma_start3A_1688 = arith.constant 0 : i32
      %dma_start3A_1689 = arith.constant 0 : i32
      %dma_start3A_1690 = tpu.memref_slice %arg4[%dma_start3A_1688, %dma_start3A_1689] : memref<2600000x32xf32, #tpu.memory_space<hbm>> -> memref<2600000x32xf32, #tpu.memory_space<hbm>>
      tpu.enqueue_indirect_dma source(%dma_start3A_1690 : memref<2600000x32xf32, #tpu.memory_space<hbm>>) target(%dma_start3A_1684 : memref<128x32xf32, #tpu.memory_space<vmem>>) offsets(%dma_start3A_1687 : memref<128xi32, #tpu.memory_space<vmem>>) semaphore(%arg11 : memref<!tpu.dma_semaphore, #tpu.memory_space<semaphore_mem>>)
      %dma_start3A_1691 = arith.constant 12 : i32
      %dma_start3A_1692 = arith.constant 1536 : i32
      %dma_start3A_1693 = arith.constant 0 : i32
      %dma_start3A_1694 = tpu.memref_slice %arg9[%dma_start3A_1692, %dma_start3A_1693] : memref<1664x32xf32, #tpu.memory_space<vmem>> -> memref<128x32xf32, #tpu.memory_space<vmem>>
      %dma_start3A_1695 = arith.constant 0 : i32
      %dma_start3A_1696 = tpu.memref_slice %arg8[%dma_start3A_1691, %dma_start3A_1695] : memref<13x128xi32, #tpu.memory_space<vmem>> -> memref<1x128xi32, #tpu.memory_space<vmem>>
      %dma_start3A_1697 = tpu.memref_squeeze %dma_start3A_1696 : memref<1x128xi32, #tpu.memory_space<vmem>> -> memref<128xi32, #tpu.memory_space<vmem>>
      %dma_start3A_1698 = arith.constant 0 : i32
      %dma_start3A_1699 = arith.constant 0 : i32
      %dma_start3A_1700 = tpu.memref_slice %arg4[%dma_start3A_1698, %dma_start3A_1699] : memref<2600000x32xf32, #tpu.memory_space<hbm>> -> memref<2600000x32xf32, #tpu.memory_space<hbm>>
      tpu.enqueue_indirect_dma source(%dma_start3A_1700 : memref<2600000x32xf32, #tpu.memory_space<hbm>>) target(%dma_start3A_1694 : memref<128x32xf32, #tpu.memory_space<vmem>>) offsets(%dma_start3A_1697 : memref<128xi32, #tpu.memory_space<vmem>>) semaphore(%arg11 : memref<!tpu.dma_semaphore, #tpu.memory_space<semaphore_mem>>)
      %dma_wait3A = arith.constant 0 : i32
      %dma_wait3A_1701 = arith.constant 0 : i32
      %dma_wait3A_1702 = arith.constant 0 : i32
      %dma_wait3A_1703 = tpu.memref_slice %arg9[%dma_wait3A_1701, %dma_wait3A_1702] : memref<1664x32xf32, #tpu.memory_space<vmem>> -> memref<128x32xf32, #tpu.memory_space<vmem>>
      %dma_wait3A_1704 = arith.constant 0 : i32
      %dma_wait3A_1705 = tpu.memref_slice %arg8[%dma_wait3A, %dma_wait3A_1704] : memref<13x128xi32, #tpu.memory_space<vmem>> -> memref<1x128xi32, #tpu.memory_space<vmem>>
      %dma_wait3A_1706 = tpu.memref_squeeze %dma_wait3A_1705 : memref<1x128xi32, #tpu.memory_space<vmem>> -> memref<128xi32, #tpu.memory_space<vmem>>
      %dma_wait3A_1707 = arith.constant 0 : i32
      %dma_wait3A_1708 = arith.constant 0 : i32
      %dma_wait3A_1709 = tpu.memref_slice %arg4[%dma_wait3A_1707, %dma_wait3A_1708] : memref<2600000x32xf32, #tpu.memory_space<hbm>> -> memref<2600000x32xf32, #tpu.memory_space<hbm>>
      tpu.wait_indirect_dma semaphore(%arg11 : memref<!tpu.dma_semaphore, #tpu.memory_space<semaphore_mem>>) src(%dma_wait3A_1709 : memref<2600000x32xf32, #tpu.memory_space<hbm>>) dst(%dma_wait3A_1703 : memref<128x32xf32, #tpu.memory_space<vmem>>)
      %dma_wait3A_1710 = arith.constant 1 : i32
      %dma_wait3A_1711 = arith.constant 128 : i32
      %dma_wait3A_1712 = arith.constant 0 : i32
      %dma_wait3A_1713 = tpu.memref_slice %arg9[%dma_wait3A_1711, %dma_wait3A_1712] : memref<1664x32xf32, #tpu.memory_space<vmem>> -> memref<128x32xf32, #tpu.memory_space<vmem>>
      %dma_wait3A_1714 = arith.constant 0 : i32
      %dma_wait3A_1715 = tpu.memref_slice %arg8[%dma_wait3A_1710, %dma_wait3A_1714] : memref<13x128xi32, #tpu.memory_space<vmem>> -> memref<1x128xi32, #tpu.memory_space<vmem>>
      %dma_wait3A_1716 = tpu.memref_squeeze %dma_wait3A_1715 : memref<1x128xi32, #tpu.memory_space<vmem>> -> memref<128xi32, #tpu.memory_space<vmem>>
      %dma_wait3A_1717 = arith.constant 0 : i32
      %dma_wait3A_1718 = arith.constant 0 : i32
      %dma_wait3A_1719 = tpu.memref_slice %arg4[%dma_wait3A_1717, %dma_wait3A_1718] : memref<2600000x32xf32, #tpu.memory_space<hbm>> -> memref<2600000x32xf32, #tpu.memory_space<hbm>>
      tpu.wait_indirect_dma semaphore(%arg11 : memref<!tpu.dma_semaphore, #tpu.memory_space<semaphore_mem>>) src(%dma_wait3A_1719 : memref<2600000x32xf32, #tpu.memory_space<hbm>>) dst(%dma_wait3A_1713 : memref<128x32xf32, #tpu.memory_space<vmem>>)
      %dma_wait3A_1720 = arith.constant 2 : i32
      %dma_wait3A_1721 = arith.constant 256 : i32
      %dma_wait3A_1722 = arith.constant 0 : i32
      %dma_wait3A_1723 = tpu.memref_slice %arg9[%dma_wait3A_1721, %dma_wait3A_1722] : memref<1664x32xf32, #tpu.memory_space<vmem>> -> memref<128x32xf32, #tpu.memory_space<vmem>>
      %dma_wait3A_1724 = arith.constant 0 : i32
      %dma_wait3A_1725 = tpu.memref_slice %arg8[%dma_wait3A_1720, %dma_wait3A_1724] : memref<13x128xi32, #tpu.memory_space<vmem>> -> memref<1x128xi32, #tpu.memory_space<vmem>>
      %dma_wait3A_1726 = tpu.memref_squeeze %dma_wait3A_1725 : memref<1x128xi32, #tpu.memory_space<vmem>> -> memref<128xi32, #tpu.memory_space<vmem>>
      %dma_wait3A_1727 = arith.constant 0 : i32
      %dma_wait3A_1728 = arith.constant 0 : i32
      %dma_wait3A_1729 = tpu.memref_slice %arg4[%dma_wait3A_1727, %dma_wait3A_1728] : memref<2600000x32xf32, #tpu.memory_space<hbm>> -> memref<2600000x32xf32, #tpu.memory_space<hbm>>
      tpu.wait_indirect_dma semaphore(%arg11 : memref<!tpu.dma_semaphore, #tpu.memory_space<semaphore_mem>>) src(%dma_wait3A_1729 : memref<2600000x32xf32, #tpu.memory_space<hbm>>) dst(%dma_wait3A_1723 : memref<128x32xf32, #tpu.memory_space<vmem>>)
      %dma_wait3A_1730 = arith.constant 3 : i32
      %dma_wait3A_1731 = arith.constant 384 : i32
      %dma_wait3A_1732 = arith.constant 0 : i32
      %dma_wait3A_1733 = tpu.memref_slice %arg9[%dma_wait3A_1731, %dma_wait3A_1732] : memref<1664x32xf32, #tpu.memory_space<vmem>> -> memref<128x32xf32, #tpu.memory_space<vmem>>
      %dma_wait3A_1734 = arith.constant 0 : i32
      %dma_wait3A_1735 = tpu.memref_slice %arg8[%dma_wait3A_1730, %dma_wait3A_1734] : memref<13x128xi32, #tpu.memory_space<vmem>> -> memref<1x128xi32, #tpu.memory_space<vmem>>
      %dma_wait3A_1736 = tpu.memref_squeeze %dma_wait3A_1735 : memref<1x128xi32, #tpu.memory_space<vmem>> -> memref<128xi32, #tpu.memory_space<vmem>>
      %dma_wait3A_1737 = arith.constant 0 : i32
      %dma_wait3A_1738 = arith.constant 0 : i32
      %dma_wait3A_1739 = tpu.memref_slice %arg4[%dma_wait3A_1737, %dma_wait3A_1738] : memref<2600000x32xf32, #tpu.memory_space<hbm>> -> memref<2600000x32xf32, #tpu.memory_space<hbm>>
      tpu.wait_indirect_dma semaphore(%arg11 : memref<!tpu.dma_semaphore, #tpu.memory_space<semaphore_mem>>) src(%dma_wait3A_1739 : memref<2600000x32xf32, #tpu.memory_space<hbm>>) dst(%dma_wait3A_1733 : memref<128x32xf32, #tpu.memory_space<vmem>>)
      %dma_wait3A_1740 = arith.constant 4 : i32
      %dma_wait3A_1741 = arith.constant 512 : i32
      %dma_wait3A_1742 = arith.constant 0 : i32
      %dma_wait3A_1743 = tpu.memref_slice %arg9[%dma_wait3A_1741, %dma_wait3A_1742] : memref<1664x32xf32, #tpu.memory_space<vmem>> -> memref<128x32xf32, #tpu.memory_space<vmem>>
      %dma_wait3A_1744 = arith.constant 0 : i32
      %dma_wait3A_1745 = tpu.memref_slice %arg8[%dma_wait3A_1740, %dma_wait3A_1744] : memref<13x128xi32, #tpu.memory_space<vmem>> -> memref<1x128xi32, #tpu.memory_space<vmem>>
      %dma_wait3A_1746 = tpu.memref_squeeze %dma_wait3A_1745 : memref<1x128xi32, #tpu.memory_space<vmem>> -> memref<128xi32, #tpu.memory_space<vmem>>
      %dma_wait3A_1747 = arith.constant 0 : i32
      %dma_wait3A_1748 = arith.constant 0 : i32
      %dma_wait3A_1749 = tpu.memref_slice %arg4[%dma_wait3A_1747, %dma_wait3A_1748] : memref<2600000x32xf32, #tpu.memory_space<hbm>> -> memref<2600000x32xf32, #tpu.memory_space<hbm>>
      tpu.wait_indirect_dma semaphore(%arg11 : memref<!tpu.dma_semaphore, #tpu.memory_space<semaphore_mem>>) src(%dma_wait3A_1749 : memref<2600000x32xf32, #tpu.memory_space<hbm>>) dst(%dma_wait3A_1743 : memref<128x32xf32, #tpu.memory_space<vmem>>)
      %dma_wait3A_1750 = arith.constant 5 : i32
      %dma_wait3A_1751 = arith.constant 640 : i32
      %dma_wait3A_1752 = arith.constant 0 : i32
      %dma_wait3A_1753 = tpu.memref_slice %arg9[%dma_wait3A_1751, %dma_wait3A_1752] : memref<1664x32xf32, #tpu.memory_space<vmem>> -> memref<128x32xf32, #tpu.memory_space<vmem>>
      %dma_wait3A_1754 = arith.constant 0 : i32
      %dma_wait3A_1755 = tpu.memref_slice %arg8[%dma_wait3A_1750, %dma_wait3A_1754] : memref<13x128xi32, #tpu.memory_space<vmem>> -> memref<1x128xi32, #tpu.memory_space<vmem>>
      %dma_wait3A_1756 = tpu.memref_squeeze %dma_wait3A_1755 : memref<1x128xi32, #tpu.memory_space<vmem>> -> memref<128xi32, #tpu.memory_space<vmem>>
      %dma_wait3A_1757 = arith.constant 0 : i32
      %dma_wait3A_1758 = arith.constant 0 : i32
      %dma_wait3A_1759 = tpu.memref_slice %arg4[%dma_wait3A_1757, %dma_wait3A_1758] : memref<2600000x32xf32, #tpu.memory_space<hbm>> -> memref<2600000x32xf32, #tpu.memory_space<hbm>>
      tpu.wait_indirect_dma semaphore(%arg11 : memref<!tpu.dma_semaphore, #tpu.memory_space<semaphore_mem>>) src(%dma_wait3A_1759 : memref<2600000x32xf32, #tpu.memory_space<hbm>>) dst(%dma_wait3A_1753 : memref<128x32xf32, #tpu.memory_space<vmem>>)
      %dma_wait3A_1760 = arith.constant 6 : i32
      %dma_wait3A_1761 = arith.constant 768 : i32
      %dma_wait3A_1762 = arith.constant 0 : i32
      %dma_wait3A_1763 = tpu.memref_slice %arg9[%dma_wait3A_1761, %dma_wait3A_1762] : memref<1664x32xf32, #tpu.memory_space<vmem>> -> memref<128x32xf32, #tpu.memory_space<vmem>>
      %dma_wait3A_1764 = arith.constant 0 : i32
      %dma_wait3A_1765 = tpu.memref_slice %arg8[%dma_wait3A_1760, %dma_wait3A_1764] : memref<13x128xi32, #tpu.memory_space<vmem>> -> memref<1x128xi32, #tpu.memory_space<vmem>>
      %dma_wait3A_1766 = tpu.memref_squeeze %dma_wait3A_1765 : memref<1x128xi32, #tpu.memory_space<vmem>> -> memref<128xi32, #tpu.memory_space<vmem>>
      %dma_wait3A_1767 = arith.constant 0 : i32
      %dma_wait3A_1768 = arith.constant 0 : i32
      %dma_wait3A_1769 = tpu.memref_slice %arg4[%dma_wait3A_1767, %dma_wait3A_1768] : memref<2600000x32xf32, #tpu.memory_space<hbm>> -> memref<2600000x32xf32, #tpu.memory_space<hbm>>
      tpu.wait_indirect_dma semaphore(%arg11 : memref<!tpu.dma_semaphore, #tpu.memory_space<semaphore_mem>>) src(%dma_wait3A_1769 : memref<2600000x32xf32, #tpu.memory_space<hbm>>) dst(%dma_wait3A_1763 : memref<128x32xf32, #tpu.memory_space<vmem>>)
      %dma_wait3A_1770 = arith.constant 7 : i32
      %dma_wait3A_1771 = arith.constant 896 : i32
      %dma_wait3A_1772 = arith.constant 0 : i32
      %dma_wait3A_1773 = tpu.memref_slice %arg9[%dma_wait3A_1771, %dma_wait3A_1772] : memref<1664x32xf32, #tpu.memory_space<vmem>> -> memref<128x32xf32, #tpu.memory_space<vmem>>
      %dma_wait3A_1774 = arith.constant 0 : i32
      %dma_wait3A_1775 = tpu.memref_slice %arg8[%dma_wait3A_1770, %dma_wait3A_1774] : memref<13x128xi32, #tpu.memory_space<vmem>> -> memref<1x128xi32, #tpu.memory_space<vmem>>
      %dma_wait3A_1776 = tpu.memref_squeeze %dma_wait3A_1775 : memref<1x128xi32, #tpu.memory_space<vmem>> -> memref<128xi32, #tpu.memory_space<vmem>>
      %dma_wait3A_1777 = arith.constant 0 : i32
      %dma_wait3A_1778 = arith.constant 0 : i32
      %dma_wait3A_1779 = tpu.memref_slice %arg4[%dma_wait3A_1777, %dma_wait3A_1778] : memref<2600000x32xf32, #tpu.memory_space<hbm>> -> memref<2600000x32xf32, #tpu.memory_space<hbm>>
      tpu.wait_indirect_dma semaphore(%arg11 : memref<!tpu.dma_semaphore, #tpu.memory_space<semaphore_mem>>) src(%dma_wait3A_1779 : memref<2600000x32xf32, #tpu.memory_space<hbm>>) dst(%dma_wait3A_1773 : memref<128x32xf32, #tpu.memory_space<vmem>>)
      %dma_wait3A_1780 = arith.constant 8 : i32
      %dma_wait3A_1781 = arith.constant 1024 : i32
      %dma_wait3A_1782 = arith.constant 0 : i32
      %dma_wait3A_1783 = tpu.memref_slice %arg9[%dma_wait3A_1781, %dma_wait3A_1782] : memref<1664x32xf32, #tpu.memory_space<vmem>> -> memref<128x32xf32, #tpu.memory_space<vmem>>
      %dma_wait3A_1784 = arith.constant 0 : i32
      %dma_wait3A_1785 = tpu.memref_slice %arg8[%dma_wait3A_1780, %dma_wait3A_1784] : memref<13x128xi32, #tpu.memory_space<vmem>> -> memref<1x128xi32, #tpu.memory_space<vmem>>
      %dma_wait3A_1786 = tpu.memref_squeeze %dma_wait3A_1785 : memref<1x128xi32, #tpu.memory_space<vmem>> -> memref<128xi32, #tpu.memory_space<vmem>>
      %dma_wait3A_1787 = arith.constant 0 : i32
      %dma_wait3A_1788 = arith.constant 0 : i32
      %dma_wait3A_1789 = tpu.memref_slice %arg4[%dma_wait3A_1787, %dma_wait3A_1788] : memref<2600000x32xf32, #tpu.memory_space<hbm>> -> memref<2600000x32xf32, #tpu.memory_space<hbm>>
      tpu.wait_indirect_dma semaphore(%arg11 : memref<!tpu.dma_semaphore, #tpu.memory_space<semaphore_mem>>) src(%dma_wait3A_1789 : memref<2600000x32xf32, #tpu.memory_space<hbm>>) dst(%dma_wait3A_1783 : memref<128x32xf32, #tpu.memory_space<vmem>>)
      %dma_wait3A_1790 = arith.constant 9 : i32
      %dma_wait3A_1791 = arith.constant 1152 : i32
      %dma_wait3A_1792 = arith.constant 0 : i32
      %dma_wait3A_1793 = tpu.memref_slice %arg9[%dma_wait3A_1791, %dma_wait3A_1792] : memref<1664x32xf32, #tpu.memory_space<vmem>> -> memref<128x32xf32, #tpu.memory_space<vmem>>
      %dma_wait3A_1794 = arith.constant 0 : i32
      %dma_wait3A_1795 = tpu.memref_slice %arg8[%dma_wait3A_1790, %dma_wait3A_1794] : memref<13x128xi32, #tpu.memory_space<vmem>> -> memref<1x128xi32, #tpu.memory_space<vmem>>
      %dma_wait3A_1796 = tpu.memref_squeeze %dma_wait3A_1795 : memref<1x128xi32, #tpu.memory_space<vmem>> -> memref<128xi32, #tpu.memory_space<vmem>>
      %dma_wait3A_1797 = arith.constant 0 : i32
      %dma_wait3A_1798 = arith.constant 0 : i32
      %dma_wait3A_1799 = tpu.memref_slice %arg4[%dma_wait3A_1797, %dma_wait3A_1798] : memref<2600000x32xf32, #tpu.memory_space<hbm>> -> memref<2600000x32xf32, #tpu.memory_space<hbm>>
      tpu.wait_indirect_dma semaphore(%arg11 : memref<!tpu.dma_semaphore, #tpu.memory_space<semaphore_mem>>) src(%dma_wait3A_1799 : memref<2600000x32xf32, #tpu.memory_space<hbm>>) dst(%dma_wait3A_1793 : memref<128x32xf32, #tpu.memory_space<vmem>>)
      %dma_wait3A_1800 = arith.constant 10 : i32
      %dma_wait3A_1801 = arith.constant 1280 : i32
      %dma_wait3A_1802 = arith.constant 0 : i32
      %dma_wait3A_1803 = tpu.memref_slice %arg9[%dma_wait3A_1801, %dma_wait3A_1802] : memref<1664x32xf32, #tpu.memory_space<vmem>> -> memref<128x32xf32, #tpu.memory_space<vmem>>
      %dma_wait3A_1804 = arith.constant 0 : i32
      %dma_wait3A_1805 = tpu.memref_slice %arg8[%dma_wait3A_1800, %dma_wait3A_1804] : memref<13x128xi32, #tpu.memory_space<vmem>> -> memref<1x128xi32, #tpu.memory_space<vmem>>
      %dma_wait3A_1806 = tpu.memref_squeeze %dma_wait3A_1805 : memref<1x128xi32, #tpu.memory_space<vmem>> -> memref<128xi32, #tpu.memory_space<vmem>>
      %dma_wait3A_1807 = arith.constant 0 : i32
      %dma_wait3A_1808 = arith.constant 0 : i32
      %dma_wait3A_1809 = tpu.memref_slice %arg4[%dma_wait3A_1807, %dma_wait3A_1808] : memref<2600000x32xf32, #tpu.memory_space<hbm>> -> memref<2600000x32xf32, #tpu.memory_space<hbm>>
      tpu.wait_indirect_dma semaphore(%arg11 : memref<!tpu.dma_semaphore, #tpu.memory_space<semaphore_mem>>) src(%dma_wait3A_1809 : memref<2600000x32xf32, #tpu.memory_space<hbm>>) dst(%dma_wait3A_1803 : memref<128x32xf32, #tpu.memory_space<vmem>>)
      %dma_wait3A_1810 = arith.constant 11 : i32
      %dma_wait3A_1811 = arith.constant 1408 : i32
      %dma_wait3A_1812 = arith.constant 0 : i32
      %dma_wait3A_1813 = tpu.memref_slice %arg9[%dma_wait3A_1811, %dma_wait3A_1812] : memref<1664x32xf32, #tpu.memory_space<vmem>> -> memref<128x32xf32, #tpu.memory_space<vmem>>
      %dma_wait3A_1814 = arith.constant 0 : i32
      %dma_wait3A_1815 = tpu.memref_slice %arg8[%dma_wait3A_1810, %dma_wait3A_1814] : memref<13x128xi32, #tpu.memory_space<vmem>> -> memref<1x128xi32, #tpu.memory_space<vmem>>
      %dma_wait3A_1816 = tpu.memref_squeeze %dma_wait3A_1815 : memref<1x128xi32, #tpu.memory_space<vmem>> -> memref<128xi32, #tpu.memory_space<vmem>>
      %dma_wait3A_1817 = arith.constant 0 : i32
      %dma_wait3A_1818 = arith.constant 0 : i32
      %dma_wait3A_1819 = tpu.memref_slice %arg4[%dma_wait3A_1817, %dma_wait3A_1818] : memref<2600000x32xf32, #tpu.memory_space<hbm>> -> memref<2600000x32xf32, #tpu.memory_space<hbm>>
      tpu.wait_indirect_dma semaphore(%arg11 : memref<!tpu.dma_semaphore, #tpu.memory_space<semaphore_mem>>) src(%dma_wait3A_1819 : memref<2600000x32xf32, #tpu.memory_space<hbm>>) dst(%dma_wait3A_1813 : memref<128x32xf32, #tpu.memory_space<vmem>>)
      %dma_wait3A_1820 = arith.constant 12 : i32
      %dma_wait3A_1821 = arith.constant 1536 : i32
      %dma_wait3A_1822 = arith.constant 0 : i32
      %dma_wait3A_1823 = tpu.memref_slice %arg9[%dma_wait3A_1821, %dma_wait3A_1822] : memref<1664x32xf32, #tpu.memory_space<vmem>> -> memref<128x32xf32, #tpu.memory_space<vmem>>
      %dma_wait3A_1824 = arith.constant 0 : i32
      %dma_wait3A_1825 = tpu.memref_slice %arg8[%dma_wait3A_1820, %dma_wait3A_1824] : memref<13x128xi32, #tpu.memory_space<vmem>> -> memref<1x128xi32, #tpu.memory_space<vmem>>
      %dma_wait3A_1826 = tpu.memref_squeeze %dma_wait3A_1825 : memref<1x128xi32, #tpu.memory_space<vmem>> -> memref<128xi32, #tpu.memory_space<vmem>>
      %dma_wait3A_1827 = arith.constant 0 : i32
      %dma_wait3A_1828 = arith.constant 0 : i32
      %dma_wait3A_1829 = tpu.memref_slice %arg4[%dma_wait3A_1827, %dma_wait3A_1828] : memref<2600000x32xf32, #tpu.memory_space<hbm>> -> memref<2600000x32xf32, #tpu.memory_space<hbm>>
      tpu.wait_indirect_dma semaphore(%arg11 : memref<!tpu.dma_semaphore, #tpu.memory_space<semaphore_mem>>) src(%dma_wait3A_1829 : memref<2600000x32xf32, #tpu.memory_space<hbm>>) dst(%dma_wait3A_1823 : memref<128x32xf32, #tpu.memory_space<vmem>>)
      %scan3A_1830 = arith.constant 0 : i32
      %scan3A_1831 = arith.constant 0 : i32
      %scan3A_1832 = arith.constant 64 : i32
      %scan3A_1833 = arith.addi %scan3A_1831, %scan3A_1832 : i32
      %scan3A_1834 = arith.constant 1 : i32
      scf.for %scan3A_1836 = %scan3A_1831 to %scan3A_1833 step %scan3A_1834  : i32 {
        %mul3A_1837 = arith.constant 26 : i32
        %mul3A_1838 = arith.muli %scan3A_1836, %mul3A_1837 : i32
        %get3A_1839 = arith.index_cast %mul3A_1838 : i32 to index
        %get3A_1840 = arith.constant 0 : index
        %get3A_1841 = tpu.vector_load %arg9[%get3A_1839, %get3A_1840] {strides = array<i32>} : memref<1664x32xf32, #tpu.memory_space<vmem>>, vector<1x16xf32>,
        %get3A_1842 = vector.shape_cast %get3A_1841 : vector<1x16xf32> to vector<16xf32>
        %get3A_1843 = arith.index_cast %mul3A_1838 : i32 to index
        %get3A_1844 = arith.constant 16 : index
        %get3A_1845 = tpu.vector_load %arg9[%get3A_1843, %get3A_1844] {strides = array<i32>} : memref<1664x32xf32, #tpu.memory_space<vmem>>, vector<1x16xf32>,
        %get3A_1846 = vector.shape_cast %get3A_1845 : vector<1x16xf32> to vector<16xf32>
        %add3A_1847 = arith.constant 1 : i32
        %add3A_1848 = arith.addi %mul3A_1838, %add3A_1847 : i32
        %get3A_1849 = arith.index_cast %add3A_1848 : i32 to index
        %get3A_1850 = arith.constant 0 : index
        %get3A_1851 = tpu.vector_load %arg9[%get3A_1849, %get3A_1850] {strides = array<i32>} : memref<1664x32xf32, #tpu.memory_space<vmem>>, vector<1x16xf32>,
        %get3A_1852 = vector.shape_cast %get3A_1851 : vector<1x16xf32> to vector<16xf32>
        %add3A_1853 = arith.addf %get3A_1842, %get3A_1852 : vector<16xf32>
        %add3A_1854 = arith.constant 1 : i32
        %add3A_1855 = arith.addi %mul3A_1838, %add3A_1854 : i32
        %get3A_1856 = arith.index_cast %add3A_1855 : i32 to index
        %get3A_1857 = arith.constant 16 : index
        %get3A_1858 = tpu.vector_load %arg9[%get3A_1856, %get3A_1857] {strides = array<i32>} : memref<1664x32xf32, #tpu.memory_space<vmem>>, vector<1x16xf32>,
        %get3A_1859 = vector.shape_cast %get3A_1858 : vector<1x16xf32> to vector<16xf32>
        %add3A_1860 = arith.addf %get3A_1846, %get3A_1859 : vector<16xf32>
        %add3A_1861 = arith.constant 2 : i32
        %add3A_1862 = arith.addi %mul3A_1838, %add3A_1861 : i32
        %get3A_1863 = arith.index_cast %add3A_1862 : i32 to index
        %get3A_1864 = arith.constant 0 : index
        %get3A_1865 = tpu.vector_load %arg9[%get3A_1863, %get3A_1864] {strides = array<i32>} : memref<1664x32xf32, #tpu.memory_space<vmem>>, vector<1x16xf32>,
        %get3A_1866 = vector.shape_cast %get3A_1865 : vector<1x16xf32> to vector<16xf32>
        %add3A_1867 = arith.addf %add3A_1853, %get3A_1866 : vector<16xf32>
        %add3A_1868 = arith.constant 2 : i32
        %add3A_1869 = arith.addi %mul3A_1838, %add3A_1868 : i32
        %get3A_1870 = arith.index_cast %add3A_1869 : i32 to index
        %get3A_1871 = arith.constant 16 : index
        %get3A_1872 = tpu.vector_load %arg9[%get3A_1870, %get3A_1871] {strides = array<i32>} : memref<1664x32xf32, #tpu.memory_space<vmem>>, vector<1x16xf32>,
        %get3A_1873 = vector.shape_cast %get3A_1872 : vector<1x16xf32> to vector<16xf32>
        %add3A_1874 = arith.addf %add3A_1860, %get3A_1873 : vector<16xf32>
        %add3A_1875 = arith.constant 3 : i32
        %add3A_1876 = arith.addi %mul3A_1838, %add3A_1875 : i32
        %get3A_1877 = arith.index_cast %add3A_1876 : i32 to index
        %get3A_1878 = arith.constant 0 : index
        %get3A_1879 = tpu.vector_load %arg9[%get3A_1877, %get3A_1878] {strides = array<i32>} : memref<1664x32xf32, #tpu.memory_space<vmem>>, vector<1x16xf32>,
        %get3A_1880 = vector.shape_cast %get3A_1879 : vector<1x16xf32> to vector<16xf32>
        %add3A_1881 = arith.addf %add3A_1867, %get3A_1880 : vector<16xf32>
        %add3A_1882 = arith.constant 3 : i32
        %add3A_1883 = arith.addi %mul3A_1838, %add3A_1882 : i32
        %get3A_1884 = arith.index_cast %add3A_1883 : i32 to index
        %get3A_1885 = arith.constant 16 : index
        %get3A_1886 = tpu.vector_load %arg9[%get3A_1884, %get3A_1885] {strides = array<i32>} : memref<1664x32xf32, #tpu.memory_space<vmem>>, vector<1x16xf32>,
        %get3A_1887 = vector.shape_cast %get3A_1886 : vector<1x16xf32> to vector<16xf32>
        %add3A_1888 = arith.addf %add3A_1874, %get3A_1887 : vector<16xf32>
        %add3A_1889 = arith.constant 4 : i32
        %add3A_1890 = arith.addi %mul3A_1838, %add3A_1889 : i32
        %get3A_1891 = arith.index_cast %add3A_1890 : i32 to index
        %get3A_1892 = arith.constant 0 : index
        %get3A_1893 = tpu.vector_load %arg9[%get3A_1891, %get3A_1892] {strides = array<i32>} : memref<1664x32xf32, #tpu.memory_space<vmem>>, vector<1x16xf32>,
        %get3A_1894 = vector.shape_cast %get3A_1893 : vector<1x16xf32> to vector<16xf32>
        %add3A_1895 = arith.addf %add3A_1881, %get3A_1894 : vector<16xf32>
        %add3A_1896 = arith.constant 4 : i32
        %add3A_1897 = arith.addi %mul3A_1838, %add3A_1896 : i32
        %get3A_1898 = arith.index_cast %add3A_1897 : i32 to index
        %get3A_1899 = arith.constant 16 : index
        %get3A_1900 = tpu.vector_load %arg9[%get3A_1898, %get3A_1899] {strides = array<i32>} : memref<1664x32xf32, #tpu.memory_space<vmem>>, vector<1x16xf32>,
        %get3A_1901 = vector.shape_cast %get3A_1900 : vector<1x16xf32> to vector<16xf32>
        %add3A_1902 = arith.addf %add3A_1888, %get3A_1901 : vector<16xf32>
        %add3A_1903 = arith.constant 5 : i32
        %add3A_1904 = arith.addi %mul3A_1838, %add3A_1903 : i32
        %get3A_1905 = arith.index_cast %add3A_1904 : i32 to index
        %get3A_1906 = arith.constant 0 : index
        %get3A_1907 = tpu.vector_load %arg9[%get3A_1905, %get3A_1906] {strides = array<i32>} : memref<1664x32xf32, #tpu.memory_space<vmem>>, vector<1x16xf32>,
        %get3A_1908 = vector.shape_cast %get3A_1907 : vector<1x16xf32> to vector<16xf32>
        %add3A_1909 = arith.addf %add3A_1895, %get3A_1908 : vector<16xf32>
        %add3A_1910 = arith.constant 5 : i32
        %add3A_1911 = arith.addi %mul3A_1838, %add3A_1910 : i32
        %get3A_1912 = arith.index_cast %add3A_1911 : i32 to index
        %get3A_1913 = arith.constant 16 : index
        %get3A_1914 = tpu.vector_load %arg9[%get3A_1912, %get3A_1913] {strides = array<i32>} : memref<1664x32xf32, #tpu.memory_space<vmem>>, vector<1x16xf32>,
        %get3A_1915 = vector.shape_cast %get3A_1914 : vector<1x16xf32> to vector<16xf32>
        %add3A_1916 = arith.addf %add3A_1902, %get3A_1915 : vector<16xf32>
        %add3A_1917 = arith.constant 6 : i32
        %add3A_1918 = arith.addi %mul3A_1838, %add3A_1917 : i32
        %get3A_1919 = arith.index_cast %add3A_1918 : i32 to index
        %get3A_1920 = arith.constant 0 : index
        %get3A_1921 = tpu.vector_load %arg9[%get3A_1919, %get3A_1920] {strides = array<i32>} : memref<1664x32xf32, #tpu.memory_space<vmem>>, vector<1x16xf32>,
        %get3A_1922 = vector.shape_cast %get3A_1921 : vector<1x16xf32> to vector<16xf32>
        %add3A_1923 = arith.addf %add3A_1909, %get3A_1922 : vector<16xf32>
        %add3A_1924 = arith.constant 6 : i32
        %add3A_1925 = arith.addi %mul3A_1838, %add3A_1924 : i32
        %get3A_1926 = arith.index_cast %add3A_1925 : i32 to index
        %get3A_1927 = arith.constant 16 : index
        %get3A_1928 = tpu.vector_load %arg9[%get3A_1926, %get3A_1927] {strides = array<i32>} : memref<1664x32xf32, #tpu.memory_space<vmem>>, vector<1x16xf32>,
        %get3A_1929 = vector.shape_cast %get3A_1928 : vector<1x16xf32> to vector<16xf32>
        %add3A_1930 = arith.addf %add3A_1916, %get3A_1929 : vector<16xf32>
        %add3A_1931 = arith.constant 7 : i32
        %add3A_1932 = arith.addi %mul3A_1838, %add3A_1931 : i32
        %get3A_1933 = arith.index_cast %add3A_1932 : i32 to index
        %get3A_1934 = arith.constant 0 : index
        %get3A_1935 = tpu.vector_load %arg9[%get3A_1933, %get3A_1934] {strides = array<i32>} : memref<1664x32xf32, #tpu.memory_space<vmem>>, vector<1x16xf32>,
        %get3A_1936 = vector.shape_cast %get3A_1935 : vector<1x16xf32> to vector<16xf32>
        %add3A_1937 = arith.addf %add3A_1923, %get3A_1936 : vector<16xf32>
        %add3A_1938 = arith.constant 7 : i32
        %add3A_1939 = arith.addi %mul3A_1838, %add3A_1938 : i32
        %get3A_1940 = arith.index_cast %add3A_1939 : i32 to index
        %get3A_1941 = arith.constant 16 : index
        %get3A_1942 = tpu.vector_load %arg9[%get3A_1940, %get3A_1941] {strides = array<i32>} : memref<1664x32xf32, #tpu.memory_space<vmem>>, vector<1x16xf32>,
        %get3A_1943 = vector.shape_cast %get3A_1942 : vector<1x16xf32> to vector<16xf32>
        %add3A_1944 = arith.addf %add3A_1930, %get3A_1943 : vector<16xf32>
        %add3A_1945 = arith.constant 8 : i32
        %add3A_1946 = arith.addi %mul3A_1838, %add3A_1945 : i32
        %get3A_1947 = arith.index_cast %add3A_1946 : i32 to index
        %get3A_1948 = arith.constant 0 : index
        %get3A_1949 = tpu.vector_load %arg9[%get3A_1947, %get3A_1948] {strides = array<i32>} : memref<1664x32xf32, #tpu.memory_space<vmem>>, vector<1x16xf32>,
        %get3A_1950 = vector.shape_cast %get3A_1949 : vector<1x16xf32> to vector<16xf32>
        %add3A_1951 = arith.addf %add3A_1937, %get3A_1950 : vector<16xf32>
        %add3A_1952 = arith.constant 8 : i32
        %add3A_1953 = arith.addi %mul3A_1838, %add3A_1952 : i32
        %get3A_1954 = arith.index_cast %add3A_1953 : i32 to index
        %get3A_1955 = arith.constant 16 : index
        %get3A_1956 = tpu.vector_load %arg9[%get3A_1954, %get3A_1955] {strides = array<i32>} : memref<1664x32xf32, #tpu.memory_space<vmem>>, vector<1x16xf32>,
        %get3A_1957 = vector.shape_cast %get3A_1956 : vector<1x16xf32> to vector<16xf32>
        %add3A_1958 = arith.addf %add3A_1944, %get3A_1957 : vector<16xf32>
        %add3A_1959 = arith.constant 9 : i32
        %add3A_1960 = arith.addi %mul3A_1838, %add3A_1959 : i32
        %get3A_1961 = arith.index_cast %add3A_1960 : i32 to index
        %get3A_1962 = arith.constant 0 : index
        %get3A_1963 = tpu.vector_load %arg9[%get3A_1961, %get3A_1962] {strides = array<i32>} : memref<1664x32xf32, #tpu.memory_space<vmem>>, vector<1x16xf32>,
        %get3A_1964 = vector.shape_cast %get3A_1963 : vector<1x16xf32> to vector<16xf32>
        %add3A_1965 = arith.addf %add3A_1951, %get3A_1964 : vector<16xf32>
        %add3A_1966 = arith.constant 9 : i32
        %add3A_1967 = arith.addi %mul3A_1838, %add3A_1966 : i32
        %get3A_1968 = arith.index_cast %add3A_1967 : i32 to index
        %get3A_1969 = arith.constant 16 : index
        %get3A_1970 = tpu.vector_load %arg9[%get3A_1968, %get3A_1969] {strides = array<i32>} : memref<1664x32xf32, #tpu.memory_space<vmem>>, vector<1x16xf32>,
        %get3A_1971 = vector.shape_cast %get3A_1970 : vector<1x16xf32> to vector<16xf32>
        %add3A_1972 = arith.addf %add3A_1958, %get3A_1971 : vector<16xf32>
        %add3A_1973 = arith.constant 10 : i32
        %add3A_1974 = arith.addi %mul3A_1838, %add3A_1973 : i32
        %get3A_1975 = arith.index_cast %add3A_1974 : i32 to index
        %get3A_1976 = arith.constant 0 : index
        %get3A_1977 = tpu.vector_load %arg9[%get3A_1975, %get3A_1976] {strides = array<i32>} : memref<1664x32xf32, #tpu.memory_space<vmem>>, vector<1x16xf32>,
        %get3A_1978 = vector.shape_cast %get3A_1977 : vector<1x16xf32> to vector<16xf32>
        %add3A_1979 = arith.addf %add3A_1965, %get3A_1978 : vector<16xf32>
        %add3A_1980 = arith.constant 10 : i32
        %add3A_1981 = arith.addi %mul3A_1838, %add3A_1980 : i32
        %get3A_1982 = arith.index_cast %add3A_1981 : i32 to index
        %get3A_1983 = arith.constant 16 : index
        %get3A_1984 = tpu.vector_load %arg9[%get3A_1982, %get3A_1983] {strides = array<i32>} : memref<1664x32xf32, #tpu.memory_space<vmem>>, vector<1x16xf32>,
        %get3A_1985 = vector.shape_cast %get3A_1984 : vector<1x16xf32> to vector<16xf32>
        %add3A_1986 = arith.addf %add3A_1972, %get3A_1985 : vector<16xf32>
        %add3A_1987 = arith.constant 11 : i32
        %add3A_1988 = arith.addi %mul3A_1838, %add3A_1987 : i32
        %get3A_1989 = arith.index_cast %add3A_1988 : i32 to index
        %get3A_1990 = arith.constant 0 : index
        %get3A_1991 = tpu.vector_load %arg9[%get3A_1989, %get3A_1990] {strides = array<i32>} : memref<1664x32xf32, #tpu.memory_space<vmem>>, vector<1x16xf32>,
        %get3A_1992 = vector.shape_cast %get3A_1991 : vector<1x16xf32> to vector<16xf32>
        %add3A_1993 = arith.addf %add3A_1979, %get3A_1992 : vector<16xf32>
        %add3A_1994 = arith.constant 11 : i32
        %add3A_1995 = arith.addi %mul3A_1838, %add3A_1994 : i32
        %get3A_1996 = arith.index_cast %add3A_1995 : i32 to index
        %get3A_1997 = arith.constant 16 : index
        %get3A_1998 = tpu.vector_load %arg9[%get3A_1996, %get3A_1997] {strides = array<i32>} : memref<1664x32xf32, #tpu.memory_space<vmem>>, vector<1x16xf32>,
        %get3A_1999 = vector.shape_cast %get3A_1998 : vector<1x16xf32> to vector<16xf32>
        %add3A_2000 = arith.addf %add3A_1986, %get3A_1999 : vector<16xf32>
        %add3A_2001 = arith.constant 12 : i32
        %add3A_2002 = arith.addi %mul3A_1838, %add3A_2001 : i32
        %get3A_2003 = arith.index_cast %add3A_2002 : i32 to index
        %get3A_2004 = arith.constant 0 : index
        %get3A_2005 = tpu.vector_load %arg9[%get3A_2003, %get3A_2004] {strides = array<i32>} : memref<1664x32xf32, #tpu.memory_space<vmem>>, vector<1x16xf32>,
        %get3A_2006 = vector.shape_cast %get3A_2005 : vector<1x16xf32> to vector<16xf32>
        %add3A_2007 = arith.addf %add3A_1993, %get3A_2006 : vector<16xf32>
        %add3A_2008 = arith.constant 12 : i32
        %add3A_2009 = arith.addi %mul3A_1838, %add3A_2008 : i32
        %get3A_2010 = arith.index_cast %add3A_2009 : i32 to index
        %get3A_2011 = arith.constant 16 : index
        %get3A_2012 = tpu.vector_load %arg9[%get3A_2010, %get3A_2011] {strides = array<i32>} : memref<1664x32xf32, #tpu.memory_space<vmem>>, vector<1x16xf32>,
        %get3A_2013 = vector.shape_cast %get3A_2012 : vector<1x16xf32> to vector<16xf32>
        %add3A_2014 = arith.addf %add3A_2000, %get3A_2013 : vector<16xf32>
        %add3A_2015 = arith.constant 13 : i32
        %add3A_2016 = arith.addi %mul3A_1838, %add3A_2015 : i32
        %get3A_2017 = arith.index_cast %add3A_2016 : i32 to index
        %get3A_2018 = arith.constant 0 : index
        %get3A_2019 = tpu.vector_load %arg9[%get3A_2017, %get3A_2018] {strides = array<i32>} : memref<1664x32xf32, #tpu.memory_space<vmem>>, vector<1x16xf32>,
        %get3A_2020 = vector.shape_cast %get3A_2019 : vector<1x16xf32> to vector<16xf32>
        %add3A_2021 = arith.addf %add3A_2007, %get3A_2020 : vector<16xf32>
        %add3A_2022 = arith.constant 13 : i32
        %add3A_2023 = arith.addi %mul3A_1838, %add3A_2022 : i32
        %get3A_2024 = arith.index_cast %add3A_2023 : i32 to index
        %get3A_2025 = arith.constant 16 : index
        %get3A_2026 = tpu.vector_load %arg9[%get3A_2024, %get3A_2025] {strides = array<i32>} : memref<1664x32xf32, #tpu.memory_space<vmem>>, vector<1x16xf32>,
        %get3A_2027 = vector.shape_cast %get3A_2026 : vector<1x16xf32> to vector<16xf32>
        %add3A_2028 = arith.addf %add3A_2014, %get3A_2027 : vector<16xf32>
        %add3A_2029 = arith.constant 14 : i32
        %add3A_2030 = arith.addi %mul3A_1838, %add3A_2029 : i32
        %get3A_2031 = arith.index_cast %add3A_2030 : i32 to index
        %get3A_2032 = arith.constant 0 : index
        %get3A_2033 = tpu.vector_load %arg9[%get3A_2031, %get3A_2032] {strides = array<i32>} : memref<1664x32xf32, #tpu.memory_space<vmem>>, vector<1x16xf32>,
        %get3A_2034 = vector.shape_cast %get3A_2033 : vector<1x16xf32> to vector<16xf32>
        %add3A_2035 = arith.addf %add3A_2021, %get3A_2034 : vector<16xf32>
        %add3A_2036 = arith.constant 14 : i32
        %add3A_2037 = arith.addi %mul3A_1838, %add3A_2036 : i32
        %get3A_2038 = arith.index_cast %add3A_2037 : i32 to index
        %get3A_2039 = arith.constant 16 : index
        %get3A_2040 = tpu.vector_load %arg9[%get3A_2038, %get3A_2039] {strides = array<i32>} : memref<1664x32xf32, #tpu.memory_space<vmem>>, vector<1x16xf32>,
        %get3A_2041 = vector.shape_cast %get3A_2040 : vector<1x16xf32> to vector<16xf32>
        %add3A_2042 = arith.addf %add3A_2028, %get3A_2041 : vector<16xf32>
        %add3A_2043 = arith.constant 15 : i32
        %add3A_2044 = arith.addi %mul3A_1838, %add3A_2043 : i32
        %get3A_2045 = arith.index_cast %add3A_2044 : i32 to index
        %get3A_2046 = arith.constant 0 : index
        %get3A_2047 = tpu.vector_load %arg9[%get3A_2045, %get3A_2046] {strides = array<i32>} : memref<1664x32xf32, #tpu.memory_space<vmem>>, vector<1x16xf32>,
        %get3A_2048 = vector.shape_cast %get3A_2047 : vector<1x16xf32> to vector<16xf32>
        %add3A_2049 = arith.addf %add3A_2035, %get3A_2048 : vector<16xf32>
        %add3A_2050 = arith.constant 15 : i32
        %add3A_2051 = arith.addi %mul3A_1838, %add3A_2050 : i32
        %get3A_2052 = arith.index_cast %add3A_2051 : i32 to index
        %get3A_2053 = arith.constant 16 : index
        %get3A_2054 = tpu.vector_load %arg9[%get3A_2052, %get3A_2053] {strides = array<i32>} : memref<1664x32xf32, #tpu.memory_space<vmem>>, vector<1x16xf32>,
        %get3A_2055 = vector.shape_cast %get3A_2054 : vector<1x16xf32> to vector<16xf32>
        %add3A_2056 = arith.addf %add3A_2042, %get3A_2055 : vector<16xf32>
        %add3A_2057 = arith.constant 16 : i32
        %add3A_2058 = arith.addi %mul3A_1838, %add3A_2057 : i32
        %get3A_2059 = arith.index_cast %add3A_2058 : i32 to index
        %get3A_2060 = arith.constant 0 : index
        %get3A_2061 = tpu.vector_load %arg9[%get3A_2059, %get3A_2060] {strides = array<i32>} : memref<1664x32xf32, #tpu.memory_space<vmem>>, vector<1x16xf32>,
        %get3A_2062 = vector.shape_cast %get3A_2061 : vector<1x16xf32> to vector<16xf32>
        %add3A_2063 = arith.addf %add3A_2049, %get3A_2062 : vector<16xf32>
        %add3A_2064 = arith.constant 16 : i32
        %add3A_2065 = arith.addi %mul3A_1838, %add3A_2064 : i32
        %get3A_2066 = arith.index_cast %add3A_2065 : i32 to index
        %get3A_2067 = arith.constant 16 : index
        %get3A_2068 = tpu.vector_load %arg9[%get3A_2066, %get3A_2067] {strides = array<i32>} : memref<1664x32xf32, #tpu.memory_space<vmem>>, vector<1x16xf32>,
        %get3A_2069 = vector.shape_cast %get3A_2068 : vector<1x16xf32> to vector<16xf32>
        %add3A_2070 = arith.addf %add3A_2056, %get3A_2069 : vector<16xf32>
        %add3A_2071 = arith.constant 17 : i32
        %add3A_2072 = arith.addi %mul3A_1838, %add3A_2071 : i32
        %get3A_2073 = arith.index_cast %add3A_2072 : i32 to index
        %get3A_2074 = arith.constant 0 : index
        %get3A_2075 = tpu.vector_load %arg9[%get3A_2073, %get3A_2074] {strides = array<i32>} : memref<1664x32xf32, #tpu.memory_space<vmem>>, vector<1x16xf32>,
        %get3A_2076 = vector.shape_cast %get3A_2075 : vector<1x16xf32> to vector<16xf32>
        %add3A_2077 = arith.addf %add3A_2063, %get3A_2076 : vector<16xf32>
        %add3A_2078 = arith.constant 17 : i32
        %add3A_2079 = arith.addi %mul3A_1838, %add3A_2078 : i32
        %get3A_2080 = arith.index_cast %add3A_2079 : i32 to index
        %get3A_2081 = arith.constant 16 : index
        %get3A_2082 = tpu.vector_load %arg9[%get3A_2080, %get3A_2081] {strides = array<i32>} : memref<1664x32xf32, #tpu.memory_space<vmem>>, vector<1x16xf32>,
        %get3A_2083 = vector.shape_cast %get3A_2082 : vector<1x16xf32> to vector<16xf32>
        %add3A_2084 = arith.addf %add3A_2070, %get3A_2083 : vector<16xf32>
        %add3A_2085 = arith.constant 18 : i32
        %add3A_2086 = arith.addi %mul3A_1838, %add3A_2085 : i32
        %get3A_2087 = arith.index_cast %add3A_2086 : i32 to index
        %get3A_2088 = arith.constant 0 : index
        %get3A_2089 = tpu.vector_load %arg9[%get3A_2087, %get3A_2088] {strides = array<i32>} : memref<1664x32xf32, #tpu.memory_space<vmem>>, vector<1x16xf32>,
        %get3A_2090 = vector.shape_cast %get3A_2089 : vector<1x16xf32> to vector<16xf32>
        %add3A_2091 = arith.addf %add3A_2077, %get3A_2090 : vector<16xf32>
        %add3A_2092 = arith.constant 18 : i32
        %add3A_2093 = arith.addi %mul3A_1838, %add3A_2092 : i32
        %get3A_2094 = arith.index_cast %add3A_2093 : i32 to index
        %get3A_2095 = arith.constant 16 : index
        %get3A_2096 = tpu.vector_load %arg9[%get3A_2094, %get3A_2095] {strides = array<i32>} : memref<1664x32xf32, #tpu.memory_space<vmem>>, vector<1x16xf32>,
        %get3A_2097 = vector.shape_cast %get3A_2096 : vector<1x16xf32> to vector<16xf32>
        %add3A_2098 = arith.addf %add3A_2084, %get3A_2097 : vector<16xf32>
        %add3A_2099 = arith.constant 19 : i32
        %add3A_2100 = arith.addi %mul3A_1838, %add3A_2099 : i32
        %get3A_2101 = arith.index_cast %add3A_2100 : i32 to index
        %get3A_2102 = arith.constant 0 : index
        %get3A_2103 = tpu.vector_load %arg9[%get3A_2101, %get3A_2102] {strides = array<i32>} : memref<1664x32xf32, #tpu.memory_space<vmem>>, vector<1x16xf32>,
        %get3A_2104 = vector.shape_cast %get3A_2103 : vector<1x16xf32> to vector<16xf32>
        %add3A_2105 = arith.addf %add3A_2091, %get3A_2104 : vector<16xf32>
        %add3A_2106 = arith.constant 19 : i32
        %add3A_2107 = arith.addi %mul3A_1838, %add3A_2106 : i32
        %get3A_2108 = arith.index_cast %add3A_2107 : i32 to index
        %get3A_2109 = arith.constant 16 : index
        %get3A_2110 = tpu.vector_load %arg9[%get3A_2108, %get3A_2109] {strides = array<i32>} : memref<1664x32xf32, #tpu.memory_space<vmem>>, vector<1x16xf32>,
        %get3A_2111 = vector.shape_cast %get3A_2110 : vector<1x16xf32> to vector<16xf32>
        %add3A_2112 = arith.addf %add3A_2098, %get3A_2111 : vector<16xf32>
        %add3A_2113 = arith.constant 20 : i32
        %add3A_2114 = arith.addi %mul3A_1838, %add3A_2113 : i32
        %get3A_2115 = arith.index_cast %add3A_2114 : i32 to index
        %get3A_2116 = arith.constant 0 : index
        %get3A_2117 = tpu.vector_load %arg9[%get3A_2115, %get3A_2116] {strides = array<i32>} : memref<1664x32xf32, #tpu.memory_space<vmem>>, vector<1x16xf32>,
        %get3A_2118 = vector.shape_cast %get3A_2117 : vector<1x16xf32> to vector<16xf32>
        %add3A_2119 = arith.addf %add3A_2105, %get3A_2118 : vector<16xf32>
        %add3A_2120 = arith.constant 20 : i32
        %add3A_2121 = arith.addi %mul3A_1838, %add3A_2120 : i32
        %get3A_2122 = arith.index_cast %add3A_2121 : i32 to index
        %get3A_2123 = arith.constant 16 : index
        %get3A_2124 = tpu.vector_load %arg9[%get3A_2122, %get3A_2123] {strides = array<i32>} : memref<1664x32xf32, #tpu.memory_space<vmem>>, vector<1x16xf32>,
        %get3A_2125 = vector.shape_cast %get3A_2124 : vector<1x16xf32> to vector<16xf32>
        %add3A_2126 = arith.addf %add3A_2112, %get3A_2125 : vector<16xf32>
        %add3A_2127 = arith.constant 21 : i32
        %add3A_2128 = arith.addi %mul3A_1838, %add3A_2127 : i32
        %get3A_2129 = arith.index_cast %add3A_2128 : i32 to index
        %get3A_2130 = arith.constant 0 : index
        %get3A_2131 = tpu.vector_load %arg9[%get3A_2129, %get3A_2130] {strides = array<i32>} : memref<1664x32xf32, #tpu.memory_space<vmem>>, vector<1x16xf32>,
        %get3A_2132 = vector.shape_cast %get3A_2131 : vector<1x16xf32> to vector<16xf32>
        %add3A_2133 = arith.addf %add3A_2119, %get3A_2132 : vector<16xf32>
        %add3A_2134 = arith.constant 21 : i32
        %add3A_2135 = arith.addi %mul3A_1838, %add3A_2134 : i32
        %get3A_2136 = arith.index_cast %add3A_2135 : i32 to index
        %get3A_2137 = arith.constant 16 : index
        %get3A_2138 = tpu.vector_load %arg9[%get3A_2136, %get3A_2137] {strides = array<i32>} : memref<1664x32xf32, #tpu.memory_space<vmem>>, vector<1x16xf32>,
        %get3A_2139 = vector.shape_cast %get3A_2138 : vector<1x16xf32> to vector<16xf32>
        %add3A_2140 = arith.addf %add3A_2126, %get3A_2139 : vector<16xf32>
        %add3A_2141 = arith.constant 22 : i32
        %add3A_2142 = arith.addi %mul3A_1838, %add3A_2141 : i32
        %get3A_2143 = arith.index_cast %add3A_2142 : i32 to index
        %get3A_2144 = arith.constant 0 : index
        %get3A_2145 = tpu.vector_load %arg9[%get3A_2143, %get3A_2144] {strides = array<i32>} : memref<1664x32xf32, #tpu.memory_space<vmem>>, vector<1x16xf32>,
        %get3A_2146 = vector.shape_cast %get3A_2145 : vector<1x16xf32> to vector<16xf32>
        %add3A_2147 = arith.addf %add3A_2133, %get3A_2146 : vector<16xf32>
        %add3A_2148 = arith.constant 22 : i32
        %add3A_2149 = arith.addi %mul3A_1838, %add3A_2148 : i32
        %get3A_2150 = arith.index_cast %add3A_2149 : i32 to index
        %get3A_2151 = arith.constant 16 : index
        %get3A_2152 = tpu.vector_load %arg9[%get3A_2150, %get3A_2151] {strides = array<i32>} : memref<1664x32xf32, #tpu.memory_space<vmem>>, vector<1x16xf32>,
        %get3A_2153 = vector.shape_cast %get3A_2152 : vector<1x16xf32> to vector<16xf32>
        %add3A_2154 = arith.addf %add3A_2140, %get3A_2153 : vector<16xf32>
        %add3A_2155 = arith.constant 23 : i32
        %add3A_2156 = arith.addi %mul3A_1838, %add3A_2155 : i32
        %get3A_2157 = arith.index_cast %add3A_2156 : i32 to index
        %get3A_2158 = arith.constant 0 : index
        %get3A_2159 = tpu.vector_load %arg9[%get3A_2157, %get3A_2158] {strides = array<i32>} : memref<1664x32xf32, #tpu.memory_space<vmem>>, vector<1x16xf32>,
        %get3A_2160 = vector.shape_cast %get3A_2159 : vector<1x16xf32> to vector<16xf32>
        %add3A_2161 = arith.addf %add3A_2147, %get3A_2160 : vector<16xf32>
        %add3A_2162 = arith.constant 23 : i32
        %add3A_2163 = arith.addi %mul3A_1838, %add3A_2162 : i32
        %get3A_2164 = arith.index_cast %add3A_2163 : i32 to index
        %get3A_2165 = arith.constant 16 : index
        %get3A_2166 = tpu.vector_load %arg9[%get3A_2164, %get3A_2165] {strides = array<i32>} : memref<1664x32xf32, #tpu.memory_space<vmem>>, vector<1x16xf32>,
        %get3A_2167 = vector.shape_cast %get3A_2166 : vector<1x16xf32> to vector<16xf32>
        %add3A_2168 = arith.addf %add3A_2154, %get3A_2167 : vector<16xf32>
        %add3A_2169 = arith.constant 24 : i32
        %add3A_2170 = arith.addi %mul3A_1838, %add3A_2169 : i32
        %get3A_2171 = arith.index_cast %add3A_2170 : i32 to index
        %get3A_2172 = arith.constant 0 : index
        %get3A_2173 = tpu.vector_load %arg9[%get3A_2171, %get3A_2172] {strides = array<i32>} : memref<1664x32xf32, #tpu.memory_space<vmem>>, vector<1x16xf32>,
        %get3A_2174 = vector.shape_cast %get3A_2173 : vector<1x16xf32> to vector<16xf32>
        %add3A_2175 = arith.addf %add3A_2161, %get3A_2174 : vector<16xf32>
        %add3A_2176 = arith.constant 24 : i32
        %add3A_2177 = arith.addi %mul3A_1838, %add3A_2176 : i32
        %get3A_2178 = arith.index_cast %add3A_2177 : i32 to index
        %get3A_2179 = arith.constant 16 : index
        %get3A_2180 = tpu.vector_load %arg9[%get3A_2178, %get3A_2179] {strides = array<i32>} : memref<1664x32xf32, #tpu.memory_space<vmem>>, vector<1x16xf32>,
        %get3A_2181 = vector.shape_cast %get3A_2180 : vector<1x16xf32> to vector<16xf32>
        %add3A_2182 = arith.addf %add3A_2168, %get3A_2181 : vector<16xf32>
        %add3A_2183 = arith.constant 25 : i32
        %add3A_2184 = arith.addi %mul3A_1838, %add3A_2183 : i32
        %get3A_2185 = arith.index_cast %add3A_2184 : i32 to index
        %get3A_2186 = arith.constant 0 : index
        %get3A_2187 = tpu.vector_load %arg9[%get3A_2185, %get3A_2186] {strides = array<i32>} : memref<1664x32xf32, #tpu.memory_space<vmem>>, vector<1x16xf32>,
        %get3A_2188 = vector.shape_cast %get3A_2187 : vector<1x16xf32> to vector<16xf32>
        %add3A_2189 = arith.addf %add3A_2175, %get3A_2188 : vector<16xf32>
        %add3A_2190 = arith.constant 25 : i32
        %add3A_2191 = arith.addi %mul3A_1838, %add3A_2190 : i32
        %get3A_2192 = arith.index_cast %add3A_2191 : i32 to index
        %get3A_2193 = arith.constant 16 : index
        %get3A_2194 = tpu.vector_load %arg9[%get3A_2192, %get3A_2193] {strides = array<i32>} : memref<1664x32xf32, #tpu.memory_space<vmem>>, vector<1x16xf32>,
        %get3A_2195 = vector.shape_cast %get3A_2194 : vector<1x16xf32> to vector<16xf32>
        %add3A_2196 = arith.addf %add3A_2182, %get3A_2195 : vector<16xf32>
        %swap3A_2197 = arith.index_cast %scan3A_1836 : i32 to index
        %swap3A_2198 = arith.constant 0 : index
        %swap3A_2199 = tpu.vector_load %arg10[%swap3A_2197, %swap3A_2198] {strides = array<i32>} : memref<64x32xf32, #tpu.memory_space<vmem>>, vector<1x16xf32>,
        %swap3A_2200 = vector.shape_cast %swap3A_2199 : vector<1x16xf32> to vector<16xf32>
        %swap3A_2201 = vector.shape_cast %add3A_2189 : vector<16xf32> to vector<1x16xf32>
        tpu.vector_store %arg10[%swap3A_2197, %swap3A_2198], %swap3A_2201 {strides = array<i32>} : memref<64x32xf32, #tpu.memory_space<vmem>>, vector<1x16xf32>,
        %swap3A_2202 = arith.index_cast %scan3A_1836 : i32 to index
        %swap3A_2203 = arith.constant 16 : index
        %swap3A_2204 = tpu.vector_load %arg10[%swap3A_2202, %swap3A_2203] {strides = array<i32>} : memref<64x32xf32, #tpu.memory_space<vmem>>, vector<1x16xf32>,
        %swap3A_2205 = vector.shape_cast %swap3A_2204 : vector<1x16xf32> to vector<16xf32>
        %swap3A_2206 = vector.shape_cast %add3A_2196 : vector<16xf32> to vector<1x16xf32>
        tpu.vector_store %arg10[%swap3A_2202, %swap3A_2203], %swap3A_2206 {strides = array<i32>} : memref<64x32xf32, #tpu.memory_space<vmem>>, vector<1x16xf32>,
      }
      %scan3A_1835 = arith.constant 64 : i32
      "tpu.region"() ({
        %run_scoped3A = tpu.sem_alloc : memref<!tpu.dma_semaphore, #tpu.memory_space<semaphore_mem>>
        %dma_start3A_1836 = arith.constant 0 : i32
        %dma_start3A_1837 = tpu.memref_slice %arg5[%add3A_11, %dma_start3A_1836] : memref<16384x32xf32, #tpu.memory_space<hbm>> -> memref<64x32xf32, #tpu.memory_space<hbm>>
        %dma_start3A_1838 = arith.constant 0 : i32
        %dma_start3A_1839 = tpu.memref_slice %arg5[%add3A_11, %dma_start3A_1838] : memref<16384x32xf32, #tpu.memory_space<hbm>> -> memref<64x32xf32, #tpu.memory_space<hbm>>
        tpu.enqueue_dma source(%arg10 : memref<64x32xf32, #tpu.memory_space<vmem>>) target(%dma_start3A_1839 : memref<64x32xf32, #tpu.memory_space<hbm>>) target_semaphore(%run_scoped3A : memref<!tpu.dma_semaphore, #tpu.memory_space<semaphore_mem>>)
        %dma_wait3A_1840 = arith.constant 0 : i32
        %dma_wait3A_1841 = tpu.memref_slice %arg5[%add3A_11, %dma_wait3A_1840] : memref<16384x32xf32, #tpu.memory_space<hbm>> -> memref<64x32xf32, #tpu.memory_space<hbm>>
        %dma_wait3A_1842 = arith.constant 0 : i32
        %dma_wait3A_1843 = tpu.memref_slice %arg5[%add3A_11, %dma_wait3A_1842] : memref<16384x32xf32, #tpu.memory_space<hbm>> -> memref<64x32xf32, #tpu.memory_space<hbm>>
        tpu.wait_dma2 semaphore(%run_scoped3A : memref<!tpu.dma_semaphore, #tpu.memory_space<semaphore_mem>>) src(%arg10 : memref<64x32xf32, #tpu.memory_space<vmem>>) dst(%dma_wait3A_1843 : memref<64x32xf32, #tpu.memory_space<hbm>>)
        tpu.yield
      }) : () -> ()
    }
    %scan3A_7 = arith.constant 8 : i32
    return
  }
}

</mosaic_0001>

<sc_bundles>
// kernel: kernel.3.cloned.1.call-start
scs
__scs_entry_jumppad:
0x0: {  	(pc) =	sbr.rel $0x88, $3  }
0x1: {  	(tag) =	ssettag $0x0;
	lr =	simm.s32 $0x1  }
0x2: {  	[smem:$0x3F9F] =	sst lr;
	_ =	strace $0xD0000000  }
0x3: {  	_ = 	snop  }
0x4: {  	_ = 	snop  }
0x5: {  	_ = 	snop  }
0x6: {  	_ = 	snop  }
0x7: {  	_ = 	snop  }
__scs_overlays_trampoline_lowered:
0x8: {  	[smem:$0x3FAE] =	sst s0  }
0x9: {  	[smem:$0x3FAF] =	sst s1  }
0xa: {  	[smem:$0x3FB0] =	sst s2  }
0xb: {  	[smem:$0x3FB1] =	sst s3  }
0xc: {  	[smem:$0x3FB2] =	sst s4  }
0xd: {  	[smem:$0x3FB3] =	sst s5  }
0xe: {  	[smem:$0x3FB4] =	sst s6  }
0xf: {  	[smem:$0x3FB5] =	sst s7  }
0x10: {  	[smem:$0x3FB6] =	sst s8  }
0x11: {  	[smem:$0x3FB7] =	sst s9;
	s0 =	simm.s32 @!p0 $0x0  }
0x12: {  	s1 =	sld [smem:$0x3F9D];
	s0 =	simm.s32 @p0 $0x1  }
0x13: {  	[smem:$0x3FB8] =	sst s0;
	s0 =	simm.s32 @!p1 $0x0  }
0x14: {  	s2 =	sld [smem:$0x3F9C];
	s0 =	simm.s32 @p1 $0x1  }
0x15: {  	[smem:$0x3FB9] =	sst s0;
	s0 =	simm.s32 @!p2 $0x0  }
0x16: {  	s3 =	sld [smem:$0x3FDB];
	s0 =	simm.s32 @p2 $0x1  }
0x17: {  	s4 =	simm.s32 $0x1BF5;
	[smem:$0x3FBB] =	sst s0  }
0x18: {  	s0 =	sld [smem:$0x3F9E];
	_ =	swait.ge [sflag:s4], $0x0  }
0x19: {  	s7 =	sld [smem:$0x3F9F]  }
0x1a: {  	s8 =	sadd.s32 $0xFFFFE003, lr  }
0x1b: {  	s9 =	sadd.s32 $0xFFFFFEF7, lr;
	s5 =	simm.s32 $0xFFFFFFFF;
	p2 =	slt.u32 s8, $0xFFFFF086  }
0x1c: {  	p1 =	slt.u32 s9, $0xF7A;
	s5 =	simm.s32 @!p2 $0x0  }
0x1d: {  	s5 =	simm.s32 @p1 $0x1;
	p0 =	seq.s32 s7, s2  }
0x1e: {  	s7 =	smul.u32 @!p0 $0xF7A, s2;
	p2 =	seq.s32 @!p0 s5, $0x0  }
0x1f: {  	s9 =	smul.u32 $0xF7A, s1;
	s8 =	simm.s32 @!p0 $0x1BF5;
	p2 =	por !p2, p0  }
0x20: {  	[sflag:s8] =	ssyncset.s32 @!p0 $0xFFFFF086;
	s6 =	sadd.s32 @!p0 s3, s7;
	s7 =	simm.s32 @!p0 $0x108  }
0x21: {  	s3 =	sadd.s32 s3, s9;
	s6 =	sadd.s32 @!p0 $0x88, s6;
	s7 =	simm.s32 @p2 $0x1082  }
0x22: {  	[simem:s7], [sflag:s8] =	dma.local @!p0 [hbm:s6], $0xF7A  }
0x23: {  	s9 =	sor.u32 $0xD0000000, s2;
	s6 =	simm.s32 $0x108;
	_ =	swait.ge @!p0 [sflag:s8], $0x0  }
0x24: {  	s3 =	sadd.s32 $0x88, s3;
	s6 =	simm.s32 @!p1 $0x1082;
	[sflag:s4] =	ssyncset.s32 $0xFFFFF086  }
0x25: {  	[simem:s6], [sflag:s4] =	dma.local [hbm:s3], $0xF7A  }
0x26: {  	[smem:$0x3F9F] =	sst s1;
	(tag) =	ssettag s2;
	_ =	strace s9  }
0x27: {  	s1 =	sld [smem:$0x3FAF]  }
0x28: {  	s2 =	sld [smem:$0x3FB0]  }
0x29: {  	s4 =	sld [smem:$0x3FB2]  }
0x2a: {  	p0 =	seq.s32 s5, $0x0;
	s5 =	sld [smem:$0x3FB3]  }
0x2b: {  	s6 =	sld [smem:$0x3FB4]  }
0x2c: {  	s7 =	sld [smem:$0x3FB5]  }
0x2d: {  	s3 =	simm.s32 $0x108;
	s8 =	sld [smem:$0x3FB6]  }
0x2e: {  	s3 =	simm.s32 @!p0 $0x1082;
	s9 =	sld [smem:$0x3FB7]  }
0x2f: {  	lr =	sadd.s32 s0, s3;
	s0 =	sld [smem:$0x3FAE]  }
0x30: {  	s3 =	sld [smem:$0x3FB1]  }
0x31: {  	[smem:$0x3FBA] =	sst s10  }
0x32: {  	s10 =	sld [smem:$0x3FB8];
	_ =	sdelay $0x3  }
0x33: {  	p0 =	seq.s32 s10, $0x1;
	s10 =	sld [smem:$0x3FBA];
	_ =	sdelay $0x3  }
0x34: {  	[smem:$0x3FBA] =	sst s10  }
0x35: {  	s10 =	sld [smem:$0x3FB9];
	_ =	sdelay $0x3  }
0x36: {  	p1 =	seq.s32 s10, $0x1;
	s10 =	sld [smem:$0x3FBA];
	_ =	sdelay $0x3  }
0x37: {  	[smem:$0x3FBA] =	sst s10  }
0x38: {  	s10 =	sld [smem:$0x3FBB]  }
0x39: {  	_ = 	snop;
	(pc) =	sbr.ind lr, $3  }
0x3a: {  	_ = 	snop  }
0x3b: {  	_ = 	snop  }
0x3c: {  	p2 =	seq.s32 s10, $0x1;
	s10 =	sld [smem:$0x3FBA]  }
0x3d: {  	_ =	shalt  }
0x3e: {  	_ =	shalt  }
0x3f: {  	_ =	shalt  }
0x40: {  	_ =	shalt  }
0x41: {  	_ =	shalt  }
0x42: {  	_ =	shalt  }
0x43: {  	_ =	shalt  }
0x44: {  	_ =	shalt  }
0x45: {  	_ =	shalt  }
0x46: {  	_ =	shalt  }
0x47: {  	_ =	shalt  }
0x48: {  	_ =	shalt  }
0x49: {  	_ =	shalt  }
0x4a: {  	_ =	shalt  }
0x4b: {  	_ =	shalt  }
0x4c: {  	_ =	shalt  }
0x4d: {  	_ =	shalt  }
0x4e: {  	_ =	shalt  }
0x4f: {  	_ =	shalt  }
0x50: {  	_ =	shalt  }
0x51: {  	_ =	shalt  }
0x52: {  	_ =	shalt  }
0x53: {  	_ =	shalt  }
0x54: {  	_ =	shalt  }
0x55: {  	_ =	shalt  }
0x56: {  	_ =	shalt  }
0x57: {  	_ =	shalt  }
0x58: {  	_ =	shalt  }
0x59: {  	_ =	shalt  }
0x5a: {  	_ =	shalt  }
0x5b: {  	_ =	shalt  }
0x5c: {  	_ =	shalt  }
0x5d: {  	_ =	shalt  }
0x5e: {  	_ =	shalt  }
0x5f: {  	_ =	shalt  }
0x60: {  	_ =	shalt  }
0x61: {  	_ =	shalt  }
0x62: {  	_ =	shalt  }
0x63: {  	_ =	shalt  }
0x64: {  	_ =	shalt  }
0x65: {  	_ =	shalt  }
0x66: {  	_ =	shalt  }
0x67: {  	_ =	shalt  }
0x68: {  	_ =	shalt  }
0x69: {  	_ =	shalt  }
0x6a: {  	_ =	shalt  }
0x6b: {  	_ =	shalt  }
0x6c: {  	_ =	shalt  }
0x6d: {  	_ =	shalt  }
0x6e: {  	_ =	shalt  }
0x6f: {  	_ =	shalt  }
0x70: {  	_ =	shalt  }
0x71: {  	_ =	shalt  }
0x72: {  	_ =	shalt  }
0x73: {  	_ =	shalt  }
0x74: {  	_ =	shalt  }
0x75: {  	_ =	shalt  }
0x76: {  	_ =	shalt  }
0x77: {  	_ =	shalt  }
0x78: {  	_ =	shalt  }
0x79: {  	_ =	shalt  }
0x7a: {  	_ =	shalt  }
0x7b: {  	_ =	shalt  }
0x7c: {  	_ =	shalt  }
0x7d: {  	_ =	shalt  }
0x7e: {  	_ =	shalt  }
0x7f: {  	_ =	shalt  }
0x80: {  	_ =	shalt  }
0x81: {  	_ =	shalt  }
0x82: {  	_ =	shalt  }
0x83: {  	_ =	shalt  }
0x84: {  	_ =	shalt  }
0x85: {  	_ =	shalt  }
0x86: {  	_ =	shalt  }
0x87: {  	_ =	shalt  }
.Lfunc_end0:
.L_simem_size_0:
called_computation_lowered:
.L_overlay_start_0:
0x88: {  	s2 =	sld [smem:$0x3FD9]  }
0x89: {  	s3 =	sld [smem:$0x3FFE];
	_ =	sdelay $0x1  }
0x8a: {  	s1 =	srdreg.scid  }
0x8b: {  	s0 =	sand.u32 $0x1, s1  }
0x8c: {  	s17 =	sshll.u32 s0, $0xA;
	s2 =	sadd.s32 s3, s2  }
0x8d: {  	s2 =	sadd.s32 s2, s17  }
0x8e: {  	[smem:$0x3FC6] =	sst s2  }
0x8f: {  	_ = 	snop  }
0x90: {  	s2 =	sld [smem:$0x3FD0];
	(tm) =	ssettm $0x1  }
0x91: {  	s18 =	sld [smem:$0x3FFB];
	_ =	sdelay $0x3  }
0x92: {  	_ =	strace s18  }
0x93: {  	s3 =	sld [smem:$0x3FFC];
	_ =	sdelay $0x3  }
0x94: {  	_ =	strace s3  }
0x95: {  	s3 =	sld [smem:$0x3FFD];
	_ =	sdelay $0x3  }
0x96: {  	_ =	strace s3  }
0x97: {  	_ =	strace $0x8FFFFFFF  }
0x98: {  	s19 =	sld [smem:$0x3FDB];
	_ =	sdelay $0x1  }
0x99: {  	s4 =	simm.s32 $_scs_section_size  }
0x9a: {  	s5 =	simm.s32 $_size__tile_overlayer_lowered;
	s6 =	simm.s32 $_tile_overlayer_lowered  }
0x9b: {  	s22 =	simm.s32 $0x1BFF;
	s21 =	sshll.u32 s6, $0x1;
	s3 =	sadd.s32 s4, s19  }
0x9c: {  	s7 =	simm.s32 $0x0;
	s20 =	sshll.u32 s5, $0x1;
	s5 =	sadd.s32 s21, s3  }
0x9d: {  	[timem:s7], [sflag:s22] =	dma.local [hbm:s5], s20  }
0x9e: {  	_ =	swait.ge [sflag:s22], s20  }
0x9f: {  	s4 =	ssub.s32 $0x0, s20;
	[sflag:s22] =	ssyncset.done $0x0  }
0xa0: {  	[sflag:s22] =	ssyncadd.s32 s4;
	_ =	sdelay $0x1  }
0xa1: {  	s23 =	simm.s32 $0x1B8B  }
0xa2: {  	_ =	swait.ge [sflag:s23], $0x1  }
0xa3: {  	[sflag:s23] =	ssyncset.done $0x0  }
0xa4: {  	s25 =	simm.s32 $0x1B8E;
	s24 =	sld [smem:$0x3FFE];
	[sflag:s23] =	ssyncadd.s32 $0xFFFFFFFF  }
0xa5: {  	s26 =	simm.s32 $execute0_lowered;
	[smem:$0x3FD2] =	sst s25  }
0xa6: {  	s5 =	sshll.u32 s26, $0x1;
	_ =	strace $0x80000046;
	[dreg:$0x1] =	wrdreg $0xFFFFFFFF  }
0xa7: {  	s28 =	simm.s32 $_size_execute0_lowered;
	s3 =	sadd.s32 s3, s5;
	[dreg:$0x0] =	wrdreg $0x0  }
0xa8: {  	s5 =	sshll.u32 s28, $0x1;
	[dreg:$0x2] =	wrdreg s3  }
0xa9: {  	[dreg:$0x3] =	wrdreg s5  }
0xaa: {  	[dreg:$0x4] =	wrdreg $0xC0  }
0xab: {  	_ =	task [dreg:s7], $0x5FFFF  }
0xac: {  	[dreg:$0x1] =	wrdreg $0xFFFFFFFF  }
0xad: {  	[dreg:$0x0] =	wrdreg $0x60  }
0xae: {  	[dreg:$0x2] =	wrdreg s24  }
0xaf: {  	[dreg:$0x3] =	wrdreg s2  }
0xb0: {  	[dreg:$0x4] =	wrdreg $0x9  }
0xb1: {  	_ =	task.clear_ibuf [dreg:s7], $0x5FFFF;
	_ =	strace $0x90000046  }
0xb2: {  	s29 =	simm.s32 $0x9;
	_ =	strace $0x80000048  }
0xb3: {  	_ =	swait.ge [sflag:s29], $0x1  }
0xb4: {  	[sflag:s29] =	ssyncadd.s32 $0xFFFFFFFF  }
0xb5: {  	_ =	strace $0x90000048  }
0xb6: {  	_ =	sfence  }
0xb7: {  	s30 =	sld [smem:$0x0];
	_ =	sdelay $0x2  }
0xb8: {  	s31 =	sshll.u32 s1, $0xD;
	s1 =	sshrl.u32 s1, $0x2  }
0xb9: {  	s3 =	sand.u32 $0x4000, s31;
	s1 =	sadd.s32 s1, s30  }
0xba: {  	s0 =	sor.u32 s3, s0;
	s1 =	sshll.u32 s1, $0x11  }
0xbb: {  	s0 =	sor.u32 s1, s0  }
0xbc: {  	s0 =	sadd.s32 $0x8F2B, s0  }
0xbd: {  	[sflag:s0] =	ssyncadd.remote.s32 $0x1  }
0xbe: {  	_ =	sfence.sel $0xFFFF  }
0xbf: {  	[dreg:$0x0] =	wrdreg $0xFFFFFFFF;
	(pc) =	sbr.abs _section_cstart, $3  }
0xc0: {  	[dreg:$0x1] =	wrdreg $0xFFFFFFFF  }
0xc1: {  	_ =	task.clear_ibuf [dreg:s7], $0x2FFFF;
	_ =	strace $0x9FFFFFFF  }
0xc2: {  	(tm) =	ssettm $0x7FFFFFFF  }
0xc3: {  	_ =	shalt  }
tec
execute0_lowered:
.L_overlay_start_1:
0x0: {  	(tag) =	ssettag $0x1  }
0x1: {  	s0 =	rddreg [dreg:$0x0];
	s2 =	simm.s32 $0x0;
	s1 =	srdreg.scid  }
0x2: {  	s6 =	stileid.u32;
	s10 =	simm.s32 $0x2;
	s11 =	simm.s32 $0x80  }
0x3: {  	s20 =	simm.s32 $0xF00;
	s21 =	simm.s32 $0x5380;
	s22 =	simm.s32 $0xF80  }
0x4: {  	s23 =	simm.s32 $0x6380;
	s24 =	simm.s32 $0x1000;
	s28 =	simm.s32 $0x8380  }
0x5: {  	s29 =	simm.s32 $0x1100;
	s30 =	simm.s32 $0x9380;
	s31 =	simm.s32 $0x1180  }
0x6: {  	s9 =	simm.s32 $0xB380;
	s8 =	simm.s32 $0xC380;
	s12 =	simm.s32 $0xD380  }
0x7: {  	s13 =	simm.s32 $0x1;
	s14 =	simm.s32 $0xE380;
	s16 =	simm.s32 $0x0  }
0x8: {  	[smem:$0x7FF] =	sst s2;
	s4 =	sadd.s32 $0x800, s0;
	s1 =	sand.u32 $0x1, s1  }
0x9: {  	s3 =	sadd.s32 $0xD800, s0;
	s7 =	sshll.u32 s6, $0xA;
	s6 =	sadd.s32 $0x27ACC00, s0  }
0xa: {  	_ =	strace $0x80000047;
	[dreg:$0x3] =	wrdreg s3;
	s25 =	ssub.s32 $0x2, s1  }
0xb: {  	s1 =	sshll.u32 s1, $0x9;
	s3 =	simm.s32 $0x1200;
	s5 =	sshrl.u32 s25, $0x1  }
0xc: {  	s7 =	sor.u32 s1, s7;
	s1 =	simm.s32 $0x1300;
	s26 =	ssub.s32 s25, s5  }
0xd: {  	s25 =	simm.s32 $0x7380;
	s5 =	simm.s32 $0x1280;
	s0 =	smax.u32 s26, $0x1  }
0xe: {  	s26 =	simm.s32 $0x1080;
	[dreg:$0x4] =	wrdreg s0;
	s0 =	simm.s32 $0xA380  }
.LBB2_1:
0xf: {  	[dreg:$0x5] =	wrdreg s16  }
0x10: {  	s15 =	rddreg [dreg:$0x3];
	s19 =	simm.s32 $0x680  }
0x11: {  	[tilespmem:s19], [sflag:$0x2] =	stream.linear.gather [hbm4b:s15+s2], $0x680, $0x38;
	[tilespmem:$0xEB80] =	vst v63  }
0x12: {  	_ =	swait.ge [sflag:s10], $0x680  }
0x13: {  	[sflag:s10] =	ssyncset.done $0x0  }
0x14: {  	s15 =	simm.s32 $0x0;
	[sflag:s10] =	ssyncadd.s32 $0xFFFFF980  }
.LBB2_2:
0x15: {  	s16 =	sshll.u32 s15, $0x6  }
0x16: {  	s16 =	sadd.s32 s7, s16  }
0x17: {  	s17 =	smul.u32 $0x1A, s16;
	_ =	sdelay $0x1  }
0x18: {  	s17 =	sshrl.u32 s17, $0x3  }
0x19: {  	s18 =	simm.s32 $0x0;
	s17 =	sadd.s32 s4, s17  }
0x1a: {  	[tilespmem:s18], [sflag:$0x2] =	stream.linear.gather [hbm4b:s17+s18], $0x680, $0x38;
	[tilespmem:$0xEB80] =	vst v63  }
0x1b: {  	_ =	swait.ge [sflag:s10], $0x680  }
0x1c: {  	[sflag:s10] =	ssyncset.done $0x0  }
0x1d: {  	[sflag:s10] =	ssyncadd.s32 $0xFFFFF980  }
0x1e: {  	v10 =	vld [tilespmem:$0x0]  }
0x1f: {  	v11 =	vld [tilespmem:$0x680]  }
0x20: {  	v18 =	vld [tilespmem:$0x10]  }
0x21: {  	v19 =	vld [tilespmem:$0x690]  }
0x22: {  	v28 =	vld [tilespmem:$0x20]  }
0x23: {  	v29 =	vld [tilespmem:$0x6A0]  }
0x24: {  	v36 =	vld [tilespmem:$0x30]  }
0x25: {  	v59 =	vld [tilespmem:$0x1F0];
	_ =	sdelay $0x1  }
0x26: {  	v1 =	vld [tilespmem:$0x70]  }
0x27: {  	v0 =	vld [tilespmem:$0x6F0]  }
0x28: {  	v3 =	vld [tilespmem:$0x80]  }
0x29: {  	[tilespmem:$0x1FCD0] =	vst v59;
	v59 =	vld [tilespmem:$0x200]  }
0x2a: {  	v2 =	vld [tilespmem:$0x700]  }
0x2b: {  	v5 =	vld [tilespmem:$0x90]  }
0x2c: {  	v4 =	vld [tilespmem:$0x710]  }
0x2d: {  	v7 =	vld [tilespmem:$0xA0]  }
0x2e: {  	[tilespmem:$0x1FCE0] =	vst v59;
	v59 =	vld [tilespmem:$0x880]  }
0x2f: {  	v6 =	vld [tilespmem:$0x720]  }
0x30: {  	v9 =	vld [tilespmem:$0xB0]  }
0x31: {  	v8 =	vld [tilespmem:$0x730]  }
0x32: {  	v13 =	vld [tilespmem:$0xC0]  }
0x33: {  	[tilespmem:$0x1FCF0] =	vst v59;
	v59 =	vld [tilespmem:$0x210]  }
0x34: {  	v12 =	vld [tilespmem:$0x740]  }
0x35: {  	v15 =	vld [tilespmem:$0xD0]  }
0x36: {  	v14 =	vld [tilespmem:$0x750]  }
0x37: {  	v17 =	vld [tilespmem:$0xE0]  }
0x38: {  	[tilespmem:$0x1FD00] =	vst v59;
	v59 =	vld [tilespmem:$0x890]  }
0x39: {  	v16 =	vld [tilespmem:$0x760]  }
0x3a: {  	v21 =	vld [tilespmem:$0xF0]  }
0x3b: {  	v20 =	vld [tilespmem:$0x770]  }
0x3c: {  	v23 =	vld [tilespmem:$0x100]  }
0x3d: {  	[tilespmem:$0x1FD10] =	vst v59;
	v59 =	vld [tilespmem:$0x220]  }
0x3e: {  	v22 =	vld [tilespmem:$0x780]  }
0x3f: {  	v25 =	vld [tilespmem:$0x110]  }
0x40: {  	v24 =	vld [tilespmem:$0x790]  }
0x41: {  	v27 =	vld [tilespmem:$0x120]  }
0x42: {  	[tilespmem:$0x1FD20] =	vst v59;
	v59 =	vld [tilespmem:$0x8A0]  }
0x43: {  	v26 =	vld [tilespmem:$0x7A0]  }
0x44: {  	v31 =	vld [tilespmem:$0x130]  }
0x45: {  	v30 =	vld [tilespmem:$0x7B0]  }
0x46: {  	v34 =	vld [tilespmem:$0x140]  }
0x47: {  	[tilespmem:$0x1FD30] =	vst v59;
	v59 =	vld [tilespmem:$0x230]  }
0x48: {  	v32 =	vld [tilespmem:$0x7C0]  }
0x49: {  	v35 =	vld [tilespmem:$0x150];
	v0 =	vadd.s32 v1, v0  }
0x4a: {  	v33 =	vld [tilespmem:$0x7D0];
	[tilespmem:$0xD70] =	vst v0;
	v0 =	vadd.s32 v3, v2  }
0x4b: {  	v40 =	vld [tilespmem:$0x160];
	[tilespmem:$0xD80] =	vst v0  }
0x4c: {  	v0 =	vadd.s32 v5, v4;
	[tilespmem:$0x1FD40] =	vst v59;
	v59 =	vld [tilespmem:$0x8B0]  }
0x4d: {  	v38 =	vld [tilespmem:$0x7E0];
	[tilespmem:$0xD90] =	vst v0;
	v0 =	vadd.s32 v7, v6  }
0x4e: {  	v42 =	vld [tilespmem:$0x170];
	[tilespmem:$0xDA0] =	vst v0;
	v0 =	vadd.s32 v9, v8  }
0x4f: {  	v39 =	vld [tilespmem:$0x7F0];
	[tilespmem:$0xDB0] =	vst v0;
	v0 =	vadd.s32 v13, v12  }
0x50: {  	v46 =	vld [tilespmem:$0x180];
	[tilespmem:$0xDC0] =	vst v0  }
0x51: {  	v0 =	vadd.s32 v15, v14;
	[tilespmem:$0x1FD50] =	vst v59;
	v59 =	vld [tilespmem:$0x240]  }
0x52: {  	v41 =	vld [tilespmem:$0x800];
	[tilespmem:$0xDD0] =	vst v0;
	v0 =	vadd.s32 v17, v16  }
0x53: {  	v48 =	vld [tilespmem:$0x190];
	[tilespmem:$0xDE0] =	vst v0;
	v0 =	vadd.s32 v21, v20  }
0x54: {  	v43 =	vld [tilespmem:$0x810];
	[tilespmem:$0xDF0] =	vst v0;
	v0 =	vadd.s32 v23, v22  }
0x55: {  	v50 =	vld [tilespmem:$0x1A0];
	[tilespmem:$0xE00] =	vst v0  }
0x56: {  	v0 =	vadd.s32 v25, v24;
	[tilespmem:$0x1FD60] =	vst v59;
	v59 =	vld [tilespmem:$0x8C0]  }
0x57: {  	v47 =	vld [tilespmem:$0x820];
	[tilespmem:$0xE10] =	vst v0;
	v0 =	vadd.s32 v27, v26  }
0x58: {  	v54 =	vld [tilespmem:$0x1B0];
	[tilespmem:$0xE20] =	vst v0;
	v0 =	vadd.s32 v31, v30  }
0x59: {  	v49 =	vld [tilespmem:$0x830];
	[tilespmem:$0xE30] =	vst v0;
	v0 =	vadd.s32 v34, v32  }
0x5a: {  	v56 =	vld [tilespmem:$0x1C0];
	[tilespmem:$0xE40] =	vst v0  }
0x5b: {  	v0 =	vadd.s32 v35, v33;
	[tilespmem:$0x1FD70] =	vst v59;
	v59 =	vld [tilespmem:$0x250]  }
0x5c: {  	v51 =	vld [tilespmem:$0x840];
	[tilespmem:$0xE50] =	vst v0;
	v0 =	vadd.s32 v40, v38  }
0x5d: {  	v58 =	vld [tilespmem:$0x1D0];
	[tilespmem:$0xE60] =	vst v0;
	v0 =	vadd.s32 v42, v39  }
0x5e: {  	v55 =	vld [tilespmem:$0x850];
	[tilespmem:$0xE70] =	vst v0;
	v0 =	vadd.s32 v46, v41  }
0x5f: {  	v62 =	vld [tilespmem:$0x1E0];
	[tilespmem:$0xE80] =	vst v0  }
0x60: {  	v0 =	vadd.s32 v48, v43;
	[tilespmem:$0x1FD80] =	vst v59;
	v59 =	vld [tilespmem:$0x8D0]  }
0x61: {  	v57 =	vld [tilespmem:$0x860];
	[tilespmem:$0xE90] =	vst v0;
	v0 =	vadd.s32 v50, v47  }
0x62: {  	[tilespmem:$0xEA0] =	vst v0;
	v0 =	vadd.s32 v54, v49  }
0x63: {  	[tilespmem:$0xEB0] =	vst v0;
	v0 =	vadd.s32 v56, v51  }
0x64: {  	[tilespmem:$0xEC0] =	vst v0  }
0x65: {  	v0 =	vadd.s32 v58, v55;
	[tilespmem:$0x1FD90] =	vst v59;
	v59 =	vld [tilespmem:$0x260]  }
0x66: {  	v63 =	vld [tilespmem:$0x870];
	[tilespmem:$0xED0] =	vst v0;
	v0 =	vadd.s32 v62, v57  }
0x67: {  	[tilespmem:$0xEE0] =	vst v0;
	v0 =	vld [tilespmem:$0x1FCD0];
	_ =	sdelay $0x2  }
0x68: {  	[tilespmem:$0x1FDA0] =	vst v59;
	v59 =	vld [tilespmem:$0x8E0];
	_ =	sdelay $0x1  }
0x69: {  	v30 =	vld [tilespmem:$0x1FCF0];
	v0 =	vadd.s32 v0, v63  }
0x6a: {  	[tilespmem:$0xEF0] =	vst v0;
	v0 =	vld [tilespmem:$0x1FCE0];
	_ =	sdelay $0x1  }
0x6b: {  	[tilespmem:$0x1FDB0] =	vst v59;
	v59 =	vld [tilespmem:$0x270];
	_ =	sdelay $0x2  }
0x6c: {  	v31 =	vld [tilespmem:$0x1FD10];
	v0 =	vadd.s32 v0, v30  }
0x6d: {  	[tilespmem:$0xF00] =	vst v0;
	v0 =	vld [tilespmem:$0x1FD00]  }
0x6e: {  	[tilespmem:$0x1FDC0] =	vst v59;
	v59 =	vld [tilespmem:$0x8F0];
	_ =	sdelay $0x3  }
0x6f: {  	v32 =	vld [tilespmem:$0x1FD30]  }
0x70: {  	v0 =	vadd.s32 v0, v31;
	[tilespmem:$0x1FDD0] =	vst v59;
	v59 =	vld [tilespmem:$0x280]  }
0x71: {  	[tilespmem:$0xF10] =	vst v0;
	v0 =	vld [tilespmem:$0x1FD20];
	_ =	sdelay $0x3  }
0x72: {  	[tilespmem:$0x1FDE0] =	vst v59;
	v59 =	vld [tilespmem:$0x900]  }
0x73: {  	v33 =	vld [tilespmem:$0x1FD50];
	v0 =	vadd.s32 v0, v32  }
0x74: {  	[tilespmem:$0xF20] =	vst v0;
	v0 =	vld [tilespmem:$0x1FD40];
	_ =	sdelay $0x2  }
0x75: {  	[tilespmem:$0x1FDF0] =	vst v59;
	v59 =	vld [tilespmem:$0x290];
	_ =	sdelay $0x1  }
0x76: {  	v34 =	vld [tilespmem:$0x1FD70];
	v0 =	vadd.s32 v0, v33  }
0x77: {  	[tilespmem:$0xF30] =	vst v0;
	v0 =	vld [tilespmem:$0x1FD60];
	_ =	sdelay $0x1  }
0x78: {  	[tilespmem:$0x1FE00] =	vst v59;
	v59 =	vld [tilespmem:$0x910];
	_ =	sdelay $0x2  }
0x79: {  	v0 =	vadd.s32 v0, v34  }
0x7a: {  	[tilespmem:$0xF40] =	vst v0;
	v0 =	vld [tilespmem:$0x1FD80]  }
0x7b: {  	[tilespmem:$0x1FE10] =	vst v59;
	v59 =	vld [tilespmem:$0x2A0]  }
0x7c: {  	v35 =	vld [tilespmem:$0x1FD90];
	_ =	sdelay $0x3  }
0x7d: {  	[tilespmem:$0x1FE20] =	vst v59;
	v59 =	vld [tilespmem:$0x920]  }
0x7e: {  	v0 =	vadd.s32 v0, v35  }
0x7f: {  	[tilespmem:$0xF50] =	vst v0;
	v0 =	vld [tilespmem:$0x1FDA0]  }
0x80: {  	v38 =	vld [tilespmem:$0x1FDB0];
	_ =	sdelay $0x1  }
0x81: {  	[tilespmem:$0x1FE30] =	vst v59;
	v59 =	vld [tilespmem:$0x2B0];
	_ =	sdelay $0x2  }
0x82: {  	v0 =	vadd.s32 v0, v38  }
0x83: {  	[tilespmem:$0xF60] =	vst v0;
	v0 =	vld [tilespmem:$0x1FDC0]  }
0x84: {  	[tilespmem:$0x1FE40] =	vst v59;
	v59 =	vld [tilespmem:$0x930]  }
0x85: {  	v39 =	vld [tilespmem:$0x1FDD0];
	_ =	sdelay $0x3  }
0x86: {  	[tilespmem:$0x1FE50] =	vst v59;
	v59 =	vld [tilespmem:$0x2C0]  }
0x87: {  	v0 =	vadd.s32 v0, v39  }
0x88: {  	[tilespmem:$0xF70] =	vst v0;
	v0 =	vld [tilespmem:$0x1FDE0]  }
0x89: {  	v40 =	vld [tilespmem:$0x1FDF0];
	_ =	sdelay $0x1  }
0x8a: {  	[tilespmem:$0x1FE60] =	vst v59;
	v59 =	vld [tilespmem:$0x940];
	_ =	sdelay $0x2  }
0x8b: {  	v0 =	vadd.s32 v0, v40  }
0x8c: {  	[tilespmem:$0xF80] =	vst v0;
	v0 =	vld [tilespmem:$0x1FE00]  }
0x8d: {  	[tilespmem:$0x1FE70] =	vst v59;
	v59 =	vld [tilespmem:$0x2D0]  }
0x8e: {  	v41 =	vld [tilespmem:$0x1FE10];
	_ =	sdelay $0x3  }
0x8f: {  	[tilespmem:$0x1FE80] =	vst v59;
	v59 =	vld [tilespmem:$0x950]  }
0x90: {  	v0 =	vadd.s32 v0, v41  }
0x91: {  	[tilespmem:$0xF90] =	vst v0;
	v0 =	vld [tilespmem:$0x1FE20]  }
0x92: {  	v42 =	vld [tilespmem:$0x1FE30];
	_ =	sdelay $0x1  }
0x93: {  	[tilespmem:$0x1FE90] =	vst v59;
	v59 =	vld [tilespmem:$0x2E0];
	_ =	sdelay $0x1  }
0x94: {  	v37 =	vld [tilespmem:$0x6B0]  }
0x95: {  	v44 =	vld [tilespmem:$0x40];
	v0 =	vadd.s32 v0, v42  }
0x96: {  	[tilespmem:$0xFA0] =	vst v0;
	v0 =	vld [tilespmem:$0x1FE40]  }
0x97: {  	[tilespmem:$0x1FEA0] =	vst v59;
	v59 =	vld [tilespmem:$0x960]  }
0x98: {  	v43 =	vld [tilespmem:$0x1FE50]  }
0x99: {  	v45 =	vld [tilespmem:$0x6C0]  }
0x9a: {  	v52 =	vld [tilespmem:$0x50]  }
0x9b: {  	v53 =	vld [tilespmem:$0x6D0]  }
0x9c: {  	[tilespmem:$0x1FEB0] =	vst v59;
	v59 =	vld [tilespmem:$0x2F0]  }
0x9d: {  	v60 =	vld [tilespmem:$0x60];
	v0 =	vadd.s32 v0, v43  }
0x9e: {  	[tilespmem:$0xFB0] =	vst v0;
	v0 =	vld [tilespmem:$0x1FE60]  }
0x9f: {  	v46 =	vld [tilespmem:$0x1FE70]  }
0xa0: {  	v61 =	vld [tilespmem:$0x6E0]  }
0xa1: {  	[tilespmem:$0x1FEC0] =	vst v59;
	v59 =	vld [tilespmem:$0x970]  }
0xa2: {  	v18 =	vadd.s32 v18, v19;
	v19 =	vld [tilespmem:$0x370]  }
0xa3: {  	v28 =	vadd.s32 v28, v29;
	v29 =	vld [tilespmem:$0x9F0]  }
0xa4: {  	v36 =	vadd.s32 v36, v37;
	v37 =	vld [tilespmem:$0x380];
	v0 =	vadd.s32 v0, v46  }
0xa5: {  	[tilespmem:$0xFC0] =	vst v0;
	v0 =	vld [tilespmem:$0x1FE80]  }
0xa6: {  	[tilespmem:$0x1FED0] =	vst v59;
	v59 =	vld [tilespmem:$0x300]  }
0xa7: {  	v47 =	vld [tilespmem:$0x1FE90]  }
0xa8: {  	v44 =	vadd.s32 v44, v45;
	v45 =	vld [tilespmem:$0xA00]  }
0xa9: {  	v53 =	vadd.s32 v52, v53;
	v52 =	vld [tilespmem:$0xA40]  }
0xaa: {  	v10 =	vadd.s32 v10, v11;
	v11 =	vld [tilespmem:$0x400]  }
0xab: {  	[tilespmem:$0x1FEE0] =	vst v59;
	v59 =	vld [tilespmem:$0x980]  }
0xac: {  	v1 =	vld [tilespmem:$0xA90];
	v0 =	vadd.s32 v0, v47  }
0xad: {  	[tilespmem:$0xFD0] =	vst v0;
	v0 =	vld [tilespmem:$0x1FEA0]  }
0xae: {  	v48 =	vld [tilespmem:$0x1FEB0]  }
0xaf: {  	[tilespmem:$0xD10] =	vst v18;
	v18 =	vld [tilespmem:$0x390]  }
0xb0: {  	[tilespmem:$0x1FEF0] =	vst v59;
	v59 =	vld [tilespmem:$0x310]  }
0xb1: {  	[tilespmem:$0xD20] =	vst v28;
	v28 =	vld [tilespmem:$0xA10]  }
0xb2: {  	[tilespmem:$0xD30] =	vst v36;
	v36 =	vld [tilespmem:$0xA20]  }
0xb3: {  	[tilespmem:$0xD40] =	vst v44;
	v44 =	vld [tilespmem:$0xA30];
	v0 =	vadd.s32 v0, v48  }
0xb4: {  	[tilespmem:$0xFE0] =	vst v0;
	v0 =	vld [tilespmem:$0x1FEC0]  }
0xb5: {  	[tilespmem:$0x1FF00] =	vst v59;
	v59 =	vld [tilespmem:$0x990]  }
0xb6: {  	v49 =	vld [tilespmem:$0x1FED0]  }
0xb7: {  	[tilespmem:$0xD50] =	vst v53;
	v53 =	vld [tilespmem:$0x3D0]  }
0xb8: {  	[tilespmem:$0xD00] =	vst v10;
	v10 =	vld [tilespmem:$0xA70]  }
0xb9: {  	v2 =	vld [tilespmem:$0xA80]  }
0xba: {  	[tilespmem:$0x1FF10] =	vst v59;
	v59 =	vld [tilespmem:$0x320]  }
0xbb: {  	v3 =	vld [tilespmem:$0x410];
	v0 =	vadd.s32 v0, v49  }
0xbc: {  	[tilespmem:$0xFF0] =	vst v0;
	v0 =	vld [tilespmem:$0x1FEE0]  }
0xbd: {  	v50 =	vld [tilespmem:$0x1FEF0]  }
0xbe: {  	v4 =	vld [tilespmem:$0x420]  }
0xbf: {  	[tilespmem:$0x1FF20] =	vst v59;
	v59 =	vld [tilespmem:$0x9A0]  }
0xc0: {  	v5 =	vld [tilespmem:$0xAA0]  }
0xc1: {  	v6 =	vld [tilespmem:$0x430]  }
0xc2: {  	v7 =	vld [tilespmem:$0xAB0];
	v0 =	vadd.s32 v0, v50  }
0xc3: {  	[tilespmem:$0x1000] =	vst v0;
	v0 =	vld [tilespmem:$0x1FF00]  }
0xc4: {  	[tilespmem:$0x1FF30] =	vst v59;
	v59 =	vld [tilespmem:$0x330]  }
0xc5: {  	v51 =	vld [tilespmem:$0x1FF10]  }
0xc6: {  	v8 =	vld [tilespmem:$0x440]  }
0xc7: {  	v9 =	vld [tilespmem:$0xAC0]  }
0xc8: {  	[tilespmem:$0x1FFC0] =	vst v29;
	v29 =	vld [tilespmem:$0x3A0]  }
0xc9: {  	[tilespmem:$0x1FF40] =	vst v59;
	v59 =	vld [tilespmem:$0x9B0]  }
0xca: {  	[tilespmem:$0x1FFD0] =	vst v37;
	v37 =	vld [tilespmem:$0x3B0];
	v0 =	vadd.s32 v0, v51  }
0xcb: {  	[tilespmem:$0x1010] =	vst v0;
	v0 =	vld [tilespmem:$0x1FF20]  }
0xcc: {  	v54 =	vld [tilespmem:$0x1FF30]  }
0xcd: {  	[tilespmem:$0x1FFE0] =	vst v45;
	v45 =	vld [tilespmem:$0x3C0]  }
0xce: {  	[tilespmem:$0x1FF50] =	vst v59;
	v59 =	vld [tilespmem:$0x340]  }
0xcf: {  	[tilespmem:$0x1FFB0] =	vst v19;
	v19 =	vadd.s32 v60, v61;
	v60 =	vld [tilespmem:$0xA50]  }
0xd0: {  	v61 =	vld [tilespmem:$0x3E0]  }
0xd1: {  	v12 =	vld [tilespmem:$0x450];
	v0 =	vadd.s32 v0, v54  }
0xd2: {  	[tilespmem:$0x1020] =	vst v0;
	v0 =	vld [tilespmem:$0x1FF40]  }
0xd3: {  	[tilespmem:$0x1FF60] =	vst v59;
	v59 =	vld [tilespmem:$0x9C0]  }
0xd4: {  	v55 =	vld [tilespmem:$0x1FF50]  }
0xd5: {  	v13 =	vld [tilespmem:$0xAD0]  }
0xd6: {  	[tilespmem:$0x1FFF0] =	vst v18;
	v18 =	vld [tilespmem:$0xA60]  }
0xd7: {  	[tilespmem:$0xD60] =	vst v19;
	v19 =	vld [tilespmem:$0x3F0]  }
0xd8: {  	[tilespmem:$0x1FF70] =	vst v59;
	v59 =	vld [tilespmem:$0x350]  }
0xd9: {  	v14 =	vld [tilespmem:$0x460];
	v0 =	vadd.s32 v0, v55  }
0xda: {  	[tilespmem:$0x1030] =	vst v0;
	v0 =	vld [tilespmem:$0x1FF60]  }
0xdb: {  	v56 =	vld [tilespmem:$0x1FF70]  }
0xdc: {  	v15 =	vld [tilespmem:$0xAE0]  }
0xdd: {  	[tilespmem:$0x1FF80] =	vst v59;
	v59 =	vld [tilespmem:$0x9D0]  }
0xde: {  	v16 =	vld [tilespmem:$0x470]  }
0xdf: {  	v17 =	vld [tilespmem:$0xAF0]  }
0xe0: {  	v20 =	vld [tilespmem:$0x480];
	v0 =	vadd.s32 v0, v56  }
0xe1: {  	[tilespmem:$0x1040] =	vst v0;
	v0 =	vld [tilespmem:$0x1FF80]  }
0xe2: {  	[tilespmem:$0x1FF90] =	vst v59;
	v59 =	vld [tilespmem:$0x360]  }
0xe3: {  	v57 =	vld [tilespmem:$0x1FF90]  }
0xe4: {  	v21 =	vld [tilespmem:$0xB00]  }
0xe5: {  	v22 =	vld [tilespmem:$0x490]  }
0xe6: {  	v23 =	vld [tilespmem:$0xB10]  }
0xe7: {  	v24 =	vld [tilespmem:$0x4A0]  }
0xe8: {  	[tilespmem:$0x1FFA0] =	vst v59;
	v59 =	vld [tilespmem:$0x9E0];
	v0 =	vadd.s32 v0, v57  }
0xe9: {  	[tilespmem:$0x1050] =	vst v0;
	v0 =	vld [tilespmem:$0x1FFA0]  }
0xea: {  	v25 =	vld [tilespmem:$0xB20]  }
0xeb: {  	v26 =	vld [tilespmem:$0x4B0]  }
0xec: {  	v27 =	vld [tilespmem:$0xB30]  }
0xed: {  	v58 =	vld [tilespmem:$0x1FFC0]  }
0xee: {  	v62 =	vld [tilespmem:$0xBC0];
	v0 =	vadd.s32 v0, v59  }
0xef: {  	[tilespmem:$0x1060] =	vst v0;
	v0 =	vld [tilespmem:$0x1FFB0]  }
0xf0: {  	v63 =	vld [tilespmem:$0xBD0]  }
0xf1: {  	v30 =	vld [tilespmem:$0x4C0]  }
0xf2: {  	v31 =	vld [tilespmem:$0xB40]  }
0xf3: {  	v32 =	vld [tilespmem:$0x4D0]  }
0xf4: {  	v59 =	vld [tilespmem:$0x1FFE0];
	v0 =	vadd.s32 v0, v58  }
0xf5: {  	[tilespmem:$0x1070] =	vst v0;
	v0 =	vld [tilespmem:$0x1FFD0]  }
0xf6: {  	v33 =	vld [tilespmem:$0xB50]  }
0xf7: {  	v34 =	vld [tilespmem:$0x4E0]  }
0xf8: {  	v35 =	vld [tilespmem:$0xB60]  }
0xf9: {  	v38 =	vld [tilespmem:$0x4F0]  }
0xfa: {  	v39 =	vld [tilespmem:$0xB70];
	v0 =	vadd.s32 v0, v59  }
0xfb: {  	[tilespmem:$0x1080] =	vst v0;
	v0 =	vld [tilespmem:$0x1FFF0]  }
0xfc: {  	v40 =	vld [tilespmem:$0x500]  }
0xfd: {  	v41 =	vld [tilespmem:$0xB80]  }
0xfe: {  	v42 =	vld [tilespmem:$0x510]  }
0xff: {  	v43 =	vld [tilespmem:$0xB90]  }
0x100: {  	v46 =	vld [tilespmem:$0x520];
	v0 =	vadd.s32 v0, v28  }
0x101: {  	v47 =	vld [tilespmem:$0xBA0];
	[tilespmem:$0x1090] =	vst v0;
	v0 =	vadd.s32 v29, v36  }
0x102: {  	v48 =	vld [tilespmem:$0xC10];
	[tilespmem:$0x10A0] =	vst v0;
	v0 =	vadd.s32 v37, v44  }
0x103: {  	v49 =	vld [tilespmem:$0x5A0];
	[tilespmem:$0x10B0] =	vst v0;
	v0 =	vadd.s32 v45, v52  }
0x104: {  	v50 =	vld [tilespmem:$0xC20];
	[tilespmem:$0x10C0] =	vst v0;
	v0 =	vadd.s32 v53, v60  }
0x105: {  	v51 =	vld [tilespmem:$0x5B0];
	[tilespmem:$0x10D0] =	vst v0;
	v0 =	vadd.s32 v61, v18  }
0x106: {  	v54 =	vld [tilespmem:$0xC40];
	[tilespmem:$0x10E0] =	vst v0;
	v0 =	vadd.s32 v19, v10  }
0x107: {  	v55 =	vld [tilespmem:$0x5D0];
	[tilespmem:$0x10F0] =	vst v0;
	v0 =	vadd.s32 v11, v2  }
0x108: {  	v56 =	vld [tilespmem:$0xC50];
	[tilespmem:$0x1100] =	vst v0;
	v0 =	vadd.s32 v3, v1  }
0x109: {  	v57 =	vld [tilespmem:$0x5E0];
	[tilespmem:$0x1110] =	vst v0;
	v0 =	vadd.s32 v4, v5  }
0x10a: {  	v58 =	vld [tilespmem:$0xC60];
	[tilespmem:$0x1120] =	vst v0;
	v0 =	vadd.s32 v6, v7  }
0x10b: {  	v59 =	vld [tilespmem:$0x5F0];
	[tilespmem:$0x1130] =	vst v0;
	v0 =	vadd.s32 v8, v9  }
0x10c: {  	v28 =	vld [tilespmem:$0x530];
	[tilespmem:$0x1140] =	vst v0;
	v0 =	vadd.s32 v12, v13  }
0x10d: {  	v29 =	vld [tilespmem:$0xBB0];
	[tilespmem:$0x1150] =	vst v0;
	v0 =	vadd.s32 v14, v15  }
0x10e: {  	v36 =	vld [tilespmem:$0x540];
	[tilespmem:$0x1160] =	vst v0;
	v0 =	vadd.s32 v16, v17  }
0x10f: {  	v44 =	vld [tilespmem:$0x550];
	[tilespmem:$0x1170] =	vst v0;
	v0 =	vadd.s32 v20, v21  }
0x110: {  	v45 =	vld [tilespmem:$0x590];
	[tilespmem:$0x1180] =	vst v0;
	v0 =	vadd.s32 v22, v23  }
0x111: {  	v52 =	vld [tilespmem:$0xC30];
	[tilespmem:$0x1190] =	vst v0;
	v0 =	vadd.s32 v24, v25  }
0x112: {  	v53 =	vld [tilespmem:$0x5C0];
	[tilespmem:$0x11A0] =	vst v0;
	v0 =	vadd.s32 v26, v27  }
0x113: {  	v60 =	vld [tilespmem:$0xC70];
	[tilespmem:$0x11B0] =	vst v0;
	v0 =	vadd.s32 v30, v31  }
0x114: {  	v61 =	vld [tilespmem:$0x600];
	[tilespmem:$0x11C0] =	vst v0;
	v0 =	vadd.s32 v32, v33  }
0x115: {  	v10 =	vld [tilespmem:$0x560];
	[tilespmem:$0x11D0] =	vst v0;
	v0 =	vadd.s32 v34, v35  }
0x116: {  	v2 =	vld [tilespmem:$0xBE0];
	[tilespmem:$0x11E0] =	vst v0;
	v0 =	vadd.s32 v38, v39  }
0x117: {  	v1 =	vld [tilespmem:$0x570];
	[tilespmem:$0x11F0] =	vst v0;
	v0 =	vadd.s32 v40, v41  }
0x118: {  	v3 =	vld [tilespmem:$0xBF0];
	[tilespmem:$0x1200] =	vst v0;
	v0 =	vadd.s32 v42, v43  }
0x119: {  	v4 =	vld [tilespmem:$0x580];
	[tilespmem:$0x1210] =	vst v0;
	v0 =	vadd.s32 v46, v47  }
0x11a: {  	v5 =	vld [tilespmem:$0xC00];
	[tilespmem:$0x1220] =	vst v0;
	v0 =	vadd.s32 v28, v29  }
0x11b: {  	v24 =	vld [tilespmem:$0x630];
	[tilespmem:$0x1230] =	vst v0;
	v0 =	vadd.s32 v36, v62  }
0x11c: {  	v25 =	vld [tilespmem:$0xCB0];
	[tilespmem:$0x1240] =	vst v0;
	v0 =	vadd.s32 v44, v63  }
0x11d: {  	v26 =	vld [tilespmem:$0x640];
	[tilespmem:$0x1250] =	vst v0;
	v0 =	vadd.s32 v10, v2  }
0x11e: {  	v27 =	vld [tilespmem:$0xCC0];
	[tilespmem:$0x1260] =	vst v0;
	v0 =	vadd.s32 v1, v3  }
0x11f: {  	v30 =	vld [tilespmem:$0x660];
	[tilespmem:$0x1270] =	vst v0;
	v0 =	vadd.s32 v4, v5  }
0x120: {  	v62 =	vld [tilespmem:$0xC80];
	[tilespmem:$0x1280] =	vst v0;
	v0 =	vadd.s32 v45, v48  }
0x121: {  	v63 =	vld [tilespmem:$0x610];
	[tilespmem:$0x1290] =	vst v0;
	v0 =	vadd.s32 v49, v50  }
0x122: {  	v2 =	vld [tilespmem:$0xC90];
	[tilespmem:$0x12A0] =	vst v0;
	v0 =	vadd.s32 v51, v52  }
0x123: {  	v1 =	vld [tilespmem:$0x620];
	[tilespmem:$0x12B0] =	vst v0;
	v0 =	vadd.s32 v53, v54  }
0x124: {  	v3 =	vld [tilespmem:$0xCA0];
	[tilespmem:$0x12C0] =	vst v0;
	v0 =	vadd.s32 v55, v56  }
0x125: {  	v31 =	vld [tilespmem:$0xCE0];
	[tilespmem:$0x12D0] =	vst v0;
	v0 =	vadd.s32 v57, v58  }
0x126: {  	v28 =	vld [tilespmem:$0x650];
	[tilespmem:$0x12E0] =	vst v0;
	v0 =	vadd.s32 v59, v60  }
0x127: {  	v29 =	vld [tilespmem:$0xCD0];
	[tilespmem:$0x12F0] =	vst v0;
	v0 =	vadd.s32 v61, v62  }
0x128: {  	[tilespmem:$0x1300] =	vst v0;
	v0 =	vadd.s32 v63, v2;
	v2 =	vld [tilespmem:$0x670]  }
0x129: {  	[tilespmem:$0x1310] =	vst v0;
	v0 =	vadd.s32 v1, v3;
	v1 =	vld [tilespmem:$0xCF0]  }
0x12a: {  	[tilespmem:$0x1320] =	vst v0;
	v0 =	vadd.s32 v24, v25  }
0x12b: {  	[tilespmem:$0x1330] =	vst v0;
	v0 =	vadd.s32 v26, v27  }
0x12c: {  	[tilespmem:$0x1340] =	vst v0;
	v0 =	vadd.s32 v28, v29  }
0x12d: {  	[tilespmem:$0x1350] =	vst v0;
	v0 =	vadd.s32 v30, v31  }
0x12e: {  	[tilespmem:$0x1360] =	vst v0;
	v0 =	vadd.s32 v2, v1  }
0x12f: {  	s19 =	simm.s32 $0x1380;
	s18 =	simm.s32 $0xD00;
	[tilespmem:$0x1370] =	vst v0  }
0x130: {  	[tilespmem:s19], [sflag:$0x1] =	stream.indirect.gather [hbm4b:s6+s11], $0x20, s18, s11, $0xb8;
	[tilespmem:$0xEB80] =	vst v63  }
0x131: {  	s18 =	simm.s32 $0xD80;
	s19 =	simm.s32 $0x2380  }
0x132: {  	[tilespmem:s19], [sflag:$0x1] =	stream.indirect.gather [hbm4b:s6+s11], $0x20, s18, s11, $0xb8;
	[tilespmem:$0xEB80] =	vst v63  }
0x133: {  	s18 =	simm.s32 $0xE00;
	s19 =	simm.s32 $0x3380  }
0x134: {  	[tilespmem:s19], [sflag:$0x1] =	stream.indirect.gather [hbm4b:s6+s11], $0x20, s18, s11, $0xb8;
	[tilespmem:$0xEB80] =	vst v63  }
0x135: {  	s18 =	simm.s32 $0xE80;
	s19 =	simm.s32 $0x4380  }
0x136: {  	[tilespmem:s19], [sflag:$0x1] =	stream.indirect.gather [hbm4b:s6+s11], $0x20, s18, s11, $0xb8;
	[tilespmem:$0xEB80] =	vst v63  }
0x137: {  	_ = 	snop  }
0x138: {  	[tilespmem:s21], [sflag:$0x1] =	stream.indirect.gather [hbm4b:s6+s11], $0x20, s20, s11, $0xb8;
	[tilespmem:$0xEB80] =	vst v63  }
0x139: {  	_ = 	snop  }
0x13a: {  	[tilespmem:s23], [sflag:$0x1] =	stream.indirect.gather [hbm4b:s6+s11], $0x20, s22, s11, $0xb8;
	[tilespmem:$0xEB80] =	vst v63  }
0x13b: {  	_ = 	snop  }
0x13c: {  	[tilespmem:s25], [sflag:$0x1] =	stream.indirect.gather [hbm4b:s6+s11], $0x20, s24, s11, $0xb8;
	[tilespmem:$0xEB80] =	vst v63  }
0x13d: {  	_ = 	snop  }
0x13e: {  	[tilespmem:s28], [sflag:$0x1] =	stream.indirect.gather [hbm4b:s6+s11], $0x20, s26, s11, $0xb8;
	[tilespmem:$0xEB80] =	vst v63  }
0x13f: {  	_ = 	snop  }
0x140: {  	[tilespmem:s30], [sflag:$0x1] =	stream.indirect.gather [hbm4b:s6+s11], $0x20, s29, s11, $0xb8;
	[tilespmem:$0xEB80] =	vst v63  }
0x141: {  	_ = 	snop  }
0x142: {  	[tilespmem:s0], [sflag:$0x1] =	stream.indirect.gather [hbm4b:s6+s11], $0x20, s31, s11, $0xb8;
	[tilespmem:$0xEB80] =	vst v63  }
0x143: {  	_ = 	snop  }
0x144: {  	[tilespmem:s9], [sflag:$0x1] =	stream.indirect.gather [hbm4b:s6+s11], $0x20, s3, s11, $0xb8;
	[tilespmem:$0xEB80] =	vst v63  }
0x145: {  	_ = 	snop  }
0x146: {  	[tilespmem:s8], [sflag:$0x1] =	stream.indirect.gather [hbm4b:s6+s11], $0x20, s5, s11, $0xb8;
	[tilespmem:$0xEB80] =	vst v63  }
0x147: {  	_ = 	snop  }
0x148: {  	[tilespmem:s12], [sflag:$0x1] =	stream.indirect.gather [hbm4b:s6+s11], $0x20, s1, s11, $0xb8;
	[tilespmem:$0xEB80] =	vst v63  }
0x149: {  	_ =	swait.ge [sflag:s13], $0x1000  }
0x14a: {  	[sflag:s13] =	ssyncset.done $0x0  }
0x14b: {  	[sflag:s13] =	ssyncadd.s32 $0xFFFFF000  }
0x14c: {  	_ =	swait.ge [sflag:s13], $0x1000  }
0x14d: {  	[sflag:s13] =	ssyncset.done $0x0  }
0x14e: {  	[sflag:s13] =	ssyncadd.s32 $0xFFFFF000  }
0x14f: {  	_ =	swait.ge [sflag:s13], $0x1000  }
0x150: {  	[sflag:s13] =	ssyncset.done $0x0  }
0x151: {  	[sflag:s13] =	ssyncadd.s32 $0xFFFFF000  }
0x152: {  	_ =	swait.ge [sflag:s13], $0x1000  }
0x153: {  	[sflag:s13] =	ssyncset.done $0x0  }
0x154: {  	[sflag:s13] =	ssyncadd.s32 $0xFFFFF000  }
0x155: {  	_ =	swait.ge [sflag:s13], $0x1000  }
0x156: {  	[sflag:s13] =	ssyncset.done $0x0  }
0x157: {  	[sflag:s13] =	ssyncadd.s32 $0xFFFFF000  }
0x158: {  	_ =	swait.ge [sflag:s13], $0x1000  }
0x159: {  	[sflag:s13] =	ssyncset.done $0x0  }
0x15a: {  	[sflag:s13] =	ssyncadd.s32 $0xFFFFF000  }
0x15b: {  	_ =	swait.ge [sflag:s13], $0x1000  }
0x15c: {  	[sflag:s13] =	ssyncset.done $0x0  }
0x15d: {  	[sflag:s13] =	ssyncadd.s32 $0xFFFFF000  }
0x15e: {  	_ =	swait.ge [sflag:s13], $0x1000  }
0x15f: {  	[sflag:s13] =	ssyncset.done $0x0  }
0x160: {  	[sflag:s13] =	ssyncadd.s32 $0xFFFFF000  }
0x161: {  	_ =	swait.ge [sflag:s13], $0x1000  }
0x162: {  	[sflag:s13] =	ssyncset.done $0x0  }
0x163: {  	[sflag:s13] =	ssyncadd.s32 $0xFFFFF000  }
0x164: {  	_ =	swait.ge [sflag:s13], $0x1000  }
0x165: {  	[sflag:s13] =	ssyncset.done $0x0  }
0x166: {  	[sflag:s13] =	ssyncadd.s32 $0xFFFFF000  }
0x167: {  	_ =	swait.ge [sflag:s13], $0x1000  }
0x168: {  	[sflag:s13] =	ssyncset.done $0x0  }
0x169: {  	[sflag:s13] =	ssyncadd.s32 $0xFFFFF000  }
0x16a: {  	_ =	swait.ge [sflag:s13], $0x1000  }
0x16b: {  	[sflag:s13] =	ssyncset.done $0x0  }
0x16c: {  	[sflag:s13] =	ssyncadd.s32 $0xFFFFF000  }
0x16d: {  	_ =	swait.ge [sflag:s13], $0x1000  }
0x16e: {  	[sflag:s13] =	ssyncset.done $0x0  }
0x16f: {  	s17 =	simm.s32 $0x1520;
	[sflag:s13] =	ssyncadd.s32 $0xFFFFF000  }
0x170: {  	v0 =	vld [tilespmem:s17+$0xFFFFFE90]  }
0x171: {  	v1 =	vld [tilespmem:s17+$0xFFFFFE60]  }
0x172: {  	v2 =	vld [tilespmem:s17+$0xFFFFFE80]  }
0x173: {  	v3 =	vld [tilespmem:s17+$0xFFFFFE70]  }
0x174: {  	v32 =	vld [tilespmem:s17+$0xFFFFFEA0]  }
0x175: {  	v33 =	vld [tilespmem:s17+$0xFFFFFEB0]  }
0x176: {  	v34 =	vld [tilespmem:s17+$0xFFFFFEC0]  }
0x177: {  	v35 =	vld [tilespmem:s17+$0xFFFFFEE0];
	v1 =	vadd.f32 v2, v1  }
0x178: {  	v2 =	vld [tilespmem:s17+$0xFFFFFED0]  }
0x179: {  	v36 =	vld [tilespmem:s17+$0xFFFFFF00];
	v0 =	vadd.f32 v0, v3;
	v1 =	vadd.f32 v32, v1  }
0x17a: {  	v3 =	vld [tilespmem:s17+$0xFFFFFEF0]  }
0x17b: {  	v37 =	vld [tilespmem:s17+$0xFFFFFF10];
	v0 =	vadd.f32 v33, v0;
	v1 =	vadd.f32 v34, v1  }
0x17c: {  	v38 =	vld [tilespmem:s17+$0xFFFFFF20]  }
0x17d: {  	v39 =	vld [tilespmem:s17+$0xFFFFFF40];
	v0 =	vadd.f32 v2, v0;
	v1 =	vadd.f32 v35, v1  }
0x17e: {  	v2 =	vld [tilespmem:s17+$0xFFFFFF30]  }
0x17f: {  	v40 =	vld [tilespmem:s17+$0xFFFFFF60];
	v0 =	vadd.f32 v3, v0;
	v1 =	vadd.f32 v36, v1  }
0x180: {  	v3 =	vld [tilespmem:s17+$0xFFFFFF50]  }
0x181: {  	v41 =	vld [tilespmem:s17+$0xFFFFFF70];
	v0 =	vadd.f32 v37, v0;
	v1 =	vadd.f32 v38, v1  }
0x182: {  	v42 =	vld [tilespmem:s17+$0xFFFFFF80]  }
0x183: {  	v43 =	vld [tilespmem:s17+$0xFFFFFFA0];
	v0 =	vadd.f32 v2, v0;
	v1 =	vadd.f32 v39, v1  }
0x184: {  	v2 =	vld [tilespmem:s17+$0xFFFFFF90]  }
0x185: {  	v44 =	vld [tilespmem:s17+$0xFFFFFFC0];
	v0 =	vadd.f32 v3, v0;
	v1 =	vadd.f32 v40, v1  }
0x186: {  	v3 =	vld [tilespmem:s17+$0xFFFFFFB0]  }
0x187: {  	v45 =	vld [tilespmem:s17+$0xFFFFFFD0];
	v0 =	vadd.f32 v41, v0;
	v1 =	vadd.f32 v42, v1  }
0x188: {  	v46 =	vld [tilespmem:s17+$0xFFFFFFE0]  }
0x189: {  	v47 =	vld [tilespmem:s17+$0x0];
	v0 =	vadd.f32 v2, v0;
	v1 =	vadd.f32 v43, v1  }
0x18a: {  	v2 =	vld [tilespmem:s17+$0xFFFFFFF0]  }
0x18b: {  	v48 =	vld [tilespmem:s17+$0x20];
	v0 =	vadd.f32 v3, v0;
	v1 =	vadd.f32 v44, v1  }
0x18c: {  	v3 =	vld [tilespmem:s17+$0x10]  }
0x18d: {  	v49 =	vld [tilespmem:s17+$0x30];
	v0 =	vadd.f32 v45, v0;
	v1 =	vadd.f32 v46, v1  }
0x18e: {  	v50 =	vld [tilespmem:s17+$0x40]  }
0x18f: {  	v51 =	vld [tilespmem:s17+$0x60];
	v0 =	vadd.f32 v2, v0;
	v1 =	vadd.f32 v47, v1  }
0x190: {  	v2 =	vld [tilespmem:s17+$0x50]  }
0x191: {  	v52 =	vld [tilespmem:s17+$0x80];
	v0 =	vadd.f32 v3, v0;
	v1 =	vadd.f32 v48, v1  }
0x192: {  	v3 =	vld [tilespmem:s17+$0x70]  }
0x193: {  	v53 =	vld [tilespmem:s17+$0x90];
	v0 =	vadd.f32 v49, v0;
	v1 =	vadd.f32 v50, v1  }
0x194: {  	v54 =	vld [tilespmem:s17+$0xA0]  }
0x195: {  	v55 =	vld [tilespmem:s17+$0xC0];
	v0 =	vadd.f32 v2, v0;
	v1 =	vadd.f32 v51, v1  }
0x196: {  	v2 =	vld [tilespmem:s17+$0xB0]  }
0x197: {  	v56 =	vld [tilespmem:s17+$0xE0];
	v0 =	vadd.f32 v3, v0;
	v1 =	vadd.f32 v52, v1  }
0x198: {  	v3 =	vld [tilespmem:s17+$0xD0]  }
0x199: {  	v57 =	vld [tilespmem:s17+$0xF0];
	v0 =	vadd.f32 v53, v0;
	v1 =	vadd.f32 v54, v1  }
0x19a: {  	v58 =	vld [tilespmem:s17+$0x100]  }
0x19b: {  	v59 =	vld [tilespmem:s17+$0x120];
	v0 =	vadd.f32 v2, v0;
	v1 =	vadd.f32 v55, v1  }
0x19c: {  	v2 =	vld [tilespmem:s17+$0x110]  }
0x19d: {  	v60 =	vld [tilespmem:s17+$0x140];
	v0 =	vadd.f32 v3, v0;
	v1 =	vadd.f32 v56, v1  }
0x19e: {  	v3 =	vld [tilespmem:s17+$0x130]  }
0x19f: {  	v61 =	vld [tilespmem:s17+$0x150];
	v0 =	vadd.f32 v57, v0;
	v1 =	vadd.f32 v58, v1  }
0x1a0: {  	v62 =	vld [tilespmem:s17+$0x160]  }
0x1a1: {  	v63 =	vld [tilespmem:s17+$0x180];
	v0 =	vadd.f32 v2, v0;
	v1 =	vadd.f32 v59, v1  }
0x1a2: {  	v2 =	vld [tilespmem:s17+$0x170]  }
0x1a3: {  	v0 =	vadd.f32 v3, v0;
	v1 =	vadd.f32 v60, v1  }
0x1a4: {  	v3 =	vld [tilespmem:s17+$0x190]  }
0x1a5: {  	v0 =	vadd.f32 v61, v0;
	v1 =	vadd.f32 v62, v1;
	_ =	sdelay $0x1  }
0x1a6: {  	v0 =	vadd.f32 v2, v0;
	v1 =	vadd.f32 v63, v1  }
0x1a7: {  	s19 =	simm.s32 $0x0  }
0x1a8: {  	s18 =	simm.s32 $0x80;
	v0 =	vadd.f32 v3, v0;
	[tilespmem:s19+$0xE380] =	vst v1  }
.LBB2_3:
0x1a9: {  	p0 =	sne.s32 s18, $0x1F80  }
0x1aa: {  	[tilespmem:s19+$0xE390] =	vst v0;
	s17 =	sadd.s32 $0x340, s17;
	s19 =	smov.u32 s18;
	s18 =	sadd.s32 $0x80, s18  }
0x1ab: {  	v0 =	vld [tilespmem:s17+$0xFFFFFE90]  }
0x1ac: {  	v1 =	vld [tilespmem:s17+$0xFFFFFE60]  }
0x1ad: {  	v2 =	vld [tilespmem:s17+$0xFFFFFE80]  }
0x1ae: {  	v3 =	vld [tilespmem:s17+$0xFFFFFE70]  }
0x1af: {  	v4 =	vld [tilespmem:s17+$0xFFFFFEA0]  }
0x1b0: {  	v5 =	vld [tilespmem:s17+$0xFFFFFEB0]  }
0x1b1: {  	v6 =	vld [tilespmem:s17+$0xFFFFFEC0]  }
0x1b2: {  	v1 =	vadd.f32 v2, v1;
	v2 =	vld [tilespmem:s17+$0xFFFFFED0]  }
0x1b3: {  	v0 =	vadd.f32 v0, v3;
	v3 =	vld [tilespmem:s17+$0xFFFFFEE0]  }
0x1b4: {  	v1 =	vadd.f32 v4, v1;
	v4 =	vld [tilespmem:s17+$0xFFFFFEF0]  }
0x1b5: {  	v0 =	vadd.f32 v5, v0;
	v5 =	vld [tilespmem:s17+$0xFFFFFF00]  }
0x1b6: {  	v1 =	vadd.f32 v6, v1;
	v6 =	vld [tilespmem:s17+$0xFFFFFF10]  }
0x1b7: {  	v0 =	vadd.f32 v2, v0;
	v2 =	vld [tilespmem:s17+$0xFFFFFF20]  }
0x1b8: {  	v1 =	vadd.f32 v3, v1;
	v3 =	vld [tilespmem:s17+$0xFFFFFF30]  }
0x1b9: {  	v0 =	vadd.f32 v4, v0;
	v4 =	vld [tilespmem:s17+$0xFFFFFF40]  }
0x1ba: {  	v1 =	vadd.f32 v5, v1;
	v5 =	vld [tilespmem:s17+$0xFFFFFF50]  }
0x1bb: {  	v0 =	vadd.f32 v6, v0;
	v6 =	vld [tilespmem:s17+$0xFFFFFF60]  }
0x1bc: {  	v1 =	vadd.f32 v2, v1;
	v2 =	vld [tilespmem:s17+$0xFFFFFF70]  }
0x1bd: {  	v0 =	vadd.f32 v3, v0;
	v3 =	vld [tilespmem:s17+$0xFFFFFF80]  }
0x1be: {  	v1 =	vadd.f32 v4, v1;
	v4 =	vld [tilespmem:s17+$0xFFFFFF90]  }
0x1bf: {  	v0 =	vadd.f32 v5, v0;
	v5 =	vld [tilespmem:s17+$0xFFFFFFA0]  }
0x1c0: {  	v1 =	vadd.f32 v6, v1;
	v6 =	vld [tilespmem:s17+$0xFFFFFFB0]  }
0x1c1: {  	v0 =	vadd.f32 v2, v0;
	v2 =	vld [tilespmem:s17+$0xFFFFFFC0]  }
0x1c2: {  	v1 =	vadd.f32 v3, v1;
	v3 =	vld [tilespmem:s17+$0xFFFFFFD0]  }
0x1c3: {  	v0 =	vadd.f32 v4, v0;
	v4 =	vld [tilespmem:s17+$0xFFFFFFE0]  }
0x1c4: {  	v1 =	vadd.f32 v5, v1;
	v5 =	vld [tilespmem:s17+$0xFFFFFFF0]  }
0x1c5: {  	v0 =	vadd.f32 v6, v0;
	v6 =	vld [tilespmem:s17+$0x0]  }
0x1c6: {  	v1 =	vadd.f32 v2, v1;
	v2 =	vld [tilespmem:s17+$0x10]  }
0x1c7: {  	v0 =	vadd.f32 v3, v0;
	v3 =	vld [tilespmem:s17+$0x20]  }
0x1c8: {  	v1 =	vadd.f32 v4, v1;
	v4 =	vld [tilespmem:s17+$0x30]  }
0x1c9: {  	v0 =	vadd.f32 v5, v0;
	v5 =	vld [tilespmem:s17+$0x40]  }
0x1ca: {  	v1 =	vadd.f32 v6, v1;
	v6 =	vld [tilespmem:s17+$0x50]  }
0x1cb: {  	v0 =	vadd.f32 v2, v0;
	v2 =	vld [tilespmem:s17+$0x60]  }
0x1cc: {  	v1 =	vadd.f32 v3, v1;
	v3 =	vld [tilespmem:s17+$0x70]  }
0x1cd: {  	v0 =	vadd.f32 v4, v0;
	v4 =	vld [tilespmem:s17+$0x80]  }
0x1ce: {  	v1 =	vadd.f32 v5, v1;
	v5 =	vld [tilespmem:s17+$0x90]  }
0x1cf: {  	v0 =	vadd.f32 v6, v0;
	v6 =	vld [tilespmem:s17+$0xA0]  }
0x1d0: {  	v1 =	vadd.f32 v2, v1;
	v2 =	vld [tilespmem:s17+$0xB0]  }
0x1d1: {  	v0 =	vadd.f32 v3, v0;
	v3 =	vld [tilespmem:s17+$0xC0]  }
0x1d2: {  	v1 =	vadd.f32 v4, v1;
	v4 =	vld [tilespmem:s17+$0xD0]  }
0x1d3: {  	v0 =	vadd.f32 v5, v0;
	v5 =	vld [tilespmem:s17+$0xE0]  }
0x1d4: {  	v1 =	vadd.f32 v6, v1;
	v6 =	vld [tilespmem:s17+$0xF0]  }
0x1d5: {  	v0 =	vadd.f32 v2, v0;
	v2 =	vld [tilespmem:s17+$0x100]  }
0x1d6: {  	v1 =	vadd.f32 v3, v1;
	v3 =	vld [tilespmem:s17+$0x110]  }
0x1d7: {  	v0 =	vadd.f32 v4, v0;
	v4 =	vld [tilespmem:s17+$0x120]  }
0x1d8: {  	v1 =	vadd.f32 v5, v1;
	v5 =	vld [tilespmem:s17+$0x130]  }
0x1d9: {  	v0 =	vadd.f32 v6, v0;
	v6 =	vld [tilespmem:s17+$0x140]  }
0x1da: {  	v1 =	vadd.f32 v2, v1;
	v2 =	vld [tilespmem:s17+$0x150]  }
0x1db: {  	v0 =	vadd.f32 v3, v0;
	v3 =	vld [tilespmem:s17+$0x160]  }
0x1dc: {  	v1 =	vadd.f32 v4, v1;
	v4 =	vld [tilespmem:s17+$0x170]  }
0x1dd: {  	v0 =	vadd.f32 v5, v0;
	v5 =	vld [tilespmem:s17+$0x180]  }
0x1de: {  	v1 =	vadd.f32 v6, v1;
	v6 =	vld [tilespmem:s17+$0x190]  }
0x1df: {  	v0 =	vadd.f32 v2, v0  }
.Ltmp0:
0x1e0: {  	v1 =	vadd.f32 v3, v1;
	(pc) =	sbr.rel @p0 .LBB2_3-.Ltmp0, $4  }
0x1e1: {  	v0 =	vadd.f32 v4, v0  }
0x1e2: {  	v1 =	vadd.f32 v5, v1  }
0x1e3: {  	s19 =	sshra.s32 s19, $0x2;
	v0 =	vadd.f32 v6, v0  }
0x1e4: {  	[tilespmem:s19+$0xE380] =	vst v1  }
0x1e5: {  	s15 =	sadd.s32 $0x1, s15  }
0x1e6: {  	s16 =	sshll.u32 s16, $0x2;
	s17 =	rddreg [dreg:$0x1];
	p0 =	sne.s32 s15, $0x8  }
.Ltmp1:
0x1e7: {  	[tilespmem:s19+$0xE390] =	vst v0;
	s16 =	sadd.s32 s17, s16;
	(pc) =	sbr.rel @p0 .LBB2_2-.Ltmp1, $4  }
0x1e8: {  	[hbm4b:s16+s2] =	stream.linear.scatter [tilespmem:s14], [sflag:$0x2], $0x800, $0x38;
	[tilespmem:$0xEB80] =	vst v63  }
0x1e9: {  	_ =	swait.ge [sflag:s10], $0x800  }
0x1ea: {  	[sflag:s10] =	ssyncset.done $0x0  }
0x1eb: {  	[sflag:s10] =	ssyncadd.s32 $0xFFFFF800  }
0x1ec: {  	s16 =	rddreg [dreg:$0x5]  }
0x1ed: {  	s15 =	rddreg [dreg:$0x4];
	s16 =	sadd.s32 $0x1, s16  }
0x1ee: {  	p0 =	sne.s32 s16, s15  }
.Ltmp2:
0x1ef: {  	_ = 	snop;
	(pc) =	sbr.rel @p0 .LBB2_1-.Ltmp2, $1  }
0x1f0: {  	_ =	sdelay $0x3  }
0x1f1: {  	_ =	sfence.sel $0x180000  }
0x1f2: {  	[bflag:$0x0] =	sbarrier.arrive $0xFFFF  }
0x1f3: {  	_ =	strace $0x90000047  }
0x1f4: {  	s0 =	stileid.u32;
	[bflag:$0x2] =	sbarrier.arrive $0xFFFF  }
0x1f5: {  	p0 =	sne.s32 s0, $0x0;
	s0 =	rddreg [dreg:$0x2]  }
0x1f6: {  	s0 =	sadd.s32 @!p0 $0x100000, s0  }
0x1f7: {  	[sflag:s0] =	ssyncadd.tile.s32 @!p0 $0x1;
	_ =	shalt  }
.Lfunc_end2:
_tile_overlayer_lowered:
.L_overlay_start_2:
0x1f8: {  	(tag) =	ssettag $0x2  }
0x1f9: {  	s0 =	rddreg [dreg:$0x0];
	s2 =	stileid.u32  }
0x1fa: {  	s1 =	rddreg [dreg:$0x1];
	p0 =	sne.s32 s2, $0x0  }
0x1fb: {  	s3 =	rddreg [dreg:$0x2];
	[bflag:$0x3] =	sbarrier.arrive $0xFFFF;
	s2 =	simm.s32 @!p0 $0x1C02  }
0x1fc: {  	[timem:s3], [sflag:s2] =	dma.local @!p0 [hbm:s0], s1  }
0x1fd: {  	s0 =	simm.s32 @!p0 $0x2  }
0x1fe: {  	_ =	swait.ge @!p0 [sflag:s0], s1  }
0x1ff: {  	s1 =	ssub.s32 @!p0 $0x0, s1;
	[sflag:s0] =	ssyncset.done @!p0 $0x0  }
0x200: {  	[sflag:s0] =	ssyncadd.s32 @!p0 s1  }
0x201: {  	[bflag:$0x3] =	sbarrier.arrive $0xFFFF  }
0x202: {  	_ =	shalt  }

</sc_bundles>
